<compile_context>
chip_gen: v7x
topology: tpu7x:2x2x1
jax: 0.10.2.dev20260603
libtpu: 0.0.44.dev20260713+nightly
codegen_flags: <defaults>
</compile_context>

<pallas_src>
import functools
import math

import jax
import jax.numpy as jnp
from jax import lax
from jax.experimental import pallas as pl
from jax.experimental.pallas import tpu as pltpu
from jax.experimental.pallas import tpu_sc as plsc

N = 10000
E = 320000
D = 128
MIN_C = 1e-4
MAX_C = 10.0

NC = 2
NS = 16
NW = NC * NS

NPAD = 10240
DUMMY = N
BLK = 128
DH = D // 2
PERW = 10240
EP = PERW * NW
PERW2 = EP // NS
NB2 = PERW2 // BLK
TSLICE = NPAD // NS
ZROWS = NPAD // NS // BLK

ROW_BLK = 1024
OUT_BLK = 1000


def _mesh():
    return plsc.VectorSubcoreMesh(
        core_axis_name="c", subcore_axis_name="s",
        num_cores=NC, num_subcores=NS)


def _deg_body(dst_hbm, out_hbm, dstv, hist, tmp, acc, hists_sp):
    c = lax.axis_index("c")
    s = lax.axis_index("s")
    wid = c * NS + s
    pltpu.sync_copy(dst_hbm.at[pl.ds(wid * PERW, PERW)], dstv)

    zeros16 = jnp.zeros((16,), jnp.float32)
    ones16 = jnp.ones((16,), jnp.float32)

    def zero_body(i, _):
        hist[pl.ds(i * 16, 16)] = zeros16
        return 0
    lax.fori_loop(0, NPAD // 16, zero_body, 0)

    def hist_body(i, _):
        idx = dstv[pl.ds(i * 16, 16)]
        plsc.addupdate_scatter(hist, [idx], ones16)
        return 0
    lax.fori_loop(0, PERW // 16, hist_body, 0)

    pltpu.sync_copy(hist, hists_sp.at[s])
    plsc.subcore_barrier()

    base = s * TSLICE
    for j in range(NS):
        pltpu.sync_copy(hists_sp.at[j, pl.ds(base, TSLICE)], tmp.at[j])

    def red_body(k, _):
        v = tmp[0, pl.ds(k * 16, 16)]
        for j in range(1, NS):
            v = v + tmp[j, pl.ds(k * 16, 16)]
        acc[pl.ds(k * 16, 16)] = v
        return 0
    lax.fori_loop(0, TSLICE // 16, red_body, 0)

    pltpu.sync_copy(acc, out_hbm.at[c, pl.ds(base, TSLICE)])


def _deg_call(dst_flat):
    f = pl.kernel(
        _deg_body,
        out_type=jax.ShapeDtypeStruct((NC, NPAD), jnp.float32),
        mesh=_mesh(),
        compiler_params=pltpu.CompilerParams(needs_layout_passes=False),
        scratch_types=[
            pltpu.VMEM((PERW,), jnp.int32),
            pltpu.VMEM((NPAD,), jnp.float32),
            pltpu.VMEM((NS, TSLICE), jnp.float32),
            pltpu.VMEM((TSLICE,), jnp.float32),
            pltpu.VMEM_SHARED((NS, NPAD), jnp.float32),
        ],
    )
    return f(dst_flat)


NBUF = 2
NGRP = NB2 // NBUF


def _edge_body(src_hbm, dst_hbm, g3_hbm, out_hbm,
               srcv, dstv, bufs, s_sp, sem_g, sem_s):
    c = lax.axis_index("c")
    s = lax.axis_index("s")
    pltpu.sync_copy(src_hbm.at[pl.ds(s * NB2, NB2)], srcv)
    pltpu.sync_copy(dst_hbm.at[pl.ds(s * NB2, NB2)], dstv)
    gh = g3_hbm.at[c]
    dummy = gh.at[pl.ds(0, BLK)]

    zeros16 = jnp.zeros((16,), jnp.float32)
    buf0 = bufs.at[0]

    def zero_body(i, _):
        for k in range(DH // 16):
            bufs[0, i, pl.ds(k * 16, 16)] = zeros16
        return 0
    lax.fori_loop(0, BLK, zero_body, 0)

    base = s * (NPAD // NS)
    for j in range(ZROWS):
        pltpu.sync_copy(buf0, s_sp.at[pl.ds(base + j * BLK, BLK)])
    plsc.subcore_barrier()

    for half in range(2):
        for b in range(NBUF):
            pltpu.async_copy(gh.at[srcv.at[half * NBUF + b]],
                             bufs.at[half * NBUF + b], sem_g)

    @pl.loop(0, NGRP, step=2)
    def outer(g):
        for half in range(2):
            gg = g + half
            bb = half * NBUF
            for b in range(NBUF):
                pltpu.make_async_copy(dummy, bufs.at[bb + b], sem_g).wait()
            for b in range(NBUF):
                pltpu.async_copy(bufs.at[bb + b],
                                 s_sp.at[dstv.at[gg * NBUF + b]], sem_s,
                                 add=True)
            for b in range(NBUF):
                pltpu.make_async_copy(dummy, bufs.at[bb + b], sem_s).wait()

            @pl.when(gg + 2 < NGRP)
            def _():
                for b in range(NBUF):
                    pltpu.async_copy(gh.at[srcv.at[(gg + 2) * NBUF + b]],
                                     bufs.at[bb + b], sem_g)

    plsc.subcore_barrier()
    rows = NPAD // NS
    pltpu.sync_copy(s_sp.at[pl.ds(base, rows)],
                    out_hbm.at[c, pl.ds(base, rows)])


def _edge_call(src2, dst2, g3):
    f = pl.kernel(
        _edge_body,
        out_type=jax.ShapeDtypeStruct((NC, NPAD, DH), jnp.float32),
        mesh=_mesh(),
        compiler_params=pltpu.CompilerParams(use_tc_tiling_on_sc=False),
        scratch_types=[
            pltpu.VMEM((NB2, BLK), jnp.int32),
            pltpu.VMEM((NB2, BLK), jnp.int32),
            pltpu.VMEM((2 * NBUF, BLK, DH), jnp.float32),
            pltpu.VMEM_SHARED((NPAD, DH), jnp.float32),
            pltpu.SemaphoreType.DMA,
            pltpu.SemaphoreType.DMA,
        ],
    )
    return f(src2, dst2, g3)


def _pre_body(sc_ref, p_ref, w_ref, d0_ref, d1_ref, g_ref, uself_ref, dinv_ref):
    sqrt_c = sc_ref[0]
    p = p_ref[...]
    col = lax.broadcasted_iota(jnp.int32, (ROW_BLK, D), 1)
    is_space = col > 0
    p0 = p[:, :1]
    ysq = jnp.sum(jnp.where(is_space, p * p, 0.0), axis=1, keepdims=True)
    yn = jnp.maximum(jnp.sqrt(ysq), 1e-12)
    x = jnp.maximum(sqrt_c * p0, 1.0 + 1e-7)
    r = jnp.log(x + jnp.sqrt(x * x - 1.0)) / sqrt_c
    v = jnp.where(is_space, p * (r / yn), 0.0)
    h = jnp.dot(v, w_ref[...], preferred_element_type=jnp.float32)
    dinv = lax.rsqrt(d0_ref[...] + d1_ref[...] + 1.0)
    g = dinv * h
    g_ref[0] = g[:, :DH]
    g_ref[1] = g[:, DH:]
    uself_ref[...] = dinv * g
    dinv_ref[...] = dinv


def _pre_call(sqrt_c, p, W, deg0, deg1):
    grid = NPAD // ROW_BLK
    row = pl.BlockSpec((ROW_BLK, D), lambda i: (i, 0))
    colb = pl.BlockSpec((ROW_BLK, 1), lambda i: (i, 0))
    return pl.pallas_call(
        _pre_body,
        grid=(grid,),
        in_specs=[
            pl.BlockSpec(memory_space=pltpu.SMEM),
            row,
            pl.BlockSpec((D, D), lambda i: (0, 0)),
            colb,
            colb,
        ],
        out_specs=[
            pl.BlockSpec((NC, ROW_BLK, DH), lambda i: (0, i, 0)),
            row,
            colb,
        ],
        out_shape=[
            jax.ShapeDtypeStruct((NC, NPAD, DH), jnp.float32),
            jax.ShapeDtypeStruct((NPAD, D), jnp.float32),
            jax.ShapeDtypeStruct((NPAD, 1), jnp.float32),
        ],
    )(sqrt_c, p, W, deg0, deg1)


def _post_body(sc_ref, s_ref, uself_ref, dinv_ref, b_ref, out_ref):
    sqrt_c = sc_ref[0]
    ssum = jnp.concatenate([s_ref[0], s_ref[1]], axis=1)
    agg = dinv_ref[...] * ssum + uself_ref[...] + b_ref[...]
    w = jnp.maximum(agg, 0.0)
    col = lax.broadcasted_iota(jnp.int32, (OUT_BLK, D), 1)
    is_space = col > 0
    usq = jnp.sum(jnp.where(is_space, w * w, 0.0), axis=1, keepdims=True)
    un = jnp.maximum(jnp.sqrt(usq), 1e-12)
    a = sqrt_c * un
    ea = jnp.exp(a)
    eia = 1.0 / ea
    time = (ea + eia) * (0.5 / sqrt_c)
    space_fac = (ea - eia) * 0.5 / a
    out_ref[...] = jnp.where(is_space, space_fac * w, time)


def _post_call(sqrt_c, s_pair, uself, dinv, b):
    grid = N // OUT_BLK
    row = pl.BlockSpec((OUT_BLK, D), lambda i: (i, 0))
    return pl.pallas_call(
        _post_body,
        grid=(grid,),
        in_specs=[
            pl.BlockSpec(memory_space=pltpu.SMEM),
            pl.BlockSpec((NC, OUT_BLK, DH), lambda i: (0, i, 0)),
            row,
            pl.BlockSpec((OUT_BLK, 1), lambda i: (i, 0)),
            pl.BlockSpec((1, D), lambda i: (0, 0)),
        ],
        out_specs=row,
        out_shape=jax.ShapeDtypeStruct((N, D), jnp.float32),
    )(sqrt_c, s_pair, uself, dinv, b.reshape(1, D))


def kernel(p, edge_index, W, b, raw_c):
    c = jnp.clip(jax.nn.softplus(raw_c), MIN_C, MAX_C)
    sqrt_c = jnp.sqrt(c).reshape((1,))
    pad = jnp.full((EP - E,), DUMMY, jnp.int32)
    src_flat = jnp.concatenate([edge_index[0], pad])
    dst_flat = jnp.concatenate([edge_index[1], pad])

    deg2 = _deg_call(dst_flat)
    deg0 = deg2[0].reshape(NPAD, 1)
    deg1 = deg2[1].reshape(NPAD, 1)

    g, uself, dinv = _pre_call(sqrt_c, p, W, deg0, deg1)

    s_pair = _edge_call(src_flat.reshape(EP // BLK, BLK),
                        dst_flat.reshape(EP // BLK, BLK), g)

    return _post_call(sqrt_c, s_pair, uself, dinv, b)

# --- scband reference (transcript-rebuilt; emitter-appended) ---
"""Pipeline reference for scband-hyperbolic-wrapper-84018150244512 (READ-ONLY COPY).

The authoritative reference and input builder live on the scoring server;
editing this copy changes nothing except your own understanding.
"""

import jax, jax.numpy as jnp
import numpy as np
import math

N = 10000
E = 320000
D = 128
MIN_C = 1e-4
MAX_C = 10.0


def _curv(raw_c):
    return jnp.clip(jax.nn.softplus(raw_c), MIN_C, MAX_C)


def lorentz_logmap0(p, c):
    # p: [N, D] on hyperboloid H^{D-1}_c embedded in R^D (time coord first)
    sqrt_c = jnp.sqrt(c)
    p0 = p[:, :1]
    y = p[:, 1:]
    yn = jnp.maximum(jnp.linalg.norm(y, axis=-1, keepdims=True), 1e-12)
    r = jnp.arccosh(jnp.maximum(sqrt_c * p0, 1.0 + 1e-7)) / sqrt_c
    v_space = r * y / yn
    return jnp.concatenate([jnp.zeros_like(p0), v_space], axis=-1)


def lorentz_expmap0(v, c):
    # v: tangent at origin; use spatial part, rebuild time coord
    sqrt_c = jnp.sqrt(c)
    u = v[:, 1:]
    un = jnp.maximum(jnp.linalg.norm(u, axis=-1, keepdims=True), 1e-12)
    time = jnp.cosh(sqrt_c * un) / sqrt_c
    space = jnp.sinh(sqrt_c * un) * u / (sqrt_c * un)
    return jnp.concatenate([time, space], axis=-1)


def gcn_conv(x, edge_index, W, b):
    # PyG GCNConv with self loops: x' = D^-1/2 (A+I) D^-1/2 (x W) + b
    src = edge_index[0]
    dst = edge_index[1]
    h = x @ W
    deg = jnp.zeros((N,), jnp.float32).at[dst].add(jnp.ones((E,), jnp.float32)) + 1.0
    dinv = jax.lax.rsqrt(deg)
    norm_e = dinv[src] * dinv[dst]
    msg = h[src] * norm_e[:, None]
    agg = jnp.zeros_like(h).at[dst].add(msg)
    agg = agg + h * (dinv * dinv)[:, None]  # self-loop term
    return agg + b


def setup_inputs(seed: int = 0) -> dict:
    key = jax.random.key(seed)
    k1, k2, k3 = jax.random.split(key, 3)
    raw_c = jnp.asarray(math.log(math.expm1(1.0)), dtype=jnp.float32)
    c = _curv(raw_c)
    # build valid hyperboloid points: p0 = sqrt(1/c + ||y||^2)
    y = 0.1 * jax.random.normal(k1, (N, D - 1), dtype=jnp.float32)
    p0 = jnp.sqrt(1.0 / c + jnp.sum(y * y, axis=-1, keepdims=True))
    p = jnp.concatenate([p0, y], axis=-1)
    edge_index = jax.random.randint(k2, (2, E), 0, N, dtype=jnp.int32)
    W = jax.random.normal(k3, (D, D), dtype=jnp.float32) * (1.0 / math.sqrt(D))
    b = jnp.zeros((D,), jnp.float32)
    return {"p": p, "edge_index": edge_index, "W": W, "b": b, "raw_c": raw_c}


def reference(p, edge_index, W, b, raw_c):
    c = _curv(raw_c)
    v = lorentz_logmap0(p, c)
    v = gcn_conv(v, edge_index, W, b)
    v = jax.nn.relu(v)
    # dropout=0.0 -> identity
    return lorentz_expmap0(v, c)

if __name__ == "__main__":
    import jax
    _d = setup_inputs()
    print(jax.jit(kernel)(*tuple(_d.values())))

</pallas_src>

<mosaic_0001>
#map = affine_map<(d0, d1) -> (0)>
#map1 = affine_map<(d0, d1) -> (0, 0)>
module attributes {stable_mosaic.version = 14 : i64} {
  func.func @_deg_body(%arg0: i32, %arg1: i32, %arg2: memref<327680xi32, #tpu.memory_space<hbm>>, %arg3: memref<2x10240xf32, #tpu.memory_space<hbm>>, %arg4: memref<10240xi32, #tpu.memory_space<vmem>>, %arg5: memref<10240xf32, #tpu.memory_space<vmem>>, %arg6: memref<16x640xf32, #tpu.memory_space<vmem>>, %arg7: memref<640xf32, #tpu.memory_space<vmem>>, %arg8: memref<16x10240xf32, #tpu.memory_space<vmem_shared>>) attributes {dimension_semantics = [#tpu.dimension_semantics<core_parallel>, #tpu.dimension_semantics<subcore_parallel>], iteration_bounds = array<i64: 2, 16>, scalar_prefetch = 0 : i64, scratch_operands = 5 : i64, tpu.core_type = #tpu.core_type<sc_vector_subcore>, window_params = [{transform_indices = #map}, {transform_indices = #map1}]} {
    %mul3A = arith.constant 16 : i32
    %mul3A_0 = arith.muli %arg0, %mul3A : i32
    %add3A = arith.addi %mul3A_0, %arg1 : i32
    %mul3A_1 = arith.constant 10240 : i32
    %mul3A_2 = arith.muli %add3A, %mul3A_1 : i32
    "tpu.region"() ({
      %run_scoped3A_59 = tpu.sem_alloc : memref<!tpu.dma_semaphore, #tpu.memory_space<semaphore_mem>>
      %dma_start3A = tpu.memref_slice %arg2[%mul3A_2] : memref<327680xi32, #tpu.memory_space<hbm>> -> memref<10240xi32, #tpu.memory_space<hbm>>
      %dma_start3A_60 = tpu.memref_slice %arg2[%mul3A_2] : memref<327680xi32, #tpu.memory_space<hbm>> -> memref<10240xi32, #tpu.memory_space<hbm>>
      tpu.enqueue_dma source(%dma_start3A_60 : memref<10240xi32, #tpu.memory_space<hbm>>) target(%arg4 : memref<10240xi32, #tpu.memory_space<vmem>>) target_semaphore(%run_scoped3A_59 : memref<!tpu.dma_semaphore, #tpu.memory_space<semaphore_mem>>)
      %dma_wait3A = tpu.memref_slice %arg2[%mul3A_2] : memref<327680xi32, #tpu.memory_space<hbm>> -> memref<10240xi32, #tpu.memory_space<hbm>>
      %dma_wait3A_61 = tpu.memref_slice %arg2[%mul3A_2] : memref<327680xi32, #tpu.memory_space<hbm>> -> memref<10240xi32, #tpu.memory_space<hbm>>
      tpu.wait_dma2 semaphore(%run_scoped3A_59 : memref<!tpu.dma_semaphore, #tpu.memory_space<semaphore_mem>>) src(%dma_wait3A_61 : memref<10240xi32, #tpu.memory_space<hbm>>) dst(%arg4 : memref<10240xi32, #tpu.memory_space<vmem>>)
      tpu.yield
    }) : () -> ()
    %broadcast_in_dim3A = arith.constant 0.000000e+00 : f32
    %broadcast_in_dim3A_3 = vector.broadcast %broadcast_in_dim3A : f32 to vector<16xf32>
    %broadcast_in_dim3A_4 = arith.constant 1.000000e+00 : f32
    %broadcast_in_dim3A_5 = vector.broadcast %broadcast_in_dim3A_4 : f32 to vector<16xf32>
    %scan3A = arith.constant 0 : i32
    %scan3A_6 = arith.constant 0 : i32
    %scan3A_7 = arith.constant 640 : i32
    %scan3A_8 = arith.addi %scan3A_6, %scan3A_7 : i32
    %scan3A_9 = arith.constant 1 : i32
    %scan3A_10 = scf.for %scan3A_59 = %scan3A_6 to %scan3A_8 step %scan3A_9 iter_args(%scan3A_60 = %scan3A) -> (i32)  : i32 {
      %mul3A_61 = arith.constant 16 : i32
      %mul3A_62 = arith.muli %scan3A_59, %mul3A_61 : i32
      %swap3A = arith.index_cast %mul3A_62 : i32 to index
      %swap3A_63 = tpu.vector_load %arg5[%swap3A] {strides = array<i32>} : memref<10240xf32, #tpu.memory_space<vmem>>, vector<16xf32>,
      tpu.vector_store %arg5[%swap3A], %broadcast_in_dim3A_3 {strides = array<i32>} : memref<10240xf32, #tpu.memory_space<vmem>>, vector<16xf32>,
      %scan3A_64 = arith.constant 0 : i32
      scf.yield %scan3A_64 : i32
    }
    %scan3A_11 = arith.constant 640 : i32
    %scan3A_12 = arith.constant 0 : i32
    %scan3A_13 = arith.constant 0 : i32
    %scan3A_14 = arith.constant 640 : i32
    %scan3A_15 = arith.addi %scan3A_13, %scan3A_14 : i32
    %scan3A_16 = arith.constant 1 : i32
    %scan3A_17 = scf.for %scan3A_59 = %scan3A_13 to %scan3A_15 step %scan3A_16 iter_args(%scan3A_60 = %scan3A_12) -> (i32)  : i32 {
      %mul3A_61 = arith.constant 16 : i32
      %mul3A_62 = arith.muli %scan3A_59, %mul3A_61 : i32
      %get3A = arith.index_cast %mul3A_62 : i32 to index
      %get3A_63 = tpu.vector_load %arg4[%get3A] {strides = array<i32>} : memref<10240xi32, #tpu.memory_space<vmem>>, vector<16xi32>,
      tpu.vector_store_idx %arg5[%get3A_63], %broadcast_in_dim3A_5 {add = true} : memref<10240xf32, #tpu.memory_space<vmem>>[vector<16xi32>], vector<16xf32>,
      %scan3A_64 = arith.constant 0 : i32
      scf.yield %scan3A_64 : i32
    }
    %scan3A_18 = arith.constant 640 : i32
    "tpu.region"() ({
      %run_scoped3A_59 = tpu.sem_alloc : memref<!tpu.dma_semaphore, #tpu.memory_space<semaphore_mem>>
      %dma_start3A = arith.constant 0 : i32
      %dma_start3A_60 = tpu.memref_slice %arg8[%arg1, %dma_start3A] : memref<16x10240xf32, #tpu.memory_space<vmem_shared>> -> memref<1x10240xf32, #tpu.memory_space<vmem_shared>>
      %dma_start3A_61 = tpu.memref_squeeze %dma_start3A_60 : memref<1x10240xf32, #tpu.memory_space<vmem_shared>> -> memref<10240xf32, #tpu.memory_space<vmem_shared>>
      %dma_start3A_62 = arith.constant 0 : i32
      %dma_start3A_63 = tpu.memref_slice %arg8[%arg1, %dma_start3A_62] : memref<16x10240xf32, #tpu.memory_space<vmem_shared>> -> memref<1x10240xf32, #tpu.memory_space<vmem_shared>>
      %dma_start3A_64 = tpu.memref_squeeze %dma_start3A_63 : memref<1x10240xf32, #tpu.memory_space<vmem_shared>> -> memref<10240xf32, #tpu.memory_space<vmem_shared>>
      tpu.enqueue_dma source(%arg5 : memref<10240xf32, #tpu.memory_space<vmem>>) target(%dma_start3A_64 : memref<10240xf32, #tpu.memory_space<vmem_shared>>) target_semaphore(%run_scoped3A_59 : memref<!tpu.dma_semaphore, #tpu.memory_space<semaphore_mem>>)
      %dma_wait3A = arith.constant 0 : i32
      %dma_wait3A_65 = tpu.memref_slice %arg8[%arg1, %dma_wait3A] : memref<16x10240xf32, #tpu.memory_space<vmem_shared>> -> memref<1x10240xf32, #tpu.memory_space<vmem_shared>>
      %dma_wait3A_66 = tpu.memref_squeeze %dma_wait3A_65 : memref<1x10240xf32, #tpu.memory_space<vmem_shared>> -> memref<10240xf32, #tpu.memory_space<vmem_shared>>
      %dma_wait3A_67 = arith.constant 0 : i32
      %dma_wait3A_68 = tpu.memref_slice %arg8[%arg1, %dma_wait3A_67] : memref<16x10240xf32, #tpu.memory_space<vmem_shared>> -> memref<1x10240xf32, #tpu.memory_space<vmem_shared>>
      %dma_wait3A_69 = tpu.memref_squeeze %dma_wait3A_68 : memref<1x10240xf32, #tpu.memory_space<vmem_shared>> -> memref<10240xf32, #tpu.memory_space<vmem_shared>>
      tpu.wait_dma2 semaphore(%run_scoped3A_59 : memref<!tpu.dma_semaphore, #tpu.memory_space<semaphore_mem>>) src(%arg5 : memref<10240xf32, #tpu.memory_space<vmem>>) dst(%dma_wait3A_69 : memref<10240xf32, #tpu.memory_space<vmem_shared>>)
      tpu.yield
    }) : () -> ()
    %barrier3A = arith.constant 0 : index
    tpu.barrier barrier_id(%barrier3A)
    %mul3A_19 = arith.constant 640 : i32
    %mul3A_20 = arith.muli %arg1, %mul3A_19 : i32
    %run_scoped3A = arith.constant 0 : i32
    %run_scoped3A_21 = arith.constant 0 : i32
    "tpu.region"() ({
      %run_scoped3A_59 = tpu.sem_alloc : memref<!tpu.dma_semaphore, #tpu.memory_space<semaphore_mem>>
      %dma_start3A = arith.constant 0 : i32
      %dma_start3A_60 = tpu.memref_slice %arg6[%run_scoped3A_21, %dma_start3A] : memref<16x640xf32, #tpu.memory_space<vmem>> -> memref<1x640xf32, #tpu.memory_space<vmem>>
      %dma_start3A_61 = tpu.memref_squeeze %dma_start3A_60 : memref<1x640xf32, #tpu.memory_space<vmem>> -> memref<640xf32, #tpu.memory_space<vmem>>
      %dma_start3A_62 = tpu.memref_slice %arg8[%run_scoped3A, %mul3A_20] : memref<16x10240xf32, #tpu.memory_space<vmem_shared>> -> memref<1x640xf32, #tpu.memory_space<vmem_shared>>
      %dma_start3A_63 = tpu.memref_squeeze %dma_start3A_62 : memref<1x640xf32, #tpu.memory_space<vmem_shared>> -> memref<640xf32, #tpu.memory_space<vmem_shared>>
      %dma_start3A_64 = arith.constant 0 : i32
      %dma_start3A_65 = tpu.memref_slice %arg6[%run_scoped3A_21, %dma_start3A_64] : memref<16x640xf32, #tpu.memory_space<vmem>> -> memref<1x640xf32, #tpu.memory_space<vmem>>
      %dma_start3A_66 = tpu.memref_squeeze %dma_start3A_65 : memref<1x640xf32, #tpu.memory_space<vmem>> -> memref<640xf32, #tpu.memory_space<vmem>>
      %dma_start3A_67 = tpu.memref_slice %arg8[%run_scoped3A, %mul3A_20] : memref<16x10240xf32, #tpu.memory_space<vmem_shared>> -> memref<1x640xf32, #tpu.memory_space<vmem_shared>>
      %dma_start3A_68 = tpu.memref_squeeze %dma_start3A_67 : memref<1x640xf32, #tpu.memory_space<vmem_shared>> -> memref<640xf32, #tpu.memory_space<vmem_shared>>
      tpu.enqueue_dma source(%dma_start3A_68 : memref<640xf32, #tpu.memory_space<vmem_shared>>) target(%dma_start3A_66 : memref<640xf32, #tpu.memory_space<vmem>>) target_semaphore(%run_scoped3A_59 : memref<!tpu.dma_semaphore, #tpu.memory_space<semaphore_mem>>)
      %dma_wait3A = arith.constant 0 : i32
      %dma_wait3A_69 = tpu.memref_slice %arg6[%run_scoped3A_21, %dma_wait3A] : memref<16x640xf32, #tpu.memory_space<vmem>> -> memref<1x640xf32, #tpu.memory_space<vmem>>
      %dma_wait3A_70 = tpu.memref_squeeze %dma_wait3A_69 : memref<1x640xf32, #tpu.memory_space<vmem>> -> memref<640xf32, #tpu.memory_space<vmem>>
      %dma_wait3A_71 = tpu.memref_slice %arg8[%run_scoped3A, %mul3A_20] : memref<16x10240xf32, #tpu.memory_space<vmem_shared>> -> memref<1x640xf32, #tpu.memory_space<vmem_shared>>
      %dma_wait3A_72 = tpu.memref_squeeze %dma_wait3A_71 : memref<1x640xf32, #tpu.memory_space<vmem_shared>> -> memref<640xf32, #tpu.memory_space<vmem_shared>>
      %dma_wait3A_73 = arith.constant 0 : i32
      %dma_wait3A_74 = tpu.memref_slice %arg6[%run_scoped3A_21, %dma_wait3A_73] : memref<16x640xf32, #tpu.memory_space<vmem>> -> memref<1x640xf32, #tpu.memory_space<vmem>>
      %dma_wait3A_75 = tpu.memref_squeeze %dma_wait3A_74 : memref<1x640xf32, #tpu.memory_space<vmem>> -> memref<640xf32, #tpu.memory_space<vmem>>
      %dma_wait3A_76 = tpu.memref_slice %arg8[%run_scoped3A, %mul3A_20] : memref<16x10240xf32, #tpu.memory_space<vmem_shared>> -> memref<1x640xf32, #tpu.memory_space<vmem_shared>>
      %dma_wait3A_77 = tpu.memref_squeeze %dma_wait3A_76 : memref<1x640xf32, #tpu.memory_space<vmem_shared>> -> memref<640xf32, #tpu.memory_space<vmem_shared>>
      tpu.wait_dma2 semaphore(%run_scoped3A_59 : memref<!tpu.dma_semaphore, #tpu.memory_space<semaphore_mem>>) src(%dma_wait3A_77 : memref<640xf32, #tpu.memory_space<vmem_shared>>) dst(%dma_wait3A_75 : memref<640xf32, #tpu.memory_space<vmem>>)
      tpu.yield
    }) : () -> ()
    %run_scoped3A_22 = arith.constant 1 : i32
    %run_scoped3A_23 = arith.constant 1 : i32
    "tpu.region"() ({
      %run_scoped3A_59 = tpu.sem_alloc : memref<!tpu.dma_semaphore, #tpu.memory_space<semaphore_mem>>
      %dma_start3A = arith.constant 0 : i32
      %dma_start3A_60 = tpu.memref_slice %arg6[%run_scoped3A_23, %dma_start3A] : memref<16x640xf32, #tpu.memory_space<vmem>> -> memref<1x640xf32, #tpu.memory_space<vmem>>
      %dma_start3A_61 = tpu.memref_squeeze %dma_start3A_60 : memref<1x640xf32, #tpu.memory_space<vmem>> -> memref<640xf32, #tpu.memory_space<vmem>>
      %dma_start3A_62 = tpu.memref_slice %arg8[%run_scoped3A_22, %mul3A_20] : memref<16x10240xf32, #tpu.memory_space<vmem_shared>> -> memref<1x640xf32, #tpu.memory_space<vmem_shared>>
      %dma_start3A_63 = tpu.memref_squeeze %dma_start3A_62 : memref<1x640xf32, #tpu.memory_space<vmem_shared>> -> memref<640xf32, #tpu.memory_space<vmem_shared>>
      %dma_start3A_64 = arith.constant 0 : i32
      %dma_start3A_65 = tpu.memref_slice %arg6[%run_scoped3A_23, %dma_start3A_64] : memref<16x640xf32, #tpu.memory_space<vmem>> -> memref<1x640xf32, #tpu.memory_space<vmem>>
      %dma_start3A_66 = tpu.memref_squeeze %dma_start3A_65 : memref<1x640xf32, #tpu.memory_space<vmem>> -> memref<640xf32, #tpu.memory_space<vmem>>
      %dma_start3A_67 = tpu.memref_slice %arg8[%run_scoped3A_22, %mul3A_20] : memref<16x10240xf32, #tpu.memory_space<vmem_shared>> -> memref<1x640xf32, #tpu.memory_space<vmem_shared>>
      %dma_start3A_68 = tpu.memref_squeeze %dma_start3A_67 : memref<1x640xf32, #tpu.memory_space<vmem_shared>> -> memref<640xf32, #tpu.memory_space<vmem_shared>>
      tpu.enqueue_dma source(%dma_start3A_68 : memref<640xf32, #tpu.memory_space<vmem_shared>>) target(%dma_start3A_66 : memref<640xf32, #tpu.memory_space<vmem>>) target_semaphore(%run_scoped3A_59 : memref<!tpu.dma_semaphore, #tpu.memory_space<semaphore_mem>>)
      %dma_wait3A = arith.constant 0 : i32
      %dma_wait3A_69 = tpu.memref_slice %arg6[%run_scoped3A_23, %dma_wait3A] : memref<16x640xf32, #tpu.memory_space<vmem>> -> memref<1x640xf32, #tpu.memory_space<vmem>>
      %dma_wait3A_70 = tpu.memref_squeeze %dma_wait3A_69 : memref<1x640xf32, #tpu.memory_space<vmem>> -> memref<640xf32, #tpu.memory_space<vmem>>
      %dma_wait3A_71 = tpu.memref_slice %arg8[%run_scoped3A_22, %mul3A_20] : memref<16x10240xf32, #tpu.memory_space<vmem_shared>> -> memref<1x640xf32, #tpu.memory_space<vmem_shared>>
      %dma_wait3A_72 = tpu.memref_squeeze %dma_wait3A_71 : memref<1x640xf32, #tpu.memory_space<vmem_shared>> -> memref<640xf32, #tpu.memory_space<vmem_shared>>
      %dma_wait3A_73 = arith.constant 0 : i32
      %dma_wait3A_74 = tpu.memref_slice %arg6[%run_scoped3A_23, %dma_wait3A_73] : memref<16x640xf32, #tpu.memory_space<vmem>> -> memref<1x640xf32, #tpu.memory_space<vmem>>
      %dma_wait3A_75 = tpu.memref_squeeze %dma_wait3A_74 : memref<1x640xf32, #tpu.memory_space<vmem>> -> memref<640xf32, #tpu.memory_space<vmem>>
      %dma_wait3A_76 = tpu.memref_slice %arg8[%run_scoped3A_22, %mul3A_20] : memref<16x10240xf32, #tpu.memory_space<vmem_shared>> -> memref<1x640xf32, #tpu.memory_space<vmem_shared>>
      %dma_wait3A_77 = tpu.memref_squeeze %dma_wait3A_76 : memref<1x640xf32, #tpu.memory_space<vmem_shared>> -> memref<640xf32, #tpu.memory_space<vmem_shared>>
      tpu.wait_dma2 semaphore(%run_scoped3A_59 : memref<!tpu.dma_semaphore, #tpu.memory_space<semaphore_mem>>) src(%dma_wait3A_77 : memref<640xf32, #tpu.memory_space<vmem_shared>>) dst(%dma_wait3A_75 : memref<640xf32, #tpu.memory_space<vmem>>)
      tpu.yield
    }) : () -> ()
    %run_scoped3A_24 = arith.constant 2 : i32
    %run_scoped3A_25 = arith.constant 2 : i32
    "tpu.region"() ({
      %run_scoped3A_59 = tpu.sem_alloc : memref<!tpu.dma_semaphore, #tpu.memory_space<semaphore_mem>>
      %dma_start3A = arith.constant 0 : i32
      %dma_start3A_60 = tpu.memref_slice %arg6[%run_scoped3A_25, %dma_start3A] : memref<16x640xf32, #tpu.memory_space<vmem>> -> memref<1x640xf32, #tpu.memory_space<vmem>>
      %dma_start3A_61 = tpu.memref_squeeze %dma_start3A_60 : memref<1x640xf32, #tpu.memory_space<vmem>> -> memref<640xf32, #tpu.memory_space<vmem>>
      %dma_start3A_62 = tpu.memref_slice %arg8[%run_scoped3A_24, %mul3A_20] : memref<16x10240xf32, #tpu.memory_space<vmem_shared>> -> memref<1x640xf32, #tpu.memory_space<vmem_shared>>
      %dma_start3A_63 = tpu.memref_squeeze %dma_start3A_62 : memref<1x640xf32, #tpu.memory_space<vmem_shared>> -> memref<640xf32, #tpu.memory_space<vmem_shared>>
      %dma_start3A_64 = arith.constant 0 : i32
      %dma_start3A_65 = tpu.memref_slice %arg6[%run_scoped3A_25, %dma_start3A_64] : memref<16x640xf32, #tpu.memory_space<vmem>> -> memref<1x640xf32, #tpu.memory_space<vmem>>
      %dma_start3A_66 = tpu.memref_squeeze %dma_start3A_65 : memref<1x640xf32, #tpu.memory_space<vmem>> -> memref<640xf32, #tpu.memory_space<vmem>>
      %dma_start3A_67 = tpu.memref_slice %arg8[%run_scoped3A_24, %mul3A_20] : memref<16x10240xf32, #tpu.memory_space<vmem_shared>> -> memref<1x640xf32, #tpu.memory_space<vmem_shared>>
      %dma_start3A_68 = tpu.memref_squeeze %dma_start3A_67 : memref<1x640xf32, #tpu.memory_space<vmem_shared>> -> memref<640xf32, #tpu.memory_space<vmem_shared>>
      tpu.enqueue_dma source(%dma_start3A_68 : memref<640xf32, #tpu.memory_space<vmem_shared>>) target(%dma_start3A_66 : memref<640xf32, #tpu.memory_space<vmem>>) target_semaphore(%run_scoped3A_59 : memref<!tpu.dma_semaphore, #tpu.memory_space<semaphore_mem>>)
      %dma_wait3A = arith.constant 0 : i32
      %dma_wait3A_69 = tpu.memref_slice %arg6[%run_scoped3A_25, %dma_wait3A] : memref<16x640xf32, #tpu.memory_space<vmem>> -> memref<1x640xf32, #tpu.memory_space<vmem>>
      %dma_wait3A_70 = tpu.memref_squeeze %dma_wait3A_69 : memref<1x640xf32, #tpu.memory_space<vmem>> -> memref<640xf32, #tpu.memory_space<vmem>>
      %dma_wait3A_71 = tpu.memref_slice %arg8[%run_scoped3A_24, %mul3A_20] : memref<16x10240xf32, #tpu.memory_space<vmem_shared>> -> memref<1x640xf32, #tpu.memory_space<vmem_shared>>
      %dma_wait3A_72 = tpu.memref_squeeze %dma_wait3A_71 : memref<1x640xf32, #tpu.memory_space<vmem_shared>> -> memref<640xf32, #tpu.memory_space<vmem_shared>>
      %dma_wait3A_73 = arith.constant 0 : i32
      %dma_wait3A_74 = tpu.memref_slice %arg6[%run_scoped3A_25, %dma_wait3A_73] : memref<16x640xf32, #tpu.memory_space<vmem>> -> memref<1x640xf32, #tpu.memory_space<vmem>>
      %dma_wait3A_75 = tpu.memref_squeeze %dma_wait3A_74 : memref<1x640xf32, #tpu.memory_space<vmem>> -> memref<640xf32, #tpu.memory_space<vmem>>
      %dma_wait3A_76 = tpu.memref_slice %arg8[%run_scoped3A_24, %mul3A_20] : memref<16x10240xf32, #tpu.memory_space<vmem_shared>> -> memref<1x640xf32, #tpu.memory_space<vmem_shared>>
      %dma_wait3A_77 = tpu.memref_squeeze %dma_wait3A_76 : memref<1x640xf32, #tpu.memory_space<vmem_shared>> -> memref<640xf32, #tpu.memory_space<vmem_shared>>
      tpu.wait_dma2 semaphore(%run_scoped3A_59 : memref<!tpu.dma_semaphore, #tpu.memory_space<semaphore_mem>>) src(%dma_wait3A_77 : memref<640xf32, #tpu.memory_space<vmem_shared>>) dst(%dma_wait3A_75 : memref<640xf32, #tpu.memory_space<vmem>>)
      tpu.yield
    }) : () -> ()
    %run_scoped3A_26 = arith.constant 3 : i32
    %run_scoped3A_27 = arith.constant 3 : i32
    "tpu.region"() ({
      %run_scoped3A_59 = tpu.sem_alloc : memref<!tpu.dma_semaphore, #tpu.memory_space<semaphore_mem>>
      %dma_start3A = arith.constant 0 : i32
      %dma_start3A_60 = tpu.memref_slice %arg6[%run_scoped3A_27, %dma_start3A] : memref<16x640xf32, #tpu.memory_space<vmem>> -> memref<1x640xf32, #tpu.memory_space<vmem>>
      %dma_start3A_61 = tpu.memref_squeeze %dma_start3A_60 : memref<1x640xf32, #tpu.memory_space<vmem>> -> memref<640xf32, #tpu.memory_space<vmem>>
      %dma_start3A_62 = tpu.memref_slice %arg8[%run_scoped3A_26, %mul3A_20] : memref<16x10240xf32, #tpu.memory_space<vmem_shared>> -> memref<1x640xf32, #tpu.memory_space<vmem_shared>>
      %dma_start3A_63 = tpu.memref_squeeze %dma_start3A_62 : memref<1x640xf32, #tpu.memory_space<vmem_shared>> -> memref<640xf32, #tpu.memory_space<vmem_shared>>
      %dma_start3A_64 = arith.constant 0 : i32
      %dma_start3A_65 = tpu.memref_slice %arg6[%run_scoped3A_27, %dma_start3A_64] : memref<16x640xf32, #tpu.memory_space<vmem>> -> memref<1x640xf32, #tpu.memory_space<vmem>>
      %dma_start3A_66 = tpu.memref_squeeze %dma_start3A_65 : memref<1x640xf32, #tpu.memory_space<vmem>> -> memref<640xf32, #tpu.memory_space<vmem>>
      %dma_start3A_67 = tpu.memref_slice %arg8[%run_scoped3A_26, %mul3A_20] : memref<16x10240xf32, #tpu.memory_space<vmem_shared>> -> memref<1x640xf32, #tpu.memory_space<vmem_shared>>
      %dma_start3A_68 = tpu.memref_squeeze %dma_start3A_67 : memref<1x640xf32, #tpu.memory_space<vmem_shared>> -> memref<640xf32, #tpu.memory_space<vmem_shared>>
      tpu.enqueue_dma source(%dma_start3A_68 : memref<640xf32, #tpu.memory_space<vmem_shared>>) target(%dma_start3A_66 : memref<640xf32, #tpu.memory_space<vmem>>) target_semaphore(%run_scoped3A_59 : memref<!tpu.dma_semaphore, #tpu.memory_space<semaphore_mem>>)
      %dma_wait3A = arith.constant 0 : i32
      %dma_wait3A_69 = tpu.memref_slice %arg6[%run_scoped3A_27, %dma_wait3A] : memref<16x640xf32, #tpu.memory_space<vmem>> -> memref<1x640xf32, #tpu.memory_space<vmem>>
      %dma_wait3A_70 = tpu.memref_squeeze %dma_wait3A_69 : memref<1x640xf32, #tpu.memory_space<vmem>> -> memref<640xf32, #tpu.memory_space<vmem>>
      %dma_wait3A_71 = tpu.memref_slice %arg8[%run_scoped3A_26, %mul3A_20] : memref<16x10240xf32, #tpu.memory_space<vmem_shared>> -> memref<1x640xf32, #tpu.memory_space<vmem_shared>>
      %dma_wait3A_72 = tpu.memref_squeeze %dma_wait3A_71 : memref<1x640xf32, #tpu.memory_space<vmem_shared>> -> memref<640xf32, #tpu.memory_space<vmem_shared>>
      %dma_wait3A_73 = arith.constant 0 : i32
      %dma_wait3A_74 = tpu.memref_slice %arg6[%run_scoped3A_27, %dma_wait3A_73] : memref<16x640xf32, #tpu.memory_space<vmem>> -> memref<1x640xf32, #tpu.memory_space<vmem>>
      %dma_wait3A_75 = tpu.memref_squeeze %dma_wait3A_74 : memref<1x640xf32, #tpu.memory_space<vmem>> -> memref<640xf32, #tpu.memory_space<vmem>>
      %dma_wait3A_76 = tpu.memref_slice %arg8[%run_scoped3A_26, %mul3A_20] : memref<16x10240xf32, #tpu.memory_space<vmem_shared>> -> memref<1x640xf32, #tpu.memory_space<vmem_shared>>
      %dma_wait3A_77 = tpu.memref_squeeze %dma_wait3A_76 : memref<1x640xf32, #tpu.memory_space<vmem_shared>> -> memref<640xf32, #tpu.memory_space<vmem_shared>>
      tpu.wait_dma2 semaphore(%run_scoped3A_59 : memref<!tpu.dma_semaphore, #tpu.memory_space<semaphore_mem>>) src(%dma_wait3A_77 : memref<640xf32, #tpu.memory_space<vmem_shared>>) dst(%dma_wait3A_75 : memref<640xf32, #tpu.memory_space<vmem>>)
      tpu.yield
    }) : () -> ()
    %run_scoped3A_28 = arith.constant 4 : i32
    %run_scoped3A_29 = arith.constant 4 : i32
    "tpu.region"() ({
      %run_scoped3A_59 = tpu.sem_alloc : memref<!tpu.dma_semaphore, #tpu.memory_space<semaphore_mem>>
      %dma_start3A = arith.constant 0 : i32
      %dma_start3A_60 = tpu.memref_slice %arg6[%run_scoped3A_29, %dma_start3A] : memref<16x640xf32, #tpu.memory_space<vmem>> -> memref<1x640xf32, #tpu.memory_space<vmem>>
      %dma_start3A_61 = tpu.memref_squeeze %dma_start3A_60 : memref<1x640xf32, #tpu.memory_space<vmem>> -> memref<640xf32, #tpu.memory_space<vmem>>
      %dma_start3A_62 = tpu.memref_slice %arg8[%run_scoped3A_28, %mul3A_20] : memref<16x10240xf32, #tpu.memory_space<vmem_shared>> -> memref<1x640xf32, #tpu.memory_space<vmem_shared>>
      %dma_start3A_63 = tpu.memref_squeeze %dma_start3A_62 : memref<1x640xf32, #tpu.memory_space<vmem_shared>> -> memref<640xf32, #tpu.memory_space<vmem_shared>>
      %dma_start3A_64 = arith.constant 0 : i32
      %dma_start3A_65 = tpu.memref_slice %arg6[%run_scoped3A_29, %dma_start3A_64] : memref<16x640xf32, #tpu.memory_space<vmem>> -> memref<1x640xf32, #tpu.memory_space<vmem>>
      %dma_start3A_66 = tpu.memref_squeeze %dma_start3A_65 : memref<1x640xf32, #tpu.memory_space<vmem>> -> memref<640xf32, #tpu.memory_space<vmem>>
      %dma_start3A_67 = tpu.memref_slice %arg8[%run_scoped3A_28, %mul3A_20] : memref<16x10240xf32, #tpu.memory_space<vmem_shared>> -> memref<1x640xf32, #tpu.memory_space<vmem_shared>>
      %dma_start3A_68 = tpu.memref_squeeze %dma_start3A_67 : memref<1x640xf32, #tpu.memory_space<vmem_shared>> -> memref<640xf32, #tpu.memory_space<vmem_shared>>
      tpu.enqueue_dma source(%dma_start3A_68 : memref<640xf32, #tpu.memory_space<vmem_shared>>) target(%dma_start3A_66 : memref<640xf32, #tpu.memory_space<vmem>>) target_semaphore(%run_scoped3A_59 : memref<!tpu.dma_semaphore, #tpu.memory_space<semaphore_mem>>)
      %dma_wait3A = arith.constant 0 : i32
      %dma_wait3A_69 = tpu.memref_slice %arg6[%run_scoped3A_29, %dma_wait3A] : memref<16x640xf32, #tpu.memory_space<vmem>> -> memref<1x640xf32, #tpu.memory_space<vmem>>
      %dma_wait3A_70 = tpu.memref_squeeze %dma_wait3A_69 : memref<1x640xf32, #tpu.memory_space<vmem>> -> memref<640xf32, #tpu.memory_space<vmem>>
      %dma_wait3A_71 = tpu.memref_slice %arg8[%run_scoped3A_28, %mul3A_20] : memref<16x10240xf32, #tpu.memory_space<vmem_shared>> -> memref<1x640xf32, #tpu.memory_space<vmem_shared>>
      %dma_wait3A_72 = tpu.memref_squeeze %dma_wait3A_71 : memref<1x640xf32, #tpu.memory_space<vmem_shared>> -> memref<640xf32, #tpu.memory_space<vmem_shared>>
      %dma_wait3A_73 = arith.constant 0 : i32
      %dma_wait3A_74 = tpu.memref_slice %arg6[%run_scoped3A_29, %dma_wait3A_73] : memref<16x640xf32, #tpu.memory_space<vmem>> -> memref<1x640xf32, #tpu.memory_space<vmem>>
      %dma_wait3A_75 = tpu.memref_squeeze %dma_wait3A_74 : memref<1x640xf32, #tpu.memory_space<vmem>> -> memref<640xf32, #tpu.memory_space<vmem>>
      %dma_wait3A_76 = tpu.memref_slice %arg8[%run_scoped3A_28, %mul3A_20] : memref<16x10240xf32, #tpu.memory_space<vmem_shared>> -> memref<1x640xf32, #tpu.memory_space<vmem_shared>>
      %dma_wait3A_77 = tpu.memref_squeeze %dma_wait3A_76 : memref<1x640xf32, #tpu.memory_space<vmem_shared>> -> memref<640xf32, #tpu.memory_space<vmem_shared>>
      tpu.wait_dma2 semaphore(%run_scoped3A_59 : memref<!tpu.dma_semaphore, #tpu.memory_space<semaphore_mem>>) src(%dma_wait3A_77 : memref<640xf32, #tpu.memory_space<vmem_shared>>) dst(%dma_wait3A_75 : memref<640xf32, #tpu.memory_space<vmem>>)
      tpu.yield
    }) : () -> ()
    %run_scoped3A_30 = arith.constant 5 : i32
    %run_scoped3A_31 = arith.constant 5 : i32
    "tpu.region"() ({
      %run_scoped3A_59 = tpu.sem_alloc : memref<!tpu.dma_semaphore, #tpu.memory_space<semaphore_mem>>
      %dma_start3A = arith.constant 0 : i32
      %dma_start3A_60 = tpu.memref_slice %arg6[%run_scoped3A_31, %dma_start3A] : memref<16x640xf32, #tpu.memory_space<vmem>> -> memref<1x640xf32, #tpu.memory_space<vmem>>
      %dma_start3A_61 = tpu.memref_squeeze %dma_start3A_60 : memref<1x640xf32, #tpu.memory_space<vmem>> -> memref<640xf32, #tpu.memory_space<vmem>>
      %dma_start3A_62 = tpu.memref_slice %arg8[%run_scoped3A_30, %mul3A_20] : memref<16x10240xf32, #tpu.memory_space<vmem_shared>> -> memref<1x640xf32, #tpu.memory_space<vmem_shared>>
      %dma_start3A_63 = tpu.memref_squeeze %dma_start3A_62 : memref<1x640xf32, #tpu.memory_space<vmem_shared>> -> memref<640xf32, #tpu.memory_space<vmem_shared>>
      %dma_start3A_64 = arith.constant 0 : i32
      %dma_start3A_65 = tpu.memref_slice %arg6[%run_scoped3A_31, %dma_start3A_64] : memref<16x640xf32, #tpu.memory_space<vmem>> -> memref<1x640xf32, #tpu.memory_space<vmem>>
      %dma_start3A_66 = tpu.memref_squeeze %dma_start3A_65 : memref<1x640xf32, #tpu.memory_space<vmem>> -> memref<640xf32, #tpu.memory_space<vmem>>
      %dma_start3A_67 = tpu.memref_slice %arg8[%run_scoped3A_30, %mul3A_20] : memref<16x10240xf32, #tpu.memory_space<vmem_shared>> -> memref<1x640xf32, #tpu.memory_space<vmem_shared>>
      %dma_start3A_68 = tpu.memref_squeeze %dma_start3A_67 : memref<1x640xf32, #tpu.memory_space<vmem_shared>> -> memref<640xf32, #tpu.memory_space<vmem_shared>>
      tpu.enqueue_dma source(%dma_start3A_68 : memref<640xf32, #tpu.memory_space<vmem_shared>>) target(%dma_start3A_66 : memref<640xf32, #tpu.memory_space<vmem>>) target_semaphore(%run_scoped3A_59 : memref<!tpu.dma_semaphore, #tpu.memory_space<semaphore_mem>>)
      %dma_wait3A = arith.constant 0 : i32
      %dma_wait3A_69 = tpu.memref_slice %arg6[%run_scoped3A_31, %dma_wait3A] : memref<16x640xf32, #tpu.memory_space<vmem>> -> memref<1x640xf32, #tpu.memory_space<vmem>>
      %dma_wait3A_70 = tpu.memref_squeeze %dma_wait3A_69 : memref<1x640xf32, #tpu.memory_space<vmem>> -> memref<640xf32, #tpu.memory_space<vmem>>
      %dma_wait3A_71 = tpu.memref_slice %arg8[%run_scoped3A_30, %mul3A_20] : memref<16x10240xf32, #tpu.memory_space<vmem_shared>> -> memref<1x640xf32, #tpu.memory_space<vmem_shared>>
      %dma_wait3A_72 = tpu.memref_squeeze %dma_wait3A_71 : memref<1x640xf32, #tpu.memory_space<vmem_shared>> -> memref<640xf32, #tpu.memory_space<vmem_shared>>
      %dma_wait3A_73 = arith.constant 0 : i32
      %dma_wait3A_74 = tpu.memref_slice %arg6[%run_scoped3A_31, %dma_wait3A_73] : memref<16x640xf32, #tpu.memory_space<vmem>> -> memref<1x640xf32, #tpu.memory_space<vmem>>
      %dma_wait3A_75 = tpu.memref_squeeze %dma_wait3A_74 : memref<1x640xf32, #tpu.memory_space<vmem>> -> memref<640xf32, #tpu.memory_space<vmem>>
      %dma_wait3A_76 = tpu.memref_slice %arg8[%run_scoped3A_30, %mul3A_20] : memref<16x10240xf32, #tpu.memory_space<vmem_shared>> -> memref<1x640xf32, #tpu.memory_space<vmem_shared>>
      %dma_wait3A_77 = tpu.memref_squeeze %dma_wait3A_76 : memref<1x640xf32, #tpu.memory_space<vmem_shared>> -> memref<640xf32, #tpu.memory_space<vmem_shared>>
      tpu.wait_dma2 semaphore(%run_scoped3A_59 : memref<!tpu.dma_semaphore, #tpu.memory_space<semaphore_mem>>) src(%dma_wait3A_77 : memref<640xf32, #tpu.memory_space<vmem_shared>>) dst(%dma_wait3A_75 : memref<640xf32, #tpu.memory_space<vmem>>)
      tpu.yield
    }) : () -> ()
    %run_scoped3A_32 = arith.constant 6 : i32
    %run_scoped3A_33 = arith.constant 6 : i32
    "tpu.region"() ({
      %run_scoped3A_59 = tpu.sem_alloc : memref<!tpu.dma_semaphore, #tpu.memory_space<semaphore_mem>>
      %dma_start3A = arith.constant 0 : i32
      %dma_start3A_60 = tpu.memref_slice %arg6[%run_scoped3A_33, %dma_start3A] : memref<16x640xf32, #tpu.memory_space<vmem>> -> memref<1x640xf32, #tpu.memory_space<vmem>>
      %dma_start3A_61 = tpu.memref_squeeze %dma_start3A_60 : memref<1x640xf32, #tpu.memory_space<vmem>> -> memref<640xf32, #tpu.memory_space<vmem>>
      %dma_start3A_62 = tpu.memref_slice %arg8[%run_scoped3A_32, %mul3A_20] : memref<16x10240xf32, #tpu.memory_space<vmem_shared>> -> memref<1x640xf32, #tpu.memory_space<vmem_shared>>
      %dma_start3A_63 = tpu.memref_squeeze %dma_start3A_62 : memref<1x640xf32, #tpu.memory_space<vmem_shared>> -> memref<640xf32, #tpu.memory_space<vmem_shared>>
      %dma_start3A_64 = arith.constant 0 : i32
      %dma_start3A_65 = tpu.memref_slice %arg6[%run_scoped3A_33, %dma_start3A_64] : memref<16x640xf32, #tpu.memory_space<vmem>> -> memref<1x640xf32, #tpu.memory_space<vmem>>
      %dma_start3A_66 = tpu.memref_squeeze %dma_start3A_65 : memref<1x640xf32, #tpu.memory_space<vmem>> -> memref<640xf32, #tpu.memory_space<vmem>>
      %dma_start3A_67 = tpu.memref_slice %arg8[%run_scoped3A_32, %mul3A_20] : memref<16x10240xf32, #tpu.memory_space<vmem_shared>> -> memref<1x640xf32, #tpu.memory_space<vmem_shared>>
      %dma_start3A_68 = tpu.memref_squeeze %dma_start3A_67 : memref<1x640xf32, #tpu.memory_space<vmem_shared>> -> memref<640xf32, #tpu.memory_space<vmem_shared>>
      tpu.enqueue_dma source(%dma_start3A_68 : memref<640xf32, #tpu.memory_space<vmem_shared>>) target(%dma_start3A_66 : memref<640xf32, #tpu.memory_space<vmem>>) target_semaphore(%run_scoped3A_59 : memref<!tpu.dma_semaphore, #tpu.memory_space<semaphore_mem>>)
      %dma_wait3A = arith.constant 0 : i32
      %dma_wait3A_69 = tpu.memref_slice %arg6[%run_scoped3A_33, %dma_wait3A] : memref<16x640xf32, #tpu.memory_space<vmem>> -> memref<1x640xf32, #tpu.memory_space<vmem>>
      %dma_wait3A_70 = tpu.memref_squeeze %dma_wait3A_69 : memref<1x640xf32, #tpu.memory_space<vmem>> -> memref<640xf32, #tpu.memory_space<vmem>>
      %dma_wait3A_71 = tpu.memref_slice %arg8[%run_scoped3A_32, %mul3A_20] : memref<16x10240xf32, #tpu.memory_space<vmem_shared>> -> memref<1x640xf32, #tpu.memory_space<vmem_shared>>
      %dma_wait3A_72 = tpu.memref_squeeze %dma_wait3A_71 : memref<1x640xf32, #tpu.memory_space<vmem_shared>> -> memref<640xf32, #tpu.memory_space<vmem_shared>>
      %dma_wait3A_73 = arith.constant 0 : i32
      %dma_wait3A_74 = tpu.memref_slice %arg6[%run_scoped3A_33, %dma_wait3A_73] : memref<16x640xf32, #tpu.memory_space<vmem>> -> memref<1x640xf32, #tpu.memory_space<vmem>>
      %dma_wait3A_75 = tpu.memref_squeeze %dma_wait3A_74 : memref<1x640xf32, #tpu.memory_space<vmem>> -> memref<640xf32, #tpu.memory_space<vmem>>
      %dma_wait3A_76 = tpu.memref_slice %arg8[%run_scoped3A_32, %mul3A_20] : memref<16x10240xf32, #tpu.memory_space<vmem_shared>> -> memref<1x640xf32, #tpu.memory_space<vmem_shared>>
      %dma_wait3A_77 = tpu.memref_squeeze %dma_wait3A_76 : memref<1x640xf32, #tpu.memory_space<vmem_shared>> -> memref<640xf32, #tpu.memory_space<vmem_shared>>
      tpu.wait_dma2 semaphore(%run_scoped3A_59 : memref<!tpu.dma_semaphore, #tpu.memory_space<semaphore_mem>>) src(%dma_wait3A_77 : memref<640xf32, #tpu.memory_space<vmem_shared>>) dst(%dma_wait3A_75 : memref<640xf32, #tpu.memory_space<vmem>>)
      tpu.yield
    }) : () -> ()
    %run_scoped3A_34 = arith.constant 7 : i32
    %run_scoped3A_35 = arith.constant 7 : i32
    "tpu.region"() ({
      %run_scoped3A_59 = tpu.sem_alloc : memref<!tpu.dma_semaphore, #tpu.memory_space<semaphore_mem>>
      %dma_start3A = arith.constant 0 : i32
      %dma_start3A_60 = tpu.memref_slice %arg6[%run_scoped3A_35, %dma_start3A] : memref<16x640xf32, #tpu.memory_space<vmem>> -> memref<1x640xf32, #tpu.memory_space<vmem>>
      %dma_start3A_61 = tpu.memref_squeeze %dma_start3A_60 : memref<1x640xf32, #tpu.memory_space<vmem>> -> memref<640xf32, #tpu.memory_space<vmem>>
      %dma_start3A_62 = tpu.memref_slice %arg8[%run_scoped3A_34, %mul3A_20] : memref<16x10240xf32, #tpu.memory_space<vmem_shared>> -> memref<1x640xf32, #tpu.memory_space<vmem_shared>>
      %dma_start3A_63 = tpu.memref_squeeze %dma_start3A_62 : memref<1x640xf32, #tpu.memory_space<vmem_shared>> -> memref<640xf32, #tpu.memory_space<vmem_shared>>
      %dma_start3A_64 = arith.constant 0 : i32
      %dma_start3A_65 = tpu.memref_slice %arg6[%run_scoped3A_35, %dma_start3A_64] : memref<16x640xf32, #tpu.memory_space<vmem>> -> memref<1x640xf32, #tpu.memory_space<vmem>>
      %dma_start3A_66 = tpu.memref_squeeze %dma_start3A_65 : memref<1x640xf32, #tpu.memory_space<vmem>> -> memref<640xf32, #tpu.memory_space<vmem>>
      %dma_start3A_67 = tpu.memref_slice %arg8[%run_scoped3A_34, %mul3A_20] : memref<16x10240xf32, #tpu.memory_space<vmem_shared>> -> memref<1x640xf32, #tpu.memory_space<vmem_shared>>
      %dma_start3A_68 = tpu.memref_squeeze %dma_start3A_67 : memref<1x640xf32, #tpu.memory_space<vmem_shared>> -> memref<640xf32, #tpu.memory_space<vmem_shared>>
      tpu.enqueue_dma source(%dma_start3A_68 : memref<640xf32, #tpu.memory_space<vmem_shared>>) target(%dma_start3A_66 : memref<640xf32, #tpu.memory_space<vmem>>) target_semaphore(%run_scoped3A_59 : memref<!tpu.dma_semaphore, #tpu.memory_space<semaphore_mem>>)
      %dma_wait3A = arith.constant 0 : i32
      %dma_wait3A_69 = tpu.memref_slice %arg6[%run_scoped3A_35, %dma_wait3A] : memref<16x640xf32, #tpu.memory_space<vmem>> -> memref<1x640xf32, #tpu.memory_space<vmem>>
      %dma_wait3A_70 = tpu.memref_squeeze %dma_wait3A_69 : memref<1x640xf32, #tpu.memory_space<vmem>> -> memref<640xf32, #tpu.memory_space<vmem>>
      %dma_wait3A_71 = tpu.memref_slice %arg8[%run_scoped3A_34, %mul3A_20] : memref<16x10240xf32, #tpu.memory_space<vmem_shared>> -> memref<1x640xf32, #tpu.memory_space<vmem_shared>>
      %dma_wait3A_72 = tpu.memref_squeeze %dma_wait3A_71 : memref<1x640xf32, #tpu.memory_space<vmem_shared>> -> memref<640xf32, #tpu.memory_space<vmem_shared>>
      %dma_wait3A_73 = arith.constant 0 : i32
      %dma_wait3A_74 = tpu.memref_slice %arg6[%run_scoped3A_35, %dma_wait3A_73] : memref<16x640xf32, #tpu.memory_space<vmem>> -> memref<1x640xf32, #tpu.memory_space<vmem>>
      %dma_wait3A_75 = tpu.memref_squeeze %dma_wait3A_74 : memref<1x640xf32, #tpu.memory_space<vmem>> -> memref<640xf32, #tpu.memory_space<vmem>>
      %dma_wait3A_76 = tpu.memref_slice %arg8[%run_scoped3A_34, %mul3A_20] : memref<16x10240xf32, #tpu.memory_space<vmem_shared>> -> memref<1x640xf32, #tpu.memory_space<vmem_shared>>
      %dma_wait3A_77 = tpu.memref_squeeze %dma_wait3A_76 : memref<1x640xf32, #tpu.memory_space<vmem_shared>> -> memref<640xf32, #tpu.memory_space<vmem_shared>>
      tpu.wait_dma2 semaphore(%run_scoped3A_59 : memref<!tpu.dma_semaphore, #tpu.memory_space<semaphore_mem>>) src(%dma_wait3A_77 : memref<640xf32, #tpu.memory_space<vmem_shared>>) dst(%dma_wait3A_75 : memref<640xf32, #tpu.memory_space<vmem>>)
      tpu.yield
    }) : () -> ()
    %run_scoped3A_36 = arith.constant 8 : i32
    %run_scoped3A_37 = arith.constant 8 : i32
    "tpu.region"() ({
      %run_scoped3A_59 = tpu.sem_alloc : memref<!tpu.dma_semaphore, #tpu.memory_space<semaphore_mem>>
      %dma_start3A = arith.constant 0 : i32
      %dma_start3A_60 = tpu.memref_slice %arg6[%run_scoped3A_37, %dma_start3A] : memref<16x640xf32, #tpu.memory_space<vmem>> -> memref<1x640xf32, #tpu.memory_space<vmem>>
      %dma_start3A_61 = tpu.memref_squeeze %dma_start3A_60 : memref<1x640xf32, #tpu.memory_space<vmem>> -> memref<640xf32, #tpu.memory_space<vmem>>
      %dma_start3A_62 = tpu.memref_slice %arg8[%run_scoped3A_36, %mul3A_20] : memref<16x10240xf32, #tpu.memory_space<vmem_shared>> -> memref<1x640xf32, #tpu.memory_space<vmem_shared>>
      %dma_start3A_63 = tpu.memref_squeeze %dma_start3A_62 : memref<1x640xf32, #tpu.memory_space<vmem_shared>> -> memref<640xf32, #tpu.memory_space<vmem_shared>>
      %dma_start3A_64 = arith.constant 0 : i32
      %dma_start3A_65 = tpu.memref_slice %arg6[%run_scoped3A_37, %dma_start3A_64] : memref<16x640xf32, #tpu.memory_space<vmem>> -> memref<1x640xf32, #tpu.memory_space<vmem>>
      %dma_start3A_66 = tpu.memref_squeeze %dma_start3A_65 : memref<1x640xf32, #tpu.memory_space<vmem>> -> memref<640xf32, #tpu.memory_space<vmem>>
      %dma_start3A_67 = tpu.memref_slice %arg8[%run_scoped3A_36, %mul3A_20] : memref<16x10240xf32, #tpu.memory_space<vmem_shared>> -> memref<1x640xf32, #tpu.memory_space<vmem_shared>>
      %dma_start3A_68 = tpu.memref_squeeze %dma_start3A_67 : memref<1x640xf32, #tpu.memory_space<vmem_shared>> -> memref<640xf32, #tpu.memory_space<vmem_shared>>
      tpu.enqueue_dma source(%dma_start3A_68 : memref<640xf32, #tpu.memory_space<vmem_shared>>) target(%dma_start3A_66 : memref<640xf32, #tpu.memory_space<vmem>>) target_semaphore(%run_scoped3A_59 : memref<!tpu.dma_semaphore, #tpu.memory_space<semaphore_mem>>)
      %dma_wait3A = arith.constant 0 : i32
      %dma_wait3A_69 = tpu.memref_slice %arg6[%run_scoped3A_37, %dma_wait3A] : memref<16x640xf32, #tpu.memory_space<vmem>> -> memref<1x640xf32, #tpu.memory_space<vmem>>
      %dma_wait3A_70 = tpu.memref_squeeze %dma_wait3A_69 : memref<1x640xf32, #tpu.memory_space<vmem>> -> memref<640xf32, #tpu.memory_space<vmem>>
      %dma_wait3A_71 = tpu.memref_slice %arg8[%run_scoped3A_36, %mul3A_20] : memref<16x10240xf32, #tpu.memory_space<vmem_shared>> -> memref<1x640xf32, #tpu.memory_space<vmem_shared>>
      %dma_wait3A_72 = tpu.memref_squeeze %dma_wait3A_71 : memref<1x640xf32, #tpu.memory_space<vmem_shared>> -> memref<640xf32, #tpu.memory_space<vmem_shared>>
      %dma_wait3A_73 = arith.constant 0 : i32
      %dma_wait3A_74 = tpu.memref_slice %arg6[%run_scoped3A_37, %dma_wait3A_73] : memref<16x640xf32, #tpu.memory_space<vmem>> -> memref<1x640xf32, #tpu.memory_space<vmem>>
      %dma_wait3A_75 = tpu.memref_squeeze %dma_wait3A_74 : memref<1x640xf32, #tpu.memory_space<vmem>> -> memref<640xf32, #tpu.memory_space<vmem>>
      %dma_wait3A_76 = tpu.memref_slice %arg8[%run_scoped3A_36, %mul3A_20] : memref<16x10240xf32, #tpu.memory_space<vmem_shared>> -> memref<1x640xf32, #tpu.memory_space<vmem_shared>>
      %dma_wait3A_77 = tpu.memref_squeeze %dma_wait3A_76 : memref<1x640xf32, #tpu.memory_space<vmem_shared>> -> memref<640xf32, #tpu.memory_space<vmem_shared>>
      tpu.wait_dma2 semaphore(%run_scoped3A_59 : memref<!tpu.dma_semaphore, #tpu.memory_space<semaphore_mem>>) src(%dma_wait3A_77 : memref<640xf32, #tpu.memory_space<vmem_shared>>) dst(%dma_wait3A_75 : memref<640xf32, #tpu.memory_space<vmem>>)
      tpu.yield
    }) : () -> ()
    %run_scoped3A_38 = arith.constant 9 : i32
    %run_scoped3A_39 = arith.constant 9 : i32
    "tpu.region"() ({
      %run_scoped3A_59 = tpu.sem_alloc : memref<!tpu.dma_semaphore, #tpu.memory_space<semaphore_mem>>
      %dma_start3A = arith.constant 0 : i32
      %dma_start3A_60 = tpu.memref_slice %arg6[%run_scoped3A_39, %dma_start3A] : memref<16x640xf32, #tpu.memory_space<vmem>> -> memref<1x640xf32, #tpu.memory_space<vmem>>
      %dma_start3A_61 = tpu.memref_squeeze %dma_start3A_60 : memref<1x640xf32, #tpu.memory_space<vmem>> -> memref<640xf32, #tpu.memory_space<vmem>>
      %dma_start3A_62 = tpu.memref_slice %arg8[%run_scoped3A_38, %mul3A_20] : memref<16x10240xf32, #tpu.memory_space<vmem_shared>> -> memref<1x640xf32, #tpu.memory_space<vmem_shared>>
      %dma_start3A_63 = tpu.memref_squeeze %dma_start3A_62 : memref<1x640xf32, #tpu.memory_space<vmem_shared>> -> memref<640xf32, #tpu.memory_space<vmem_shared>>
      %dma_start3A_64 = arith.constant 0 : i32
      %dma_start3A_65 = tpu.memref_slice %arg6[%run_scoped3A_39, %dma_start3A_64] : memref<16x640xf32, #tpu.memory_space<vmem>> -> memref<1x640xf32, #tpu.memory_space<vmem>>
      %dma_start3A_66 = tpu.memref_squeeze %dma_start3A_65 : memref<1x640xf32, #tpu.memory_space<vmem>> -> memref<640xf32, #tpu.memory_space<vmem>>
      %dma_start3A_67 = tpu.memref_slice %arg8[%run_scoped3A_38, %mul3A_20] : memref<16x10240xf32, #tpu.memory_space<vmem_shared>> -> memref<1x640xf32, #tpu.memory_space<vmem_shared>>
      %dma_start3A_68 = tpu.memref_squeeze %dma_start3A_67 : memref<1x640xf32, #tpu.memory_space<vmem_shared>> -> memref<640xf32, #tpu.memory_space<vmem_shared>>
      tpu.enqueue_dma source(%dma_start3A_68 : memref<640xf32, #tpu.memory_space<vmem_shared>>) target(%dma_start3A_66 : memref<640xf32, #tpu.memory_space<vmem>>) target_semaphore(%run_scoped3A_59 : memref<!tpu.dma_semaphore, #tpu.memory_space<semaphore_mem>>)
      %dma_wait3A = arith.constant 0 : i32
      %dma_wait3A_69 = tpu.memref_slice %arg6[%run_scoped3A_39, %dma_wait3A] : memref<16x640xf32, #tpu.memory_space<vmem>> -> memref<1x640xf32, #tpu.memory_space<vmem>>
      %dma_wait3A_70 = tpu.memref_squeeze %dma_wait3A_69 : memref<1x640xf32, #tpu.memory_space<vmem>> -> memref<640xf32, #tpu.memory_space<vmem>>
      %dma_wait3A_71 = tpu.memref_slice %arg8[%run_scoped3A_38, %mul3A_20] : memref<16x10240xf32, #tpu.memory_space<vmem_shared>> -> memref<1x640xf32, #tpu.memory_space<vmem_shared>>
      %dma_wait3A_72 = tpu.memref_squeeze %dma_wait3A_71 : memref<1x640xf32, #tpu.memory_space<vmem_shared>> -> memref<640xf32, #tpu.memory_space<vmem_shared>>
      %dma_wait3A_73 = arith.constant 0 : i32
      %dma_wait3A_74 = tpu.memref_slice %arg6[%run_scoped3A_39, %dma_wait3A_73] : memref<16x640xf32, #tpu.memory_space<vmem>> -> memref<1x640xf32, #tpu.memory_space<vmem>>
      %dma_wait3A_75 = tpu.memref_squeeze %dma_wait3A_74 : memref<1x640xf32, #tpu.memory_space<vmem>> -> memref<640xf32, #tpu.memory_space<vmem>>
      %dma_wait3A_76 = tpu.memref_slice %arg8[%run_scoped3A_38, %mul3A_20] : memref<16x10240xf32, #tpu.memory_space<vmem_shared>> -> memref<1x640xf32, #tpu.memory_space<vmem_shared>>
      %dma_wait3A_77 = tpu.memref_squeeze %dma_wait3A_76 : memref<1x640xf32, #tpu.memory_space<vmem_shared>> -> memref<640xf32, #tpu.memory_space<vmem_shared>>
      tpu.wait_dma2 semaphore(%run_scoped3A_59 : memref<!tpu.dma_semaphore, #tpu.memory_space<semaphore_mem>>) src(%dma_wait3A_77 : memref<640xf32, #tpu.memory_space<vmem_shared>>) dst(%dma_wait3A_75 : memref<640xf32, #tpu.memory_space<vmem>>)
      tpu.yield
    }) : () -> ()
    %run_scoped3A_40 = arith.constant 10 : i32
    %run_scoped3A_41 = arith.constant 10 : i32
    "tpu.region"() ({
      %run_scoped3A_59 = tpu.sem_alloc : memref<!tpu.dma_semaphore, #tpu.memory_space<semaphore_mem>>
      %dma_start3A = arith.constant 0 : i32
      %dma_start3A_60 = tpu.memref_slice %arg6[%run_scoped3A_41, %dma_start3A] : memref<16x640xf32, #tpu.memory_space<vmem>> -> memref<1x640xf32, #tpu.memory_space<vmem>>
      %dma_start3A_61 = tpu.memref_squeeze %dma_start3A_60 : memref<1x640xf32, #tpu.memory_space<vmem>> -> memref<640xf32, #tpu.memory_space<vmem>>
      %dma_start3A_62 = tpu.memref_slice %arg8[%run_scoped3A_40, %mul3A_20] : memref<16x10240xf32, #tpu.memory_space<vmem_shared>> -> memref<1x640xf32, #tpu.memory_space<vmem_shared>>
      %dma_start3A_63 = tpu.memref_squeeze %dma_start3A_62 : memref<1x640xf32, #tpu.memory_space<vmem_shared>> -> memref<640xf32, #tpu.memory_space<vmem_shared>>
      %dma_start3A_64 = arith.constant 0 : i32
      %dma_start3A_65 = tpu.memref_slice %arg6[%run_scoped3A_41, %dma_start3A_64] : memref<16x640xf32, #tpu.memory_space<vmem>> -> memref<1x640xf32, #tpu.memory_space<vmem>>
      %dma_start3A_66 = tpu.memref_squeeze %dma_start3A_65 : memref<1x640xf32, #tpu.memory_space<vmem>> -> memref<640xf32, #tpu.memory_space<vmem>>
      %dma_start3A_67 = tpu.memref_slice %arg8[%run_scoped3A_40, %mul3A_20] : memref<16x10240xf32, #tpu.memory_space<vmem_shared>> -> memref<1x640xf32, #tpu.memory_space<vmem_shared>>
      %dma_start3A_68 = tpu.memref_squeeze %dma_start3A_67 : memref<1x640xf32, #tpu.memory_space<vmem_shared>> -> memref<640xf32, #tpu.memory_space<vmem_shared>>
      tpu.enqueue_dma source(%dma_start3A_68 : memref<640xf32, #tpu.memory_space<vmem_shared>>) target(%dma_start3A_66 : memref<640xf32, #tpu.memory_space<vmem>>) target_semaphore(%run_scoped3A_59 : memref<!tpu.dma_semaphore, #tpu.memory_space<semaphore_mem>>)
      %dma_wait3A = arith.constant 0 : i32
      %dma_wait3A_69 = tpu.memref_slice %arg6[%run_scoped3A_41, %dma_wait3A] : memref<16x640xf32, #tpu.memory_space<vmem>> -> memref<1x640xf32, #tpu.memory_space<vmem>>
      %dma_wait3A_70 = tpu.memref_squeeze %dma_wait3A_69 : memref<1x640xf32, #tpu.memory_space<vmem>> -> memref<640xf32, #tpu.memory_space<vmem>>
      %dma_wait3A_71 = tpu.memref_slice %arg8[%run_scoped3A_40, %mul3A_20] : memref<16x10240xf32, #tpu.memory_space<vmem_shared>> -> memref<1x640xf32, #tpu.memory_space<vmem_shared>>
      %dma_wait3A_72 = tpu.memref_squeeze %dma_wait3A_71 : memref<1x640xf32, #tpu.memory_space<vmem_shared>> -> memref<640xf32, #tpu.memory_space<vmem_shared>>
      %dma_wait3A_73 = arith.constant 0 : i32
      %dma_wait3A_74 = tpu.memref_slice %arg6[%run_scoped3A_41, %dma_wait3A_73] : memref<16x640xf32, #tpu.memory_space<vmem>> -> memref<1x640xf32, #tpu.memory_space<vmem>>
      %dma_wait3A_75 = tpu.memref_squeeze %dma_wait3A_74 : memref<1x640xf32, #tpu.memory_space<vmem>> -> memref<640xf32, #tpu.memory_space<vmem>>
      %dma_wait3A_76 = tpu.memref_slice %arg8[%run_scoped3A_40, %mul3A_20] : memref<16x10240xf32, #tpu.memory_space<vmem_shared>> -> memref<1x640xf32, #tpu.memory_space<vmem_shared>>
      %dma_wait3A_77 = tpu.memref_squeeze %dma_wait3A_76 : memref<1x640xf32, #tpu.memory_space<vmem_shared>> -> memref<640xf32, #tpu.memory_space<vmem_shared>>
      tpu.wait_dma2 semaphore(%run_scoped3A_59 : memref<!tpu.dma_semaphore, #tpu.memory_space<semaphore_mem>>) src(%dma_wait3A_77 : memref<640xf32, #tpu.memory_space<vmem_shared>>) dst(%dma_wait3A_75 : memref<640xf32, #tpu.memory_space<vmem>>)
      tpu.yield
    }) : () -> ()
    %run_scoped3A_42 = arith.constant 11 : i32
    %run_scoped3A_43 = arith.constant 11 : i32
    "tpu.region"() ({
      %run_scoped3A_59 = tpu.sem_alloc : memref<!tpu.dma_semaphore, #tpu.memory_space<semaphore_mem>>
      %dma_start3A = arith.constant 0 : i32
      %dma_start3A_60 = tpu.memref_slice %arg6[%run_scoped3A_43, %dma_start3A] : memref<16x640xf32, #tpu.memory_space<vmem>> -> memref<1x640xf32, #tpu.memory_space<vmem>>
      %dma_start3A_61 = tpu.memref_squeeze %dma_start3A_60 : memref<1x640xf32, #tpu.memory_space<vmem>> -> memref<640xf32, #tpu.memory_space<vmem>>
      %dma_start3A_62 = tpu.memref_slice %arg8[%run_scoped3A_42, %mul3A_20] : memref<16x10240xf32, #tpu.memory_space<vmem_shared>> -> memref<1x640xf32, #tpu.memory_space<vmem_shared>>
      %dma_start3A_63 = tpu.memref_squeeze %dma_start3A_62 : memref<1x640xf32, #tpu.memory_space<vmem_shared>> -> memref<640xf32, #tpu.memory_space<vmem_shared>>
      %dma_start3A_64 = arith.constant 0 : i32
      %dma_start3A_65 = tpu.memref_slice %arg6[%run_scoped3A_43, %dma_start3A_64] : memref<16x640xf32, #tpu.memory_space<vmem>> -> memref<1x640xf32, #tpu.memory_space<vmem>>
      %dma_start3A_66 = tpu.memref_squeeze %dma_start3A_65 : memref<1x640xf32, #tpu.memory_space<vmem>> -> memref<640xf32, #tpu.memory_space<vmem>>
      %dma_start3A_67 = tpu.memref_slice %arg8[%run_scoped3A_42, %mul3A_20] : memref<16x10240xf32, #tpu.memory_space<vmem_shared>> -> memref<1x640xf32, #tpu.memory_space<vmem_shared>>
      %dma_start3A_68 = tpu.memref_squeeze %dma_start3A_67 : memref<1x640xf32, #tpu.memory_space<vmem_shared>> -> memref<640xf32, #tpu.memory_space<vmem_shared>>
      tpu.enqueue_dma source(%dma_start3A_68 : memref<640xf32, #tpu.memory_space<vmem_shared>>) target(%dma_start3A_66 : memref<640xf32, #tpu.memory_space<vmem>>) target_semaphore(%run_scoped3A_59 : memref<!tpu.dma_semaphore, #tpu.memory_space<semaphore_mem>>)
      %dma_wait3A = arith.constant 0 : i32
      %dma_wait3A_69 = tpu.memref_slice %arg6[%run_scoped3A_43, %dma_wait3A] : memref<16x640xf32, #tpu.memory_space<vmem>> -> memref<1x640xf32, #tpu.memory_space<vmem>>
      %dma_wait3A_70 = tpu.memref_squeeze %dma_wait3A_69 : memref<1x640xf32, #tpu.memory_space<vmem>> -> memref<640xf32, #tpu.memory_space<vmem>>
      %dma_wait3A_71 = tpu.memref_slice %arg8[%run_scoped3A_42, %mul3A_20] : memref<16x10240xf32, #tpu.memory_space<vmem_shared>> -> memref<1x640xf32, #tpu.memory_space<vmem_shared>>
      %dma_wait3A_72 = tpu.memref_squeeze %dma_wait3A_71 : memref<1x640xf32, #tpu.memory_space<vmem_shared>> -> memref<640xf32, #tpu.memory_space<vmem_shared>>
      %dma_wait3A_73 = arith.constant 0 : i32
      %dma_wait3A_74 = tpu.memref_slice %arg6[%run_scoped3A_43, %dma_wait3A_73] : memref<16x640xf32, #tpu.memory_space<vmem>> -> memref<1x640xf32, #tpu.memory_space<vmem>>
      %dma_wait3A_75 = tpu.memref_squeeze %dma_wait3A_74 : memref<1x640xf32, #tpu.memory_space<vmem>> -> memref<640xf32, #tpu.memory_space<vmem>>
      %dma_wait3A_76 = tpu.memref_slice %arg8[%run_scoped3A_42, %mul3A_20] : memref<16x10240xf32, #tpu.memory_space<vmem_shared>> -> memref<1x640xf32, #tpu.memory_space<vmem_shared>>
      %dma_wait3A_77 = tpu.memref_squeeze %dma_wait3A_76 : memref<1x640xf32, #tpu.memory_space<vmem_shared>> -> memref<640xf32, #tpu.memory_space<vmem_shared>>
      tpu.wait_dma2 semaphore(%run_scoped3A_59 : memref<!tpu.dma_semaphore, #tpu.memory_space<semaphore_mem>>) src(%dma_wait3A_77 : memref<640xf32, #tpu.memory_space<vmem_shared>>) dst(%dma_wait3A_75 : memref<640xf32, #tpu.memory_space<vmem>>)
      tpu.yield
    }) : () -> ()
    %run_scoped3A_44 = arith.constant 12 : i32
    %run_scoped3A_45 = arith.constant 12 : i32
    "tpu.region"() ({
      %run_scoped3A_59 = tpu.sem_alloc : memref<!tpu.dma_semaphore, #tpu.memory_space<semaphore_mem>>
      %dma_start3A = arith.constant 0 : i32
      %dma_start3A_60 = tpu.memref_slice %arg6[%run_scoped3A_45, %dma_start3A] : memref<16x640xf32, #tpu.memory_space<vmem>> -> memref<1x640xf32, #tpu.memory_space<vmem>>
      %dma_start3A_61 = tpu.memref_squeeze %dma_start3A_60 : memref<1x640xf32, #tpu.memory_space<vmem>> -> memref<640xf32, #tpu.memory_space<vmem>>
      %dma_start3A_62 = tpu.memref_slice %arg8[%run_scoped3A_44, %mul3A_20] : memref<16x10240xf32, #tpu.memory_space<vmem_shared>> -> memref<1x640xf32, #tpu.memory_space<vmem_shared>>
      %dma_start3A_63 = tpu.memref_squeeze %dma_start3A_62 : memref<1x640xf32, #tpu.memory_space<vmem_shared>> -> memref<640xf32, #tpu.memory_space<vmem_shared>>
      %dma_start3A_64 = arith.constant 0 : i32
      %dma_start3A_65 = tpu.memref_slice %arg6[%run_scoped3A_45, %dma_start3A_64] : memref<16x640xf32, #tpu.memory_space<vmem>> -> memref<1x640xf32, #tpu.memory_space<vmem>>
      %dma_start3A_66 = tpu.memref_squeeze %dma_start3A_65 : memref<1x640xf32, #tpu.memory_space<vmem>> -> memref<640xf32, #tpu.memory_space<vmem>>
      %dma_start3A_67 = tpu.memref_slice %arg8[%run_scoped3A_44, %mul3A_20] : memref<16x10240xf32, #tpu.memory_space<vmem_shared>> -> memref<1x640xf32, #tpu.memory_space<vmem_shared>>
      %dma_start3A_68 = tpu.memref_squeeze %dma_start3A_67 : memref<1x640xf32, #tpu.memory_space<vmem_shared>> -> memref<640xf32, #tpu.memory_space<vmem_shared>>
      tpu.enqueue_dma source(%dma_start3A_68 : memref<640xf32, #tpu.memory_space<vmem_shared>>) target(%dma_start3A_66 : memref<640xf32, #tpu.memory_space<vmem>>) target_semaphore(%run_scoped3A_59 : memref<!tpu.dma_semaphore, #tpu.memory_space<semaphore_mem>>)
      %dma_wait3A = arith.constant 0 : i32
      %dma_wait3A_69 = tpu.memref_slice %arg6[%run_scoped3A_45, %dma_wait3A] : memref<16x640xf32, #tpu.memory_space<vmem>> -> memref<1x640xf32, #tpu.memory_space<vmem>>
      %dma_wait3A_70 = tpu.memref_squeeze %dma_wait3A_69 : memref<1x640xf32, #tpu.memory_space<vmem>> -> memref<640xf32, #tpu.memory_space<vmem>>
      %dma_wait3A_71 = tpu.memref_slice %arg8[%run_scoped3A_44, %mul3A_20] : memref<16x10240xf32, #tpu.memory_space<vmem_shared>> -> memref<1x640xf32, #tpu.memory_space<vmem_shared>>
      %dma_wait3A_72 = tpu.memref_squeeze %dma_wait3A_71 : memref<1x640xf32, #tpu.memory_space<vmem_shared>> -> memref<640xf32, #tpu.memory_space<vmem_shared>>
      %dma_wait3A_73 = arith.constant 0 : i32
      %dma_wait3A_74 = tpu.memref_slice %arg6[%run_scoped3A_45, %dma_wait3A_73] : memref<16x640xf32, #tpu.memory_space<vmem>> -> memref<1x640xf32, #tpu.memory_space<vmem>>
      %dma_wait3A_75 = tpu.memref_squeeze %dma_wait3A_74 : memref<1x640xf32, #tpu.memory_space<vmem>> -> memref<640xf32, #tpu.memory_space<vmem>>
      %dma_wait3A_76 = tpu.memref_slice %arg8[%run_scoped3A_44, %mul3A_20] : memref<16x10240xf32, #tpu.memory_space<vmem_shared>> -> memref<1x640xf32, #tpu.memory_space<vmem_shared>>
      %dma_wait3A_77 = tpu.memref_squeeze %dma_wait3A_76 : memref<1x640xf32, #tpu.memory_space<vmem_shared>> -> memref<640xf32, #tpu.memory_space<vmem_shared>>
      tpu.wait_dma2 semaphore(%run_scoped3A_59 : memref<!tpu.dma_semaphore, #tpu.memory_space<semaphore_mem>>) src(%dma_wait3A_77 : memref<640xf32, #tpu.memory_space<vmem_shared>>) dst(%dma_wait3A_75 : memref<640xf32, #tpu.memory_space<vmem>>)
      tpu.yield
    }) : () -> ()
    %run_scoped3A_46 = arith.constant 13 : i32
    %run_scoped3A_47 = arith.constant 13 : i32
    "tpu.region"() ({
      %run_scoped3A_59 = tpu.sem_alloc : memref<!tpu.dma_semaphore, #tpu.memory_space<semaphore_mem>>
      %dma_start3A = arith.constant 0 : i32
      %dma_start3A_60 = tpu.memref_slice %arg6[%run_scoped3A_47, %dma_start3A] : memref<16x640xf32, #tpu.memory_space<vmem>> -> memref<1x640xf32, #tpu.memory_space<vmem>>
      %dma_start3A_61 = tpu.memref_squeeze %dma_start3A_60 : memref<1x640xf32, #tpu.memory_space<vmem>> -> memref<640xf32, #tpu.memory_space<vmem>>
      %dma_start3A_62 = tpu.memref_slice %arg8[%run_scoped3A_46, %mul3A_20] : memref<16x10240xf32, #tpu.memory_space<vmem_shared>> -> memref<1x640xf32, #tpu.memory_space<vmem_shared>>
      %dma_start3A_63 = tpu.memref_squeeze %dma_start3A_62 : memref<1x640xf32, #tpu.memory_space<vmem_shared>> -> memref<640xf32, #tpu.memory_space<vmem_shared>>
      %dma_start3A_64 = arith.constant 0 : i32
      %dma_start3A_65 = tpu.memref_slice %arg6[%run_scoped3A_47, %dma_start3A_64] : memref<16x640xf32, #tpu.memory_space<vmem>> -> memref<1x640xf32, #tpu.memory_space<vmem>>
      %dma_start3A_66 = tpu.memref_squeeze %dma_start3A_65 : memref<1x640xf32, #tpu.memory_space<vmem>> -> memref<640xf32, #tpu.memory_space<vmem>>
      %dma_start3A_67 = tpu.memref_slice %arg8[%run_scoped3A_46, %mul3A_20] : memref<16x10240xf32, #tpu.memory_space<vmem_shared>> -> memref<1x640xf32, #tpu.memory_space<vmem_shared>>
      %dma_start3A_68 = tpu.memref_squeeze %dma_start3A_67 : memref<1x640xf32, #tpu.memory_space<vmem_shared>> -> memref<640xf32, #tpu.memory_space<vmem_shared>>
      tpu.enqueue_dma source(%dma_start3A_68 : memref<640xf32, #tpu.memory_space<vmem_shared>>) target(%dma_start3A_66 : memref<640xf32, #tpu.memory_space<vmem>>) target_semaphore(%run_scoped3A_59 : memref<!tpu.dma_semaphore, #tpu.memory_space<semaphore_mem>>)
      %dma_wait3A = arith.constant 0 : i32
      %dma_wait3A_69 = tpu.memref_slice %arg6[%run_scoped3A_47, %dma_wait3A] : memref<16x640xf32, #tpu.memory_space<vmem>> -> memref<1x640xf32, #tpu.memory_space<vmem>>
      %dma_wait3A_70 = tpu.memref_squeeze %dma_wait3A_69 : memref<1x640xf32, #tpu.memory_space<vmem>> -> memref<640xf32, #tpu.memory_space<vmem>>
      %dma_wait3A_71 = tpu.memref_slice %arg8[%run_scoped3A_46, %mul3A_20] : memref<16x10240xf32, #tpu.memory_space<vmem_shared>> -> memref<1x640xf32, #tpu.memory_space<vmem_shared>>
      %dma_wait3A_72 = tpu.memref_squeeze %dma_wait3A_71 : memref<1x640xf32, #tpu.memory_space<vmem_shared>> -> memref<640xf32, #tpu.memory_space<vmem_shared>>
      %dma_wait3A_73 = arith.constant 0 : i32
      %dma_wait3A_74 = tpu.memref_slice %arg6[%run_scoped3A_47, %dma_wait3A_73] : memref<16x640xf32, #tpu.memory_space<vmem>> -> memref<1x640xf32, #tpu.memory_space<vmem>>
      %dma_wait3A_75 = tpu.memref_squeeze %dma_wait3A_74 : memref<1x640xf32, #tpu.memory_space<vmem>> -> memref<640xf32, #tpu.memory_space<vmem>>
      %dma_wait3A_76 = tpu.memref_slice %arg8[%run_scoped3A_46, %mul3A_20] : memref<16x10240xf32, #tpu.memory_space<vmem_shared>> -> memref<1x640xf32, #tpu.memory_space<vmem_shared>>
      %dma_wait3A_77 = tpu.memref_squeeze %dma_wait3A_76 : memref<1x640xf32, #tpu.memory_space<vmem_shared>> -> memref<640xf32, #tpu.memory_space<vmem_shared>>
      tpu.wait_dma2 semaphore(%run_scoped3A_59 : memref<!tpu.dma_semaphore, #tpu.memory_space<semaphore_mem>>) src(%dma_wait3A_77 : memref<640xf32, #tpu.memory_space<vmem_shared>>) dst(%dma_wait3A_75 : memref<640xf32, #tpu.memory_space<vmem>>)
      tpu.yield
    }) : () -> ()
    %run_scoped3A_48 = arith.constant 14 : i32
    %run_scoped3A_49 = arith.constant 14 : i32
    "tpu.region"() ({
      %run_scoped3A_59 = tpu.sem_alloc : memref<!tpu.dma_semaphore, #tpu.memory_space<semaphore_mem>>
      %dma_start3A = arith.constant 0 : i32
      %dma_start3A_60 = tpu.memref_slice %arg6[%run_scoped3A_49, %dma_start3A] : memref<16x640xf32, #tpu.memory_space<vmem>> -> memref<1x640xf32, #tpu.memory_space<vmem>>
      %dma_start3A_61 = tpu.memref_squeeze %dma_start3A_60 : memref<1x640xf32, #tpu.memory_space<vmem>> -> memref<640xf32, #tpu.memory_space<vmem>>
      %dma_start3A_62 = tpu.memref_slice %arg8[%run_scoped3A_48, %mul3A_20] : memref<16x10240xf32, #tpu.memory_space<vmem_shared>> -> memref<1x640xf32, #tpu.memory_space<vmem_shared>>
      %dma_start3A_63 = tpu.memref_squeeze %dma_start3A_62 : memref<1x640xf32, #tpu.memory_space<vmem_shared>> -> memref<640xf32, #tpu.memory_space<vmem_shared>>
      %dma_start3A_64 = arith.constant 0 : i32
      %dma_start3A_65 = tpu.memref_slice %arg6[%run_scoped3A_49, %dma_start3A_64] : memref<16x640xf32, #tpu.memory_space<vmem>> -> memref<1x640xf32, #tpu.memory_space<vmem>>
      %dma_start3A_66 = tpu.memref_squeeze %dma_start3A_65 : memref<1x640xf32, #tpu.memory_space<vmem>> -> memref<640xf32, #tpu.memory_space<vmem>>
      %dma_start3A_67 = tpu.memref_slice %arg8[%run_scoped3A_48, %mul3A_20] : memref<16x10240xf32, #tpu.memory_space<vmem_shared>> -> memref<1x640xf32, #tpu.memory_space<vmem_shared>>
      %dma_start3A_68 = tpu.memref_squeeze %dma_start3A_67 : memref<1x640xf32, #tpu.memory_space<vmem_shared>> -> memref<640xf32, #tpu.memory_space<vmem_shared>>
      tpu.enqueue_dma source(%dma_start3A_68 : memref<640xf32, #tpu.memory_space<vmem_shared>>) target(%dma_start3A_66 : memref<640xf32, #tpu.memory_space<vmem>>) target_semaphore(%run_scoped3A_59 : memref<!tpu.dma_semaphore, #tpu.memory_space<semaphore_mem>>)
      %dma_wait3A = arith.constant 0 : i32
      %dma_wait3A_69 = tpu.memref_slice %arg6[%run_scoped3A_49, %dma_wait3A] : memref<16x640xf32, #tpu.memory_space<vmem>> -> memref<1x640xf32, #tpu.memory_space<vmem>>
      %dma_wait3A_70 = tpu.memref_squeeze %dma_wait3A_69 : memref<1x640xf32, #tpu.memory_space<vmem>> -> memref<640xf32, #tpu.memory_space<vmem>>
      %dma_wait3A_71 = tpu.memref_slice %arg8[%run_scoped3A_48, %mul3A_20] : memref<16x10240xf32, #tpu.memory_space<vmem_shared>> -> memref<1x640xf32, #tpu.memory_space<vmem_shared>>
      %dma_wait3A_72 = tpu.memref_squeeze %dma_wait3A_71 : memref<1x640xf32, #tpu.memory_space<vmem_shared>> -> memref<640xf32, #tpu.memory_space<vmem_shared>>
      %dma_wait3A_73 = arith.constant 0 : i32
      %dma_wait3A_74 = tpu.memref_slice %arg6[%run_scoped3A_49, %dma_wait3A_73] : memref<16x640xf32, #tpu.memory_space<vmem>> -> memref<1x640xf32, #tpu.memory_space<vmem>>
      %dma_wait3A_75 = tpu.memref_squeeze %dma_wait3A_74 : memref<1x640xf32, #tpu.memory_space<vmem>> -> memref<640xf32, #tpu.memory_space<vmem>>
      %dma_wait3A_76 = tpu.memref_slice %arg8[%run_scoped3A_48, %mul3A_20] : memref<16x10240xf32, #tpu.memory_space<vmem_shared>> -> memref<1x640xf32, #tpu.memory_space<vmem_shared>>
      %dma_wait3A_77 = tpu.memref_squeeze %dma_wait3A_76 : memref<1x640xf32, #tpu.memory_space<vmem_shared>> -> memref<640xf32, #tpu.memory_space<vmem_shared>>
      tpu.wait_dma2 semaphore(%run_scoped3A_59 : memref<!tpu.dma_semaphore, #tpu.memory_space<semaphore_mem>>) src(%dma_wait3A_77 : memref<640xf32, #tpu.memory_space<vmem_shared>>) dst(%dma_wait3A_75 : memref<640xf32, #tpu.memory_space<vmem>>)
      tpu.yield
    }) : () -> ()
    %run_scoped3A_50 = arith.constant 15 : i32
    %run_scoped3A_51 = arith.constant 15 : i32
    "tpu.region"() ({
      %run_scoped3A_59 = tpu.sem_alloc : memref<!tpu.dma_semaphore, #tpu.memory_space<semaphore_mem>>
      %dma_start3A = arith.constant 0 : i32
      %dma_start3A_60 = tpu.memref_slice %arg6[%run_scoped3A_51, %dma_start3A] : memref<16x640xf32, #tpu.memory_space<vmem>> -> memref<1x640xf32, #tpu.memory_space<vmem>>
      %dma_start3A_61 = tpu.memref_squeeze %dma_start3A_60 : memref<1x640xf32, #tpu.memory_space<vmem>> -> memref<640xf32, #tpu.memory_space<vmem>>
      %dma_start3A_62 = tpu.memref_slice %arg8[%run_scoped3A_50, %mul3A_20] : memref<16x10240xf32, #tpu.memory_space<vmem_shared>> -> memref<1x640xf32, #tpu.memory_space<vmem_shared>>
      %dma_start3A_63 = tpu.memref_squeeze %dma_start3A_62 : memref<1x640xf32, #tpu.memory_space<vmem_shared>> -> memref<640xf32, #tpu.memory_space<vmem_shared>>
      %dma_start3A_64 = arith.constant 0 : i32
      %dma_start3A_65 = tpu.memref_slice %arg6[%run_scoped3A_51, %dma_start3A_64] : memref<16x640xf32, #tpu.memory_space<vmem>> -> memref<1x640xf32, #tpu.memory_space<vmem>>
      %dma_start3A_66 = tpu.memref_squeeze %dma_start3A_65 : memref<1x640xf32, #tpu.memory_space<vmem>> -> memref<640xf32, #tpu.memory_space<vmem>>
      %dma_start3A_67 = tpu.memref_slice %arg8[%run_scoped3A_50, %mul3A_20] : memref<16x10240xf32, #tpu.memory_space<vmem_shared>> -> memref<1x640xf32, #tpu.memory_space<vmem_shared>>
      %dma_start3A_68 = tpu.memref_squeeze %dma_start3A_67 : memref<1x640xf32, #tpu.memory_space<vmem_shared>> -> memref<640xf32, #tpu.memory_space<vmem_shared>>
      tpu.enqueue_dma source(%dma_start3A_68 : memref<640xf32, #tpu.memory_space<vmem_shared>>) target(%dma_start3A_66 : memref<640xf32, #tpu.memory_space<vmem>>) target_semaphore(%run_scoped3A_59 : memref<!tpu.dma_semaphore, #tpu.memory_space<semaphore_mem>>)
      %dma_wait3A = arith.constant 0 : i32
      %dma_wait3A_69 = tpu.memref_slice %arg6[%run_scoped3A_51, %dma_wait3A] : memref<16x640xf32, #tpu.memory_space<vmem>> -> memref<1x640xf32, #tpu.memory_space<vmem>>
      %dma_wait3A_70 = tpu.memref_squeeze %dma_wait3A_69 : memref<1x640xf32, #tpu.memory_space<vmem>> -> memref<640xf32, #tpu.memory_space<vmem>>
      %dma_wait3A_71 = tpu.memref_slice %arg8[%run_scoped3A_50, %mul3A_20] : memref<16x10240xf32, #tpu.memory_space<vmem_shared>> -> memref<1x640xf32, #tpu.memory_space<vmem_shared>>
      %dma_wait3A_72 = tpu.memref_squeeze %dma_wait3A_71 : memref<1x640xf32, #tpu.memory_space<vmem_shared>> -> memref<640xf32, #tpu.memory_space<vmem_shared>>
      %dma_wait3A_73 = arith.constant 0 : i32
      %dma_wait3A_74 = tpu.memref_slice %arg6[%run_scoped3A_51, %dma_wait3A_73] : memref<16x640xf32, #tpu.memory_space<vmem>> -> memref<1x640xf32, #tpu.memory_space<vmem>>
      %dma_wait3A_75 = tpu.memref_squeeze %dma_wait3A_74 : memref<1x640xf32, #tpu.memory_space<vmem>> -> memref<640xf32, #tpu.memory_space<vmem>>
      %dma_wait3A_76 = tpu.memref_slice %arg8[%run_scoped3A_50, %mul3A_20] : memref<16x10240xf32, #tpu.memory_space<vmem_shared>> -> memref<1x640xf32, #tpu.memory_space<vmem_shared>>
      %dma_wait3A_77 = tpu.memref_squeeze %dma_wait3A_76 : memref<1x640xf32, #tpu.memory_space<vmem_shared>> -> memref<640xf32, #tpu.memory_space<vmem_shared>>
      tpu.wait_dma2 semaphore(%run_scoped3A_59 : memref<!tpu.dma_semaphore, #tpu.memory_space<semaphore_mem>>) src(%dma_wait3A_77 : memref<640xf32, #tpu.memory_space<vmem_shared>>) dst(%dma_wait3A_75 : memref<640xf32, #tpu.memory_space<vmem>>)
      tpu.yield
    }) : () -> ()
    %scan3A_52 = arith.constant 0 : i32
    %scan3A_53 = arith.constant 0 : i32
    %scan3A_54 = arith.constant 40 : i32
    %scan3A_55 = arith.addi %scan3A_53, %scan3A_54 : i32
    %scan3A_56 = arith.constant 1 : i32
    %scan3A_57 = scf.for %scan3A_59 = %scan3A_53 to %scan3A_55 step %scan3A_56 iter_args(%scan3A_60 = %scan3A_52) -> (i32)  : i32 {
      %mul3A_61 = arith.constant 16 : i32
      %mul3A_62 = arith.muli %scan3A_59, %mul3A_61 : i32
      %get3A = arith.constant 0 : i32
      %get3A_63 = arith.index_cast %get3A : i32 to index
      %get3A_64 = arith.index_cast %mul3A_62 : i32 to index
      %get3A_65 = tpu.vector_load %arg6[%get3A_63, %get3A_64] {strides = array<i32>} : memref<16x640xf32, #tpu.memory_space<vmem>>, vector<16xf32>,
      %mul3A_66 = arith.constant 16 : i32
      %mul3A_67 = arith.muli %scan3A_59, %mul3A_66 : i32
      %get3A_68 = arith.constant 1 : i32
      %get3A_69 = arith.index_cast %get3A_68 : i32 to index
      %get3A_70 = arith.index_cast %mul3A_67 : i32 to index
      %get3A_71 = tpu.vector_load %arg6[%get3A_69, %get3A_70] {strides = array<i32>} : memref<16x640xf32, #tpu.memory_space<vmem>>, vector<16xf32>,
      %add3A_72 = arith.addf %get3A_65, %get3A_71 : vector<16xf32>
      %mul3A_73 = arith.constant 16 : i32
      %mul3A_74 = arith.muli %scan3A_59, %mul3A_73 : i32
      %get3A_75 = arith.constant 2 : i32
      %get3A_76 = arith.index_cast %get3A_75 : i32 to index
      %get3A_77 = arith.index_cast %mul3A_74 : i32 to index
      %get3A_78 = tpu.vector_load %arg6[%get3A_76, %get3A_77] {strides = array<i32>} : memref<16x640xf32, #tpu.memory_space<vmem>>, vector<16xf32>,
      %add3A_79 = arith.addf %add3A_72, %get3A_78 : vector<16xf32>
      %mul3A_80 = arith.constant 16 : i32
      %mul3A_81 = arith.muli %scan3A_59, %mul3A_80 : i32
      %get3A_82 = arith.constant 3 : i32
      %get3A_83 = arith.index_cast %get3A_82 : i32 to index
      %get3A_84 = arith.index_cast %mul3A_81 : i32 to index
      %get3A_85 = tpu.vector_load %arg6[%get3A_83, %get3A_84] {strides = array<i32>} : memref<16x640xf32, #tpu.memory_space<vmem>>, vector<16xf32>,
      %add3A_86 = arith.addf %add3A_79, %get3A_85 : vector<16xf32>
      %mul3A_87 = arith.constant 16 : i32
      %mul3A_88 = arith.muli %scan3A_59, %mul3A_87 : i32
      %get3A_89 = arith.constant 4 : i32
      %get3A_90 = arith.index_cast %get3A_89 : i32 to index
      %get3A_91 = arith.index_cast %mul3A_88 : i32 to index
      %get3A_92 = tpu.vector_load %arg6[%get3A_90, %get3A_91] {strides = array<i32>} : memref<16x640xf32, #tpu.memory_space<vmem>>, vector<16xf32>,
      %add3A_93 = arith.addf %add3A_86, %get3A_92 : vector<16xf32>
      %mul3A_94 = arith.constant 16 : i32
      %mul3A_95 = arith.muli %scan3A_59, %mul3A_94 : i32
      %get3A_96 = arith.constant 5 : i32
      %get3A_97 = arith.index_cast %get3A_96 : i32 to index
      %get3A_98 = arith.index_cast %mul3A_95 : i32 to index
      %get3A_99 = tpu.vector_load %arg6[%get3A_97, %get3A_98] {strides = array<i32>} : memref<16x640xf32, #tpu.memory_space<vmem>>, vector<16xf32>,
      %add3A_100 = arith.addf %add3A_93, %get3A_99 : vector<16xf32>
      %mul3A_101 = arith.constant 16 : i32
      %mul3A_102 = arith.muli %scan3A_59, %mul3A_101 : i32
      %get3A_103 = arith.constant 6 : i32
      %get3A_104 = arith.index_cast %get3A_103 : i32 to index
      %get3A_105 = arith.index_cast %mul3A_102 : i32 to index
      %get3A_106 = tpu.vector_load %arg6[%get3A_104, %get3A_105] {strides = array<i32>} : memref<16x640xf32, #tpu.memory_space<vmem>>, vector<16xf32>,
      %add3A_107 = arith.addf %add3A_100, %get3A_106 : vector<16xf32>
      %mul3A_108 = arith.constant 16 : i32
      %mul3A_109 = arith.muli %scan3A_59, %mul3A_108 : i32
      %get3A_110 = arith.constant 7 : i32
      %get3A_111 = arith.index_cast %get3A_110 : i32 to index
      %get3A_112 = arith.index_cast %mul3A_109 : i32 to index
      %get3A_113 = tpu.vector_load %arg6[%get3A_111, %get3A_112] {strides = array<i32>} : memref<16x640xf32, #tpu.memory_space<vmem>>, vector<16xf32>,
      %add3A_114 = arith.addf %add3A_107, %get3A_113 : vector<16xf32>
      %mul3A_115 = arith.constant 16 : i32
      %mul3A_116 = arith.muli %scan3A_59, %mul3A_115 : i32
      %get3A_117 = arith.constant 8 : i32
      %get3A_118 = arith.index_cast %get3A_117 : i32 to index
      %get3A_119 = arith.index_cast %mul3A_116 : i32 to index
      %get3A_120 = tpu.vector_load %arg6[%get3A_118, %get3A_119] {strides = array<i32>} : memref<16x640xf32, #tpu.memory_space<vmem>>, vector<16xf32>,
      %add3A_121 = arith.addf %add3A_114, %get3A_120 : vector<16xf32>
      %mul3A_122 = arith.constant 16 : i32
      %mul3A_123 = arith.muli %scan3A_59, %mul3A_122 : i32
      %get3A_124 = arith.constant 9 : i32
      %get3A_125 = arith.index_cast %get3A_124 : i32 to index
      %get3A_126 = arith.index_cast %mul3A_123 : i32 to index
      %get3A_127 = tpu.vector_load %arg6[%get3A_125, %get3A_126] {strides = array<i32>} : memref<16x640xf32, #tpu.memory_space<vmem>>, vector<16xf32>,
      %add3A_128 = arith.addf %add3A_121, %get3A_127 : vector<16xf32>
      %mul3A_129 = arith.constant 16 : i32
      %mul3A_130 = arith.muli %scan3A_59, %mul3A_129 : i32
      %get3A_131 = arith.constant 10 : i32
      %get3A_132 = arith.index_cast %get3A_131 : i32 to index
      %get3A_133 = arith.index_cast %mul3A_130 : i32 to index
      %get3A_134 = tpu.vector_load %arg6[%get3A_132, %get3A_133] {strides = array<i32>} : memref<16x640xf32, #tpu.memory_space<vmem>>, vector<16xf32>,
      %add3A_135 = arith.addf %add3A_128, %get3A_134 : vector<16xf32>
      %mul3A_136 = arith.constant 16 : i32
      %mul3A_137 = arith.muli %scan3A_59, %mul3A_136 : i32
      %get3A_138 = arith.constant 11 : i32
      %get3A_139 = arith.index_cast %get3A_138 : i32 to index
      %get3A_140 = arith.index_cast %mul3A_137 : i32 to index
      %get3A_141 = tpu.vector_load %arg6[%get3A_139, %get3A_140] {strides = array<i32>} : memref<16x640xf32, #tpu.memory_space<vmem>>, vector<16xf32>,
      %add3A_142 = arith.addf %add3A_135, %get3A_141 : vector<16xf32>
      %mul3A_143 = arith.constant 16 : i32
      %mul3A_144 = arith.muli %scan3A_59, %mul3A_143 : i32
      %get3A_145 = arith.constant 12 : i32
      %get3A_146 = arith.index_cast %get3A_145 : i32 to index
      %get3A_147 = arith.index_cast %mul3A_144 : i32 to index
      %get3A_148 = tpu.vector_load %arg6[%get3A_146, %get3A_147] {strides = array<i32>} : memref<16x640xf32, #tpu.memory_space<vmem>>, vector<16xf32>,
      %add3A_149 = arith.addf %add3A_142, %get3A_148 : vector<16xf32>
      %mul3A_150 = arith.constant 16 : i32
      %mul3A_151 = arith.muli %scan3A_59, %mul3A_150 : i32
      %get3A_152 = arith.constant 13 : i32
      %get3A_153 = arith.index_cast %get3A_152 : i32 to index
      %get3A_154 = arith.index_cast %mul3A_151 : i32 to index
      %get3A_155 = tpu.vector_load %arg6[%get3A_153, %get3A_154] {strides = array<i32>} : memref<16x640xf32, #tpu.memory_space<vmem>>, vector<16xf32>,
      %add3A_156 = arith.addf %add3A_149, %get3A_155 : vector<16xf32>
      %mul3A_157 = arith.constant 16 : i32
      %mul3A_158 = arith.muli %scan3A_59, %mul3A_157 : i32
      %get3A_159 = arith.constant 14 : i32
      %get3A_160 = arith.index_cast %get3A_159 : i32 to index
      %get3A_161 = arith.index_cast %mul3A_158 : i32 to index
      %get3A_162 = tpu.vector_load %arg6[%get3A_160, %get3A_161] {strides = array<i32>} : memref<16x640xf32, #tpu.memory_space<vmem>>, vector<16xf32>,
      %add3A_163 = arith.addf %add3A_156, %get3A_162 : vector<16xf32>
      %mul3A_164 = arith.constant 16 : i32
      %mul3A_165 = arith.muli %scan3A_59, %mul3A_164 : i32
      %get3A_166 = arith.constant 15 : i32
      %get3A_167 = arith.index_cast %get3A_166 : i32 to index
      %get3A_168 = arith.index_cast %mul3A_165 : i32 to index
      %get3A_169 = tpu.vector_load %arg6[%get3A_167, %get3A_168] {strides = array<i32>} : memref<16x640xf32, #tpu.memory_space<vmem>>, vector<16xf32>,
      %add3A_170 = arith.addf %add3A_163, %get3A_169 : vector<16xf32>
      %mul3A_171 = arith.constant 16 : i32
      %mul3A_172 = arith.muli %scan3A_59, %mul3A_171 : i32
      %swap3A = arith.index_cast %mul3A_172 : i32 to index
      %swap3A_173 = tpu.vector_load %arg7[%swap3A] {strides = array<i32>} : memref<640xf32, #tpu.memory_space<vmem>>, vector<16xf32>,
      tpu.vector_store %arg7[%swap3A], %add3A_170 {strides = array<i32>} : memref<640xf32, #tpu.memory_space<vmem>>, vector<16xf32>,
      %scan3A_174 = arith.constant 0 : i32
      scf.yield %scan3A_174 : i32
    }
    %scan3A_58 = arith.constant 40 : i32
    "tpu.region"() ({
      %run_scoped3A_59 = tpu.sem_alloc : memref<!tpu.dma_semaphore, #tpu.memory_space<semaphore_mem>>
      %dma_start3A = tpu.memref_slice %arg3[%arg0, %mul3A_20] : memref<2x10240xf32, #tpu.memory_space<hbm>> -> memref<1x640xf32, #tpu.memory_space<hbm>>
      %dma_start3A_60 = tpu.memref_squeeze %dma_start3A : memref<1x640xf32, #tpu.memory_space<hbm>> -> memref<640xf32, #tpu.memory_space<hbm>>
      %dma_start3A_61 = tpu.memref_slice %arg3[%arg0, %mul3A_20] : memref<2x10240xf32, #tpu.memory_space<hbm>> -> memref<1x640xf32, #tpu.memory_space<hbm>>
      %dma_start3A_62 = tpu.memref_squeeze %dma_start3A_61 : memref<1x640xf32, #tpu.memory_space<hbm>> -> memref<640xf32, #tpu.memory_space<hbm>>
      tpu.enqueue_dma source(%arg7 : memref<640xf32, #tpu.memory_space<vmem>>) target(%dma_start3A_62 : memref<640xf32, #tpu.memory_space<hbm>>) target_semaphore(%run_scoped3A_59 : memref<!tpu.dma_semaphore, #tpu.memory_space<semaphore_mem>>)
      %dma_wait3A = tpu.memref_slice %arg3[%arg0, %mul3A_20] : memref<2x10240xf32, #tpu.memory_space<hbm>> -> memref<1x640xf32, #tpu.memory_space<hbm>>
      %dma_wait3A_63 = tpu.memref_squeeze %dma_wait3A : memref<1x640xf32, #tpu.memory_space<hbm>> -> memref<640xf32, #tpu.memory_space<hbm>>
      %dma_wait3A_64 = tpu.memref_slice %arg3[%arg0, %mul3A_20] : memref<2x10240xf32, #tpu.memory_space<hbm>> -> memref<1x640xf32, #tpu.memory_space<hbm>>
      %dma_wait3A_65 = tpu.memref_squeeze %dma_wait3A_64 : memref<1x640xf32, #tpu.memory_space<hbm>> -> memref<640xf32, #tpu.memory_space<hbm>>
      tpu.wait_dma2 semaphore(%run_scoped3A_59 : memref<!tpu.dma_semaphore, #tpu.memory_space<semaphore_mem>>) src(%arg7 : memref<640xf32, #tpu.memory_space<vmem>>) dst(%dma_wait3A_65 : memref<640xf32, #tpu.memory_space<hbm>>)
      tpu.yield
    }) : () -> ()
    return
  }
}

#map = affine_map<(d0, d1) -> (0, 0)>
#map1 = affine_map<(d0, d1) -> (0, 0, 0)>
module attributes {stable_mosaic.version = 14 : i64} {
  func.func @_edge_body(%arg0: i32, %arg1: i32, %arg2: memref<2560x128xi32, #tpu.memory_space<hbm>>, %arg3: memref<2560x128xi32, #tpu.memory_space<hbm>>, %arg4: memref<2x10240x64xf32, #tpu.memory_space<hbm>>, %arg5: memref<2x10240x64xf32, #tpu.memory_space<hbm>>, %arg6: memref<160x128xi32, #tpu.memory_space<vmem>>, %arg7: memref<160x128xi32, #tpu.memory_space<vmem>>, %arg8: memref<4x128x64xf32, #tpu.memory_space<vmem>>, %arg9: memref<10240x64xf32, #tpu.memory_space<vmem_shared>>, %arg10: memref<!tpu.dma_semaphore, #tpu.memory_space<semaphore_mem>>, %arg11: memref<!tpu.dma_semaphore, #tpu.memory_space<semaphore_mem>>) attributes {dimension_semantics = [#tpu.dimension_semantics<core_parallel>, #tpu.dimension_semantics<subcore_parallel>], iteration_bounds = array<i64: 2, 16>, scalar_prefetch = 0 : i64, scratch_operands = 6 : i64, tpu.core_type = #tpu.core_type<sc_vector_subcore>, window_params = [{transform_indices = #map}, {transform_indices = #map}, {transform_indices = #map1}, {transform_indices = #map1}]} {
    %mul3A = arith.constant 160 : i32
    %mul3A_0 = arith.muli %arg1, %mul3A : i32
    "tpu.region"() ({
      %run_scoped3A_94 = tpu.sem_alloc : memref<!tpu.dma_semaphore, #tpu.memory_space<semaphore_mem>>
      %dma_start3A_95 = arith.constant 0 : i32
      %dma_start3A_96 = tpu.memref_slice %arg2[%mul3A_0, %dma_start3A_95] : memref<2560x128xi32, #tpu.memory_space<hbm>> -> memref<160x128xi32, #tpu.memory_space<hbm>>
      %dma_start3A_97 = arith.constant 0 : i32
      %dma_start3A_98 = tpu.memref_slice %arg2[%mul3A_0, %dma_start3A_97] : memref<2560x128xi32, #tpu.memory_space<hbm>> -> memref<160x128xi32, #tpu.memory_space<hbm>>
      tpu.enqueue_dma source(%dma_start3A_98 : memref<160x128xi32, #tpu.memory_space<hbm>>) target(%arg6 : memref<160x128xi32, #tpu.memory_space<vmem>>) target_semaphore(%run_scoped3A_94 : memref<!tpu.dma_semaphore, #tpu.memory_space<semaphore_mem>>)
      %dma_wait3A = arith.constant 0 : i32
      %dma_wait3A_99 = tpu.memref_slice %arg2[%mul3A_0, %dma_wait3A] : memref<2560x128xi32, #tpu.memory_space<hbm>> -> memref<160x128xi32, #tpu.memory_space<hbm>>
      %dma_wait3A_100 = arith.constant 0 : i32
      %dma_wait3A_101 = tpu.memref_slice %arg2[%mul3A_0, %dma_wait3A_100] : memref<2560x128xi32, #tpu.memory_space<hbm>> -> memref<160x128xi32, #tpu.memory_space<hbm>>
      tpu.wait_dma2 semaphore(%run_scoped3A_94 : memref<!tpu.dma_semaphore, #tpu.memory_space<semaphore_mem>>) src(%dma_wait3A_101 : memref<160x128xi32, #tpu.memory_space<hbm>>) dst(%arg6 : memref<160x128xi32, #tpu.memory_space<vmem>>)
      tpu.yield
    }) : () -> ()
    %mul3A_1 = arith.constant 160 : i32
    %mul3A_2 = arith.muli %arg1, %mul3A_1 : i32
    "tpu.region"() ({
      %run_scoped3A_94 = tpu.sem_alloc : memref<!tpu.dma_semaphore, #tpu.memory_space<semaphore_mem>>
      %dma_start3A_95 = arith.constant 0 : i32
      %dma_start3A_96 = tpu.memref_slice %arg3[%mul3A_2, %dma_start3A_95] : memref<2560x128xi32, #tpu.memory_space<hbm>> -> memref<160x128xi32, #tpu.memory_space<hbm>>
      %dma_start3A_97 = arith.constant 0 : i32
      %dma_start3A_98 = tpu.memref_slice %arg3[%mul3A_2, %dma_start3A_97] : memref<2560x128xi32, #tpu.memory_space<hbm>> -> memref<160x128xi32, #tpu.memory_space<hbm>>
      tpu.enqueue_dma source(%dma_start3A_98 : memref<160x128xi32, #tpu.memory_space<hbm>>) target(%arg7 : memref<160x128xi32, #tpu.memory_space<vmem>>) target_semaphore(%run_scoped3A_94 : memref<!tpu.dma_semaphore, #tpu.memory_space<semaphore_mem>>)
      %dma_wait3A = arith.constant 0 : i32
      %dma_wait3A_99 = tpu.memref_slice %arg3[%mul3A_2, %dma_wait3A] : memref<2560x128xi32, #tpu.memory_space<hbm>> -> memref<160x128xi32, #tpu.memory_space<hbm>>
      %dma_wait3A_100 = arith.constant 0 : i32
      %dma_wait3A_101 = tpu.memref_slice %arg3[%mul3A_2, %dma_wait3A_100] : memref<2560x128xi32, #tpu.memory_space<hbm>> -> memref<160x128xi32, #tpu.memory_space<hbm>>
      tpu.wait_dma2 semaphore(%run_scoped3A_94 : memref<!tpu.dma_semaphore, #tpu.memory_space<semaphore_mem>>) src(%dma_wait3A_101 : memref<160x128xi32, #tpu.memory_space<hbm>>) dst(%arg7 : memref<160x128xi32, #tpu.memory_space<vmem>>)
      tpu.yield
    }) : () -> ()
    %broadcast_in_dim3A = arith.constant 0.000000e+00 : f32
    %broadcast_in_dim3A_3 = vector.broadcast %broadcast_in_dim3A : f32 to vector<16xf32>
    %scan3A = arith.constant 0 : i32
    %scan3A_4 = arith.constant 0 : i32
    %scan3A_5 = arith.constant 128 : i32
    %scan3A_6 = arith.addi %scan3A_4, %scan3A_5 : i32
    %scan3A_7 = arith.constant 1 : i32
    %scan3A_8 = scf.for %scan3A_94 = %scan3A_4 to %scan3A_6 step %scan3A_7 iter_args(%scan3A_95 = %scan3A) -> (i32)  : i32 {
      %swap3A = arith.constant 0 : i32
      %swap3A_96 = arith.index_cast %swap3A : i32 to index
      %swap3A_97 = arith.index_cast %scan3A_94 : i32 to index
      %swap3A_98 = arith.constant 0 : index
      %swap3A_99 = tpu.vector_load %arg8[%swap3A_96, %swap3A_97, %swap3A_98] {strides = array<i32>} : memref<4x128x64xf32, #tpu.memory_space<vmem>>, vector<1x1x16xf32>,
      %swap3A_100 = vector.shape_cast %swap3A_99 : vector<1x1x16xf32> to vector<16xf32>
      %swap3A_101 = vector.shape_cast %broadcast_in_dim3A_3 : vector<16xf32> to vector<1x1x16xf32>
      tpu.vector_store %arg8[%swap3A_96, %swap3A_97, %swap3A_98], %swap3A_101 {strides = array<i32>} : memref<4x128x64xf32, #tpu.memory_space<vmem>>, vector<1x1x16xf32>,
      %swap3A_102 = arith.constant 0 : i32
      %swap3A_103 = arith.index_cast %swap3A_102 : i32 to index
      %swap3A_104 = arith.index_cast %scan3A_94 : i32 to index
      %swap3A_105 = arith.constant 16 : index
      %swap3A_106 = tpu.vector_load %arg8[%swap3A_103, %swap3A_104, %swap3A_105] {strides = array<i32>} : memref<4x128x64xf32, #tpu.memory_space<vmem>>, vector<1x1x16xf32>,
      %swap3A_107 = vector.shape_cast %swap3A_106 : vector<1x1x16xf32> to vector<16xf32>
      %swap3A_108 = vector.shape_cast %broadcast_in_dim3A_3 : vector<16xf32> to vector<1x1x16xf32>
      tpu.vector_store %arg8[%swap3A_103, %swap3A_104, %swap3A_105], %swap3A_108 {strides = array<i32>} : memref<4x128x64xf32, #tpu.memory_space<vmem>>, vector<1x1x16xf32>,
      %swap3A_109 = arith.constant 0 : i32
      %swap3A_110 = arith.index_cast %swap3A_109 : i32 to index
      %swap3A_111 = arith.index_cast %scan3A_94 : i32 to index
      %swap3A_112 = arith.constant 32 : index
      %swap3A_113 = tpu.vector_load %arg8[%swap3A_110, %swap3A_111, %swap3A_112] {strides = array<i32>} : memref<4x128x64xf32, #tpu.memory_space<vmem>>, vector<1x1x16xf32>,
      %swap3A_114 = vector.shape_cast %swap3A_113 : vector<1x1x16xf32> to vector<16xf32>
      %swap3A_115 = vector.shape_cast %broadcast_in_dim3A_3 : vector<16xf32> to vector<1x1x16xf32>
      tpu.vector_store %arg8[%swap3A_110, %swap3A_111, %swap3A_112], %swap3A_115 {strides = array<i32>} : memref<4x128x64xf32, #tpu.memory_space<vmem>>, vector<1x1x16xf32>,
      %swap3A_116 = arith.constant 0 : i32
      %swap3A_117 = arith.index_cast %swap3A_116 : i32 to index
      %swap3A_118 = arith.index_cast %scan3A_94 : i32 to index
      %swap3A_119 = arith.constant 48 : index
      %swap3A_120 = tpu.vector_load %arg8[%swap3A_117, %swap3A_118, %swap3A_119] {strides = array<i32>} : memref<4x128x64xf32, #tpu.memory_space<vmem>>, vector<1x1x16xf32>,
      %swap3A_121 = vector.shape_cast %swap3A_120 : vector<1x1x16xf32> to vector<16xf32>
      %swap3A_122 = vector.shape_cast %broadcast_in_dim3A_3 : vector<16xf32> to vector<1x1x16xf32>
      tpu.vector_store %arg8[%swap3A_117, %swap3A_118, %swap3A_119], %swap3A_122 {strides = array<i32>} : memref<4x128x64xf32, #tpu.memory_space<vmem>>, vector<1x1x16xf32>,
      %scan3A_123 = arith.constant 0 : i32
      scf.yield %scan3A_123 : i32
    }
    %scan3A_9 = arith.constant 128 : i32
    %mul3A_10 = arith.constant 640 : i32
    %mul3A_11 = arith.muli %arg1, %mul3A_10 : i32
    %add3A = arith.constant 0 : i32
    %add3A_12 = arith.addi %mul3A_11, %add3A : i32
    %run_scoped3A = arith.constant 0 : i32
    "tpu.region"() ({
      %run_scoped3A_94 = tpu.sem_alloc : memref<!tpu.dma_semaphore, #tpu.memory_space<semaphore_mem>>
      %dma_start3A_95 = arith.constant 0 : i32
      %dma_start3A_96 = arith.constant 0 : i32
      %dma_start3A_97 = tpu.memref_slice %arg8[%run_scoped3A, %dma_start3A_95, %dma_start3A_96] : memref<4x128x64xf32, #tpu.memory_space<vmem>> -> memref<1x128x64xf32, #tpu.memory_space<vmem>>
      %dma_start3A_98 = tpu.memref_squeeze %dma_start3A_97 : memref<1x128x64xf32, #tpu.memory_space<vmem>> -> memref<128x64xf32, #tpu.memory_space<vmem>>
      %dma_start3A_99 = arith.constant 0 : i32
      %dma_start3A_100 = tpu.memref_slice %arg9[%add3A_12, %dma_start3A_99] : memref<10240x64xf32, #tpu.memory_space<vmem_shared>> -> memref<128x64xf32, #tpu.memory_space<vmem_shared>>
      %dma_start3A_101 = arith.constant 0 : i32
      %dma_start3A_102 = tpu.memref_slice %arg9[%add3A_12, %dma_start3A_101] : memref<10240x64xf32, #tpu.memory_space<vmem_shared>> -> memref<128x64xf32, #tpu.memory_space<vmem_shared>>
      %dma_start3A_103 = arith.constant 0 : i32
      %dma_start3A_104 = arith.constant 0 : i32
      %dma_start3A_105 = tpu.memref_slice %arg8[%run_scoped3A, %dma_start3A_103, %dma_start3A_104] : memref<4x128x64xf32, #tpu.memory_space<vmem>> -> memref<1x128x64xf32, #tpu.memory_space<vmem>>
      %dma_start3A_106 = tpu.memref_squeeze %dma_start3A_105 : memref<1x128x64xf32, #tpu.memory_space<vmem>> -> memref<128x64xf32, #tpu.memory_space<vmem>>
      tpu.enqueue_dma source(%dma_start3A_106 : memref<128x64xf32, #tpu.memory_space<vmem>>) target(%dma_start3A_102 : memref<128x64xf32, #tpu.memory_space<vmem_shared>>) target_semaphore(%run_scoped3A_94 : memref<!tpu.dma_semaphore, #tpu.memory_space<semaphore_mem>>)
      %dma_wait3A = arith.constant 0 : i32
      %dma_wait3A_107 = arith.constant 0 : i32
      %dma_wait3A_108 = tpu.memref_slice %arg8[%run_scoped3A, %dma_wait3A, %dma_wait3A_107] : memref<4x128x64xf32, #tpu.memory_space<vmem>> -> memref<1x128x64xf32, #tpu.memory_space<vmem>>
      %dma_wait3A_109 = tpu.memref_squeeze %dma_wait3A_108 : memref<1x128x64xf32, #tpu.memory_space<vmem>> -> memref<128x64xf32, #tpu.memory_space<vmem>>
      %dma_wait3A_110 = arith.constant 0 : i32
      %dma_wait3A_111 = tpu.memref_slice %arg9[%add3A_12, %dma_wait3A_110] : memref<10240x64xf32, #tpu.memory_space<vmem_shared>> -> memref<128x64xf32, #tpu.memory_space<vmem_shared>>
      %dma_wait3A_112 = arith.constant 0 : i32
      %dma_wait3A_113 = tpu.memref_slice %arg9[%add3A_12, %dma_wait3A_112] : memref<10240x64xf32, #tpu.memory_space<vmem_shared>> -> memref<128x64xf32, #tpu.memory_space<vmem_shared>>
      %dma_wait3A_114 = arith.constant 0 : i32
      %dma_wait3A_115 = arith.constant 0 : i32
      %dma_wait3A_116 = tpu.memref_slice %arg8[%run_scoped3A, %dma_wait3A_114, %dma_wait3A_115] : memref<4x128x64xf32, #tpu.memory_space<vmem>> -> memref<1x128x64xf32, #tpu.memory_space<vmem>>
      %dma_wait3A_117 = tpu.memref_squeeze %dma_wait3A_116 : memref<1x128x64xf32, #tpu.memory_space<vmem>> -> memref<128x64xf32, #tpu.memory_space<vmem>>
      tpu.wait_dma2 semaphore(%run_scoped3A_94 : memref<!tpu.dma_semaphore, #tpu.memory_space<semaphore_mem>>) src(%dma_wait3A_117 : memref<128x64xf32, #tpu.memory_space<vmem>>) dst(%dma_wait3A_113 : memref<128x64xf32, #tpu.memory_space<vmem_shared>>)
      tpu.yield
    }) : () -> ()
    %add3A_13 = arith.constant 128 : i32
    %add3A_14 = arith.addi %mul3A_11, %add3A_13 : i32
    %run_scoped3A_15 = arith.constant 0 : i32
    "tpu.region"() ({
      %run_scoped3A_94 = tpu.sem_alloc : memref<!tpu.dma_semaphore, #tpu.memory_space<semaphore_mem>>
      %dma_start3A_95 = arith.constant 0 : i32
      %dma_start3A_96 = arith.constant 0 : i32
      %dma_start3A_97 = tpu.memref_slice %arg8[%run_scoped3A_15, %dma_start3A_95, %dma_start3A_96] : memref<4x128x64xf32, #tpu.memory_space<vmem>> -> memref<1x128x64xf32, #tpu.memory_space<vmem>>
      %dma_start3A_98 = tpu.memref_squeeze %dma_start3A_97 : memref<1x128x64xf32, #tpu.memory_space<vmem>> -> memref<128x64xf32, #tpu.memory_space<vmem>>
      %dma_start3A_99 = arith.constant 0 : i32
      %dma_start3A_100 = tpu.memref_slice %arg9[%add3A_14, %dma_start3A_99] : memref<10240x64xf32, #tpu.memory_space<vmem_shared>> -> memref<128x64xf32, #tpu.memory_space<vmem_shared>>
      %dma_start3A_101 = arith.constant 0 : i32
      %dma_start3A_102 = tpu.memref_slice %arg9[%add3A_14, %dma_start3A_101] : memref<10240x64xf32, #tpu.memory_space<vmem_shared>> -> memref<128x64xf32, #tpu.memory_space<vmem_shared>>
      %dma_start3A_103 = arith.constant 0 : i32
      %dma_start3A_104 = arith.constant 0 : i32
      %dma_start3A_105 = tpu.memref_slice %arg8[%run_scoped3A_15, %dma_start3A_103, %dma_start3A_104] : memref<4x128x64xf32, #tpu.memory_space<vmem>> -> memref<1x128x64xf32, #tpu.memory_space<vmem>>
      %dma_start3A_106 = tpu.memref_squeeze %dma_start3A_105 : memref<1x128x64xf32, #tpu.memory_space<vmem>> -> memref<128x64xf32, #tpu.memory_space<vmem>>
      tpu.enqueue_dma source(%dma_start3A_106 : memref<128x64xf32, #tpu.memory_space<vmem>>) target(%dma_start3A_102 : memref<128x64xf32, #tpu.memory_space<vmem_shared>>) target_semaphore(%run_scoped3A_94 : memref<!tpu.dma_semaphore, #tpu.memory_space<semaphore_mem>>)
      %dma_wait3A = arith.constant 0 : i32
      %dma_wait3A_107 = arith.constant 0 : i32
      %dma_wait3A_108 = tpu.memref_slice %arg8[%run_scoped3A_15, %dma_wait3A, %dma_wait3A_107] : memref<4x128x64xf32, #tpu.memory_space<vmem>> -> memref<1x128x64xf32, #tpu.memory_space<vmem>>
      %dma_wait3A_109 = tpu.memref_squeeze %dma_wait3A_108 : memref<1x128x64xf32, #tpu.memory_space<vmem>> -> memref<128x64xf32, #tpu.memory_space<vmem>>
      %dma_wait3A_110 = arith.constant 0 : i32
      %dma_wait3A_111 = tpu.memref_slice %arg9[%add3A_14, %dma_wait3A_110] : memref<10240x64xf32, #tpu.memory_space<vmem_shared>> -> memref<128x64xf32, #tpu.memory_space<vmem_shared>>
      %dma_wait3A_112 = arith.constant 0 : i32
      %dma_wait3A_113 = tpu.memref_slice %arg9[%add3A_14, %dma_wait3A_112] : memref<10240x64xf32, #tpu.memory_space<vmem_shared>> -> memref<128x64xf32, #tpu.memory_space<vmem_shared>>
      %dma_wait3A_114 = arith.constant 0 : i32
      %dma_wait3A_115 = arith.constant 0 : i32
      %dma_wait3A_116 = tpu.memref_slice %arg8[%run_scoped3A_15, %dma_wait3A_114, %dma_wait3A_115] : memref<4x128x64xf32, #tpu.memory_space<vmem>> -> memref<1x128x64xf32, #tpu.memory_space<vmem>>
      %dma_wait3A_117 = tpu.memref_squeeze %dma_wait3A_116 : memref<1x128x64xf32, #tpu.memory_space<vmem>> -> memref<128x64xf32, #tpu.memory_space<vmem>>
      tpu.wait_dma2 semaphore(%run_scoped3A_94 : memref<!tpu.dma_semaphore, #tpu.memory_space<semaphore_mem>>) src(%dma_wait3A_117 : memref<128x64xf32, #tpu.memory_space<vmem>>) dst(%dma_wait3A_113 : memref<128x64xf32, #tpu.memory_space<vmem_shared>>)
      tpu.yield
    }) : () -> ()
    %add3A_16 = arith.constant 256 : i32
    %add3A_17 = arith.addi %mul3A_11, %add3A_16 : i32
    %run_scoped3A_18 = arith.constant 0 : i32
    "tpu.region"() ({
      %run_scoped3A_94 = tpu.sem_alloc : memref<!tpu.dma_semaphore, #tpu.memory_space<semaphore_mem>>
      %dma_start3A_95 = arith.constant 0 : i32
      %dma_start3A_96 = arith.constant 0 : i32
      %dma_start3A_97 = tpu.memref_slice %arg8[%run_scoped3A_18, %dma_start3A_95, %dma_start3A_96] : memref<4x128x64xf32, #tpu.memory_space<vmem>> -> memref<1x128x64xf32, #tpu.memory_space<vmem>>
      %dma_start3A_98 = tpu.memref_squeeze %dma_start3A_97 : memref<1x128x64xf32, #tpu.memory_space<vmem>> -> memref<128x64xf32, #tpu.memory_space<vmem>>
      %dma_start3A_99 = arith.constant 0 : i32
      %dma_start3A_100 = tpu.memref_slice %arg9[%add3A_17, %dma_start3A_99] : memref<10240x64xf32, #tpu.memory_space<vmem_shared>> -> memref<128x64xf32, #tpu.memory_space<vmem_shared>>
      %dma_start3A_101 = arith.constant 0 : i32
      %dma_start3A_102 = tpu.memref_slice %arg9[%add3A_17, %dma_start3A_101] : memref<10240x64xf32, #tpu.memory_space<vmem_shared>> -> memref<128x64xf32, #tpu.memory_space<vmem_shared>>
      %dma_start3A_103 = arith.constant 0 : i32
      %dma_start3A_104 = arith.constant 0 : i32
      %dma_start3A_105 = tpu.memref_slice %arg8[%run_scoped3A_18, %dma_start3A_103, %dma_start3A_104] : memref<4x128x64xf32, #tpu.memory_space<vmem>> -> memref<1x128x64xf32, #tpu.memory_space<vmem>>
      %dma_start3A_106 = tpu.memref_squeeze %dma_start3A_105 : memref<1x128x64xf32, #tpu.memory_space<vmem>> -> memref<128x64xf32, #tpu.memory_space<vmem>>
      tpu.enqueue_dma source(%dma_start3A_106 : memref<128x64xf32, #tpu.memory_space<vmem>>) target(%dma_start3A_102 : memref<128x64xf32, #tpu.memory_space<vmem_shared>>) target_semaphore(%run_scoped3A_94 : memref<!tpu.dma_semaphore, #tpu.memory_space<semaphore_mem>>)
      %dma_wait3A = arith.constant 0 : i32
      %dma_wait3A_107 = arith.constant 0 : i32
      %dma_wait3A_108 = tpu.memref_slice %arg8[%run_scoped3A_18, %dma_wait3A, %dma_wait3A_107] : memref<4x128x64xf32, #tpu.memory_space<vmem>> -> memref<1x128x64xf32, #tpu.memory_space<vmem>>
      %dma_wait3A_109 = tpu.memref_squeeze %dma_wait3A_108 : memref<1x128x64xf32, #tpu.memory_space<vmem>> -> memref<128x64xf32, #tpu.memory_space<vmem>>
      %dma_wait3A_110 = arith.constant 0 : i32
      %dma_wait3A_111 = tpu.memref_slice %arg9[%add3A_17, %dma_wait3A_110] : memref<10240x64xf32, #tpu.memory_space<vmem_shared>> -> memref<128x64xf32, #tpu.memory_space<vmem_shared>>
      %dma_wait3A_112 = arith.constant 0 : i32
      %dma_wait3A_113 = tpu.memref_slice %arg9[%add3A_17, %dma_wait3A_112] : memref<10240x64xf32, #tpu.memory_space<vmem_shared>> -> memref<128x64xf32, #tpu.memory_space<vmem_shared>>
      %dma_wait3A_114 = arith.constant 0 : i32
      %dma_wait3A_115 = arith.constant 0 : i32
      %dma_wait3A_116 = tpu.memref_slice %arg8[%run_scoped3A_18, %dma_wait3A_114, %dma_wait3A_115] : memref<4x128x64xf32, #tpu.memory_space<vmem>> -> memref<1x128x64xf32, #tpu.memory_space<vmem>>
      %dma_wait3A_117 = tpu.memref_squeeze %dma_wait3A_116 : memref<1x128x64xf32, #tpu.memory_space<vmem>> -> memref<128x64xf32, #tpu.memory_space<vmem>>
      tpu.wait_dma2 semaphore(%run_scoped3A_94 : memref<!tpu.dma_semaphore, #tpu.memory_space<semaphore_mem>>) src(%dma_wait3A_117 : memref<128x64xf32, #tpu.memory_space<vmem>>) dst(%dma_wait3A_113 : memref<128x64xf32, #tpu.memory_space<vmem_shared>>)
      tpu.yield
    }) : () -> ()
    %add3A_19 = arith.constant 384 : i32
    %add3A_20 = arith.addi %mul3A_11, %add3A_19 : i32
    %run_scoped3A_21 = arith.constant 0 : i32
    "tpu.region"() ({
      %run_scoped3A_94 = tpu.sem_alloc : memref<!tpu.dma_semaphore, #tpu.memory_space<semaphore_mem>>
      %dma_start3A_95 = arith.constant 0 : i32
      %dma_start3A_96 = arith.constant 0 : i32
      %dma_start3A_97 = tpu.memref_slice %arg8[%run_scoped3A_21, %dma_start3A_95, %dma_start3A_96] : memref<4x128x64xf32, #tpu.memory_space<vmem>> -> memref<1x128x64xf32, #tpu.memory_space<vmem>>
      %dma_start3A_98 = tpu.memref_squeeze %dma_start3A_97 : memref<1x128x64xf32, #tpu.memory_space<vmem>> -> memref<128x64xf32, #tpu.memory_space<vmem>>
      %dma_start3A_99 = arith.constant 0 : i32
      %dma_start3A_100 = tpu.memref_slice %arg9[%add3A_20, %dma_start3A_99] : memref<10240x64xf32, #tpu.memory_space<vmem_shared>> -> memref<128x64xf32, #tpu.memory_space<vmem_shared>>
      %dma_start3A_101 = arith.constant 0 : i32
      %dma_start3A_102 = tpu.memref_slice %arg9[%add3A_20, %dma_start3A_101] : memref<10240x64xf32, #tpu.memory_space<vmem_shared>> -> memref<128x64xf32, #tpu.memory_space<vmem_shared>>
      %dma_start3A_103 = arith.constant 0 : i32
      %dma_start3A_104 = arith.constant 0 : i32
      %dma_start3A_105 = tpu.memref_slice %arg8[%run_scoped3A_21, %dma_start3A_103, %dma_start3A_104] : memref<4x128x64xf32, #tpu.memory_space<vmem>> -> memref<1x128x64xf32, #tpu.memory_space<vmem>>
      %dma_start3A_106 = tpu.memref_squeeze %dma_start3A_105 : memref<1x128x64xf32, #tpu.memory_space<vmem>> -> memref<128x64xf32, #tpu.memory_space<vmem>>
      tpu.enqueue_dma source(%dma_start3A_106 : memref<128x64xf32, #tpu.memory_space<vmem>>) target(%dma_start3A_102 : memref<128x64xf32, #tpu.memory_space<vmem_shared>>) target_semaphore(%run_scoped3A_94 : memref<!tpu.dma_semaphore, #tpu.memory_space<semaphore_mem>>)
      %dma_wait3A = arith.constant 0 : i32
      %dma_wait3A_107 = arith.constant 0 : i32
      %dma_wait3A_108 = tpu.memref_slice %arg8[%run_scoped3A_21, %dma_wait3A, %dma_wait3A_107] : memref<4x128x64xf32, #tpu.memory_space<vmem>> -> memref<1x128x64xf32, #tpu.memory_space<vmem>>
      %dma_wait3A_109 = tpu.memref_squeeze %dma_wait3A_108 : memref<1x128x64xf32, #tpu.memory_space<vmem>> -> memref<128x64xf32, #tpu.memory_space<vmem>>
      %dma_wait3A_110 = arith.constant 0 : i32
      %dma_wait3A_111 = tpu.memref_slice %arg9[%add3A_20, %dma_wait3A_110] : memref<10240x64xf32, #tpu.memory_space<vmem_shared>> -> memref<128x64xf32, #tpu.memory_space<vmem_shared>>
      %dma_wait3A_112 = arith.constant 0 : i32
      %dma_wait3A_113 = tpu.memref_slice %arg9[%add3A_20, %dma_wait3A_112] : memref<10240x64xf32, #tpu.memory_space<vmem_shared>> -> memref<128x64xf32, #tpu.memory_space<vmem_shared>>
      %dma_wait3A_114 = arith.constant 0 : i32
      %dma_wait3A_115 = arith.constant 0 : i32
      %dma_wait3A_116 = tpu.memref_slice %arg8[%run_scoped3A_21, %dma_wait3A_114, %dma_wait3A_115] : memref<4x128x64xf32, #tpu.memory_space<vmem>> -> memref<1x128x64xf32, #tpu.memory_space<vmem>>
      %dma_wait3A_117 = tpu.memref_squeeze %dma_wait3A_116 : memref<1x128x64xf32, #tpu.memory_space<vmem>> -> memref<128x64xf32, #tpu.memory_space<vmem>>
      tpu.wait_dma2 semaphore(%run_scoped3A_94 : memref<!tpu.dma_semaphore, #tpu.memory_space<semaphore_mem>>) src(%dma_wait3A_117 : memref<128x64xf32, #tpu.memory_space<vmem>>) dst(%dma_wait3A_113 : memref<128x64xf32, #tpu.memory_space<vmem_shared>>)
      tpu.yield
    }) : () -> ()
    %add3A_22 = arith.constant 512 : i32
    %add3A_23 = arith.addi %mul3A_11, %add3A_22 : i32
    %run_scoped3A_24 = arith.constant 0 : i32
    "tpu.region"() ({
      %run_scoped3A_94 = tpu.sem_alloc : memref<!tpu.dma_semaphore, #tpu.memory_space<semaphore_mem>>
      %dma_start3A_95 = arith.constant 0 : i32
      %dma_start3A_96 = arith.constant 0 : i32
      %dma_start3A_97 = tpu.memref_slice %arg8[%run_scoped3A_24, %dma_start3A_95, %dma_start3A_96] : memref<4x128x64xf32, #tpu.memory_space<vmem>> -> memref<1x128x64xf32, #tpu.memory_space<vmem>>
      %dma_start3A_98 = tpu.memref_squeeze %dma_start3A_97 : memref<1x128x64xf32, #tpu.memory_space<vmem>> -> memref<128x64xf32, #tpu.memory_space<vmem>>
      %dma_start3A_99 = arith.constant 0 : i32
      %dma_start3A_100 = tpu.memref_slice %arg9[%add3A_23, %dma_start3A_99] : memref<10240x64xf32, #tpu.memory_space<vmem_shared>> -> memref<128x64xf32, #tpu.memory_space<vmem_shared>>
      %dma_start3A_101 = arith.constant 0 : i32
      %dma_start3A_102 = tpu.memref_slice %arg9[%add3A_23, %dma_start3A_101] : memref<10240x64xf32, #tpu.memory_space<vmem_shared>> -> memref<128x64xf32, #tpu.memory_space<vmem_shared>>
      %dma_start3A_103 = arith.constant 0 : i32
      %dma_start3A_104 = arith.constant 0 : i32
      %dma_start3A_105 = tpu.memref_slice %arg8[%run_scoped3A_24, %dma_start3A_103, %dma_start3A_104] : memref<4x128x64xf32, #tpu.memory_space<vmem>> -> memref<1x128x64xf32, #tpu.memory_space<vmem>>
      %dma_start3A_106 = tpu.memref_squeeze %dma_start3A_105 : memref<1x128x64xf32, #tpu.memory_space<vmem>> -> memref<128x64xf32, #tpu.memory_space<vmem>>
      tpu.enqueue_dma source(%dma_start3A_106 : memref<128x64xf32, #tpu.memory_space<vmem>>) target(%dma_start3A_102 : memref<128x64xf32, #tpu.memory_space<vmem_shared>>) target_semaphore(%run_scoped3A_94 : memref<!tpu.dma_semaphore, #tpu.memory_space<semaphore_mem>>)
      %dma_wait3A = arith.constant 0 : i32
      %dma_wait3A_107 = arith.constant 0 : i32
      %dma_wait3A_108 = tpu.memref_slice %arg8[%run_scoped3A_24, %dma_wait3A, %dma_wait3A_107] : memref<4x128x64xf32, #tpu.memory_space<vmem>> -> memref<1x128x64xf32, #tpu.memory_space<vmem>>
      %dma_wait3A_109 = tpu.memref_squeeze %dma_wait3A_108 : memref<1x128x64xf32, #tpu.memory_space<vmem>> -> memref<128x64xf32, #tpu.memory_space<vmem>>
      %dma_wait3A_110 = arith.constant 0 : i32
      %dma_wait3A_111 = tpu.memref_slice %arg9[%add3A_23, %dma_wait3A_110] : memref<10240x64xf32, #tpu.memory_space<vmem_shared>> -> memref<128x64xf32, #tpu.memory_space<vmem_shared>>
      %dma_wait3A_112 = arith.constant 0 : i32
      %dma_wait3A_113 = tpu.memref_slice %arg9[%add3A_23, %dma_wait3A_112] : memref<10240x64xf32, #tpu.memory_space<vmem_shared>> -> memref<128x64xf32, #tpu.memory_space<vmem_shared>>
      %dma_wait3A_114 = arith.constant 0 : i32
      %dma_wait3A_115 = arith.constant 0 : i32
      %dma_wait3A_116 = tpu.memref_slice %arg8[%run_scoped3A_24, %dma_wait3A_114, %dma_wait3A_115] : memref<4x128x64xf32, #tpu.memory_space<vmem>> -> memref<1x128x64xf32, #tpu.memory_space<vmem>>
      %dma_wait3A_117 = tpu.memref_squeeze %dma_wait3A_116 : memref<1x128x64xf32, #tpu.memory_space<vmem>> -> memref<128x64xf32, #tpu.memory_space<vmem>>
      tpu.wait_dma2 semaphore(%run_scoped3A_94 : memref<!tpu.dma_semaphore, #tpu.memory_space<semaphore_mem>>) src(%dma_wait3A_117 : memref<128x64xf32, #tpu.memory_space<vmem>>) dst(%dma_wait3A_113 : memref<128x64xf32, #tpu.memory_space<vmem_shared>>)
      tpu.yield
    }) : () -> ()
    %barrier3A = arith.constant 0 : index
    tpu.barrier barrier_id(%barrier3A)
    %dma_start3A = arith.constant 0 : i32
    %dma_start3A_25 = arith.constant 0 : i32
    %dma_start3A_26 = arith.constant 0 : i32
    %dma_start3A_27 = arith.constant 0 : i32
    %dma_start3A_28 = tpu.memref_slice %arg8[%dma_start3A_25, %dma_start3A_26, %dma_start3A_27] : memref<4x128x64xf32, #tpu.memory_space<vmem>> -> memref<1x128x64xf32, #tpu.memory_space<vmem>>
    %dma_start3A_29 = tpu.memref_squeeze %dma_start3A_28 : memref<1x128x64xf32, #tpu.memory_space<vmem>> -> memref<128x64xf32, #tpu.memory_space<vmem>>
    %dma_start3A_30 = arith.constant 0 : i32
    %dma_start3A_31 = tpu.memref_slice %arg6[%dma_start3A, %dma_start3A_30] : memref<160x128xi32, #tpu.memory_space<vmem>> -> memref<1x128xi32, #tpu.memory_space<vmem>>
    %dma_start3A_32 = tpu.memref_squeeze %dma_start3A_31 : memref<1x128xi32, #tpu.memory_space<vmem>> -> memref<128xi32, #tpu.memory_space<vmem>>
    %dma_start3A_33 = arith.constant 0 : i32
    %dma_start3A_34 = arith.constant 0 : i32
    %dma_start3A_35 = tpu.memref_slice %arg4[%arg0, %dma_start3A_33, %dma_start3A_34] : memref<2x10240x64xf32, #tpu.memory_space<hbm>> -> memref<1x10240x64xf32, #tpu.memory_space<hbm>>
    %dma_start3A_36 = tpu.memref_squeeze %dma_start3A_35 : memref<1x10240x64xf32, #tpu.memory_space<hbm>> -> memref<10240x64xf32, #tpu.memory_space<hbm>>
    %dma_start3A_37 = arith.constant 0 : i32
    %dma_start3A_38 = arith.constant 0 : i32
    %dma_start3A_39 = tpu.memref_slice %dma_start3A_36[%dma_start3A_37, %dma_start3A_38] : memref<10240x64xf32, #tpu.memory_space<hbm>> -> memref<10240x64xf32, #tpu.memory_space<hbm>>
    tpu.enqueue_indirect_dma source(%dma_start3A_39 : memref<10240x64xf32, #tpu.memory_space<hbm>>) target(%dma_start3A_29 : memref<128x64xf32, #tpu.memory_space<vmem>>) offsets(%dma_start3A_32 : memref<128xi32, #tpu.memory_space<vmem>>) semaphore(%arg10 : memref<!tpu.dma_semaphore, #tpu.memory_space<semaphore_mem>>)
    %dma_start3A_40 = arith.constant 1 : i32
    %dma_start3A_41 = arith.constant 1 : i32
    %dma_start3A_42 = arith.constant 0 : i32
    %dma_start3A_43 = arith.constant 0 : i32
    %dma_start3A_44 = tpu.memref_slice %arg8[%dma_start3A_41, %dma_start3A_42, %dma_start3A_43] : memref<4x128x64xf32, #tpu.memory_space<vmem>> -> memref<1x128x64xf32, #tpu.memory_space<vmem>>
    %dma_start3A_45 = tpu.memref_squeeze %dma_start3A_44 : memref<1x128x64xf32, #tpu.memory_space<vmem>> -> memref<128x64xf32, #tpu.memory_space<vmem>>
    %dma_start3A_46 = arith.constant 0 : i32
    %dma_start3A_47 = tpu.memref_slice %arg6[%dma_start3A_40, %dma_start3A_46] : memref<160x128xi32, #tpu.memory_space<vmem>> -> memref<1x128xi32, #tpu.memory_space<vmem>>
    %dma_start3A_48 = tpu.memref_squeeze %dma_start3A_47 : memref<1x128xi32, #tpu.memory_space<vmem>> -> memref<128xi32, #tpu.memory_space<vmem>>
    %dma_start3A_49 = arith.constant 0 : i32
    %dma_start3A_50 = arith.constant 0 : i32
    %dma_start3A_51 = tpu.memref_slice %arg4[%arg0, %dma_start3A_49, %dma_start3A_50] : memref<2x10240x64xf32, #tpu.memory_space<hbm>> -> memref<1x10240x64xf32, #tpu.memory_space<hbm>>
    %dma_start3A_52 = tpu.memref_squeeze %dma_start3A_51 : memref<1x10240x64xf32, #tpu.memory_space<hbm>> -> memref<10240x64xf32, #tpu.memory_space<hbm>>
    %dma_start3A_53 = arith.constant 0 : i32
    %dma_start3A_54 = arith.constant 0 : i32
    %dma_start3A_55 = tpu.memref_slice %dma_start3A_52[%dma_start3A_53, %dma_start3A_54] : memref<10240x64xf32, #tpu.memory_space<hbm>> -> memref<10240x64xf32, #tpu.memory_space<hbm>>
    tpu.enqueue_indirect_dma source(%dma_start3A_55 : memref<10240x64xf32, #tpu.memory_space<hbm>>) target(%dma_start3A_45 : memref<128x64xf32, #tpu.memory_space<vmem>>) offsets(%dma_start3A_48 : memref<128xi32, #tpu.memory_space<vmem>>) semaphore(%arg10 : memref<!tpu.dma_semaphore, #tpu.memory_space<semaphore_mem>>)
    %dma_start3A_56 = arith.constant 2 : i32
    %dma_start3A_57 = arith.constant 2 : i32
    %dma_start3A_58 = arith.constant 0 : i32
    %dma_start3A_59 = arith.constant 0 : i32
    %dma_start3A_60 = tpu.memref_slice %arg8[%dma_start3A_57, %dma_start3A_58, %dma_start3A_59] : memref<4x128x64xf32, #tpu.memory_space<vmem>> -> memref<1x128x64xf32, #tpu.memory_space<vmem>>
    %dma_start3A_61 = tpu.memref_squeeze %dma_start3A_60 : memref<1x128x64xf32, #tpu.memory_space<vmem>> -> memref<128x64xf32, #tpu.memory_space<vmem>>
    %dma_start3A_62 = arith.constant 0 : i32
    %dma_start3A_63 = tpu.memref_slice %arg6[%dma_start3A_56, %dma_start3A_62] : memref<160x128xi32, #tpu.memory_space<vmem>> -> memref<1x128xi32, #tpu.memory_space<vmem>>
    %dma_start3A_64 = tpu.memref_squeeze %dma_start3A_63 : memref<1x128xi32, #tpu.memory_space<vmem>> -> memref<128xi32, #tpu.memory_space<vmem>>
    %dma_start3A_65 = arith.constant 0 : i32
    %dma_start3A_66 = arith.constant 0 : i32
    %dma_start3A_67 = tpu.memref_slice %arg4[%arg0, %dma_start3A_65, %dma_start3A_66] : memref<2x10240x64xf32, #tpu.memory_space<hbm>> -> memref<1x10240x64xf32, #tpu.memory_space<hbm>>
    %dma_start3A_68 = tpu.memref_squeeze %dma_start3A_67 : memref<1x10240x64xf32, #tpu.memory_space<hbm>> -> memref<10240x64xf32, #tpu.memory_space<hbm>>
    %dma_start3A_69 = arith.constant 0 : i32
    %dma_start3A_70 = arith.constant 0 : i32
    %dma_start3A_71 = tpu.memref_slice %dma_start3A_68[%dma_start3A_69, %dma_start3A_70] : memref<10240x64xf32, #tpu.memory_space<hbm>> -> memref<10240x64xf32, #tpu.memory_space<hbm>>
    tpu.enqueue_indirect_dma source(%dma_start3A_71 : memref<10240x64xf32, #tpu.memory_space<hbm>>) target(%dma_start3A_61 : memref<128x64xf32, #tpu.memory_space<vmem>>) offsets(%dma_start3A_64 : memref<128xi32, #tpu.memory_space<vmem>>) semaphore(%arg10 : memref<!tpu.dma_semaphore, #tpu.memory_space<semaphore_mem>>)
    %dma_start3A_72 = arith.constant 3 : i32
    %dma_start3A_73 = arith.constant 3 : i32
    %dma_start3A_74 = arith.constant 0 : i32
    %dma_start3A_75 = arith.constant 0 : i32
    %dma_start3A_76 = tpu.memref_slice %arg8[%dma_start3A_73, %dma_start3A_74, %dma_start3A_75] : memref<4x128x64xf32, #tpu.memory_space<vmem>> -> memref<1x128x64xf32, #tpu.memory_space<vmem>>
    %dma_start3A_77 = tpu.memref_squeeze %dma_start3A_76 : memref<1x128x64xf32, #tpu.memory_space<vmem>> -> memref<128x64xf32, #tpu.memory_space<vmem>>
    %dma_start3A_78 = arith.constant 0 : i32
    %dma_start3A_79 = tpu.memref_slice %arg6[%dma_start3A_72, %dma_start3A_78] : memref<160x128xi32, #tpu.memory_space<vmem>> -> memref<1x128xi32, #tpu.memory_space<vmem>>
    %dma_start3A_80 = tpu.memref_squeeze %dma_start3A_79 : memref<1x128xi32, #tpu.memory_space<vmem>> -> memref<128xi32, #tpu.memory_space<vmem>>
    %dma_start3A_81 = arith.constant 0 : i32
    %dma_start3A_82 = arith.constant 0 : i32
    %dma_start3A_83 = tpu.memref_slice %arg4[%arg0, %dma_start3A_81, %dma_start3A_82] : memref<2x10240x64xf32, #tpu.memory_space<hbm>> -> memref<1x10240x64xf32, #tpu.memory_space<hbm>>
    %dma_start3A_84 = tpu.memref_squeeze %dma_start3A_83 : memref<1x10240x64xf32, #tpu.memory_space<hbm>> -> memref<10240x64xf32, #tpu.memory_space<hbm>>
    %dma_start3A_85 = arith.constant 0 : i32
    %dma_start3A_86 = arith.constant 0 : i32
    %dma_start3A_87 = tpu.memref_slice %dma_start3A_84[%dma_start3A_85, %dma_start3A_86] : memref<10240x64xf32, #tpu.memory_space<hbm>> -> memref<10240x64xf32, #tpu.memory_space<hbm>>
    tpu.enqueue_indirect_dma source(%dma_start3A_87 : memref<10240x64xf32, #tpu.memory_space<hbm>>) target(%dma_start3A_77 : memref<128x64xf32, #tpu.memory_space<vmem>>) offsets(%dma_start3A_80 : memref<128xi32, #tpu.memory_space<vmem>>) semaphore(%arg10 : memref<!tpu.dma_semaphore, #tpu.memory_space<semaphore_mem>>)
    %scan3A_88 = arith.constant 0 : i32
    %scan3A_89 = arith.constant 40 : i32
    %scan3A_90 = arith.addi %scan3A_88, %scan3A_89 : i32
    %scan3A_91 = arith.constant 1 : i32
    scf.for %scan3A_94 = %scan3A_88 to %scan3A_90 step %scan3A_91  : i32 {
      %mul3A_95 = arith.constant 2 : i32
      %mul3A_96 = arith.muli %scan3A_94, %mul3A_95 : i32
      %add3A_97 = arith.constant 0 : i32
      %add3A_98 = arith.addi %add3A_97, %mul3A_96 : i32
      %add3A_99 = arith.constant 0 : i32
      %add3A_100 = arith.addi %add3A_98, %add3A_99 : i32
      %dma_wait3A = arith.constant 0 : i32
      %dma_wait3A_101 = arith.constant 0 : i32
      %dma_wait3A_102 = arith.constant 0 : i32
      %dma_wait3A_103 = tpu.memref_slice %arg8[%dma_wait3A, %dma_wait3A_101, %dma_wait3A_102] : memref<4x128x64xf32, #tpu.memory_space<vmem>> -> memref<1x128x64xf32, #tpu.memory_space<vmem>>
      %dma_wait3A_104 = tpu.memref_squeeze %dma_wait3A_103 : memref<1x128x64xf32, #tpu.memory_space<vmem>> -> memref<128x64xf32, #tpu.memory_space<vmem>>
      %dma_wait3A_105 = arith.constant 0 : i32
      %dma_wait3A_106 = arith.constant 0 : i32
      %dma_wait3A_107 = tpu.memref_slice %arg4[%arg0, %dma_wait3A_105, %dma_wait3A_106] : memref<2x10240x64xf32, #tpu.memory_space<hbm>> -> memref<1x10240x64xf32, #tpu.memory_space<hbm>>
      %dma_wait3A_108 = tpu.memref_squeeze %dma_wait3A_107 : memref<1x10240x64xf32, #tpu.memory_space<hbm>> -> memref<10240x64xf32, #tpu.memory_space<hbm>>
      %dma_wait3A_109 = arith.constant 0 : i32
      %dma_wait3A_110 = arith.constant 0 : i32
      %dma_wait3A_111 = tpu.memref_slice %dma_wait3A_108[%dma_wait3A_109, %dma_wait3A_110] : memref<10240x64xf32, #tpu.memory_space<hbm>> -> memref<128x64xf32, #tpu.memory_space<hbm>>
      %dma_wait3A_112 = arith.constant 0 : i32
      %dma_wait3A_113 = arith.constant 0 : i32
      %dma_wait3A_114 = tpu.memref_slice %arg8[%dma_wait3A, %dma_wait3A_112, %dma_wait3A_113] : memref<4x128x64xf32, #tpu.memory_space<vmem>> -> memref<1x128x64xf32, #tpu.memory_space<vmem>>
      %dma_wait3A_115 = tpu.memref_squeeze %dma_wait3A_114 : memref<1x128x64xf32, #tpu.memory_space<vmem>> -> memref<128x64xf32, #tpu.memory_space<vmem>>
      %dma_wait3A_116 = arith.constant 0 : i32
      %dma_wait3A_117 = arith.constant 0 : i32
      %dma_wait3A_118 = tpu.memref_slice %arg4[%arg0, %dma_wait3A_116, %dma_wait3A_117] : memref<2x10240x64xf32, #tpu.memory_space<hbm>> -> memref<1x10240x64xf32, #tpu.memory_space<hbm>>
      %dma_wait3A_119 = tpu.memref_squeeze %dma_wait3A_118 : memref<1x10240x64xf32, #tpu.memory_space<hbm>> -> memref<10240x64xf32, #tpu.memory_space<hbm>>
      %dma_wait3A_120 = arith.constant 0 : i32
      %dma_wait3A_121 = arith.constant 0 : i32
      %dma_wait3A_122 = tpu.memref_slice %dma_wait3A_119[%dma_wait3A_120, %dma_wait3A_121] : memref<10240x64xf32, #tpu.memory_space<hbm>> -> memref<128x64xf32, #tpu.memory_space<hbm>>
      tpu.wait_dma2 semaphore(%arg10 : memref<!tpu.dma_semaphore, #tpu.memory_space<semaphore_mem>>) src(%dma_wait3A_122 : memref<128x64xf32, #tpu.memory_space<hbm>>) dst(%dma_wait3A_115 : memref<128x64xf32, #tpu.memory_space<vmem>>)
      %dma_wait3A_123 = arith.constant 1 : i32
      %dma_wait3A_124 = arith.constant 0 : i32
      %dma_wait3A_125 = arith.constant 0 : i32
      %dma_wait3A_126 = tpu.memref_slice %arg8[%dma_wait3A_123, %dma_wait3A_124, %dma_wait3A_125] : memref<4x128x64xf32, #tpu.memory_space<vmem>> -> memref<1x128x64xf32, #tpu.memory_space<vmem>>
      %dma_wait3A_127 = tpu.memref_squeeze %dma_wait3A_126 : memref<1x128x64xf32, #tpu.memory_space<vmem>> -> memref<128x64xf32, #tpu.memory_space<vmem>>
      %dma_wait3A_128 = arith.constant 0 : i32
      %dma_wait3A_129 = arith.constant 0 : i32
      %dma_wait3A_130 = tpu.memref_slice %arg4[%arg0, %dma_wait3A_128, %dma_wait3A_129] : memref<2x10240x64xf32, #tpu.memory_space<hbm>> -> memref<1x10240x64xf32, #tpu.memory_space<hbm>>
      %dma_wait3A_131 = tpu.memref_squeeze %dma_wait3A_130 : memref<1x10240x64xf32, #tpu.memory_space<hbm>> -> memref<10240x64xf32, #tpu.memory_space<hbm>>
      %dma_wait3A_132 = arith.constant 0 : i32
      %dma_wait3A_133 = arith.constant 0 : i32
      %dma_wait3A_134 = tpu.memref_slice %dma_wait3A_131[%dma_wait3A_132, %dma_wait3A_133] : memref<10240x64xf32, #tpu.memory_space<hbm>> -> memref<128x64xf32, #tpu.memory_space<hbm>>
      %dma_wait3A_135 = arith.constant 0 : i32
      %dma_wait3A_136 = arith.constant 0 : i32
      %dma_wait3A_137 = tpu.memref_slice %arg8[%dma_wait3A_123, %dma_wait3A_135, %dma_wait3A_136] : memref<4x128x64xf32, #tpu.memory_space<vmem>> -> memref<1x128x64xf32, #tpu.memory_space<vmem>>
      %dma_wait3A_138 = tpu.memref_squeeze %dma_wait3A_137 : memref<1x128x64xf32, #tpu.memory_space<vmem>> -> memref<128x64xf32, #tpu.memory_space<vmem>>
      %dma_wait3A_139 = arith.constant 0 : i32
      %dma_wait3A_140 = arith.constant 0 : i32
      %dma_wait3A_141 = tpu.memref_slice %arg4[%arg0, %dma_wait3A_139, %dma_wait3A_140] : memref<2x10240x64xf32, #tpu.memory_space<hbm>> -> memref<1x10240x64xf32, #tpu.memory_space<hbm>>
      %dma_wait3A_142 = tpu.memref_squeeze %dma_wait3A_141 : memref<1x10240x64xf32, #tpu.memory_space<hbm>> -> memref<10240x64xf32, #tpu.memory_space<hbm>>
      %dma_wait3A_143 = arith.constant 0 : i32
      %dma_wait3A_144 = arith.constant 0 : i32
      %dma_wait3A_145 = tpu.memref_slice %dma_wait3A_142[%dma_wait3A_143, %dma_wait3A_144] : memref<10240x64xf32, #tpu.memory_space<hbm>> -> memref<128x64xf32, #tpu.memory_space<hbm>>
      tpu.wait_dma2 semaphore(%arg10 : memref<!tpu.dma_semaphore, #tpu.memory_space<semaphore_mem>>) src(%dma_wait3A_145 : memref<128x64xf32, #tpu.memory_space<hbm>>) dst(%dma_wait3A_138 : memref<128x64xf32, #tpu.memory_space<vmem>>)
      %mul3A_146 = arith.constant 2 : i32
      %mul3A_147 = arith.muli %add3A_100, %mul3A_146 : i32
      %add3A_148 = arith.constant 0 : i32
      %add3A_149 = arith.addi %mul3A_147, %add3A_148 : i32
      %dma_start3A_150 = arith.constant 0 : i32
      %dma_start3A_151 = arith.constant 0 : i32
      %dma_start3A_152 = arith.constant 0 : i32
      %dma_start3A_153 = tpu.memref_slice %arg8[%dma_start3A_150, %dma_start3A_151, %dma_start3A_152] : memref<4x128x64xf32, #tpu.memory_space<vmem>> -> memref<1x128x64xf32, #tpu.memory_space<vmem>>
      %dma_start3A_154 = tpu.memref_squeeze %dma_start3A_153 : memref<1x128x64xf32, #tpu.memory_space<vmem>> -> memref<128x64xf32, #tpu.memory_space<vmem>>
      %dma_start3A_155 = arith.constant 0 : i32
      %dma_start3A_156 = tpu.memref_slice %arg7[%add3A_149, %dma_start3A_155] : memref<160x128xi32, #tpu.memory_space<vmem>> -> memref<1x128xi32, #tpu.memory_space<vmem>>
      %dma_start3A_157 = tpu.memref_squeeze %dma_start3A_156 : memref<1x128xi32, #tpu.memory_space<vmem>> -> memref<128xi32, #tpu.memory_space<vmem>>
      %dma_start3A_158 = arith.constant 0 : i32
      %dma_start3A_159 = arith.constant 0 : i32
      %dma_start3A_160 = tpu.memref_slice %arg9[%dma_start3A_158, %dma_start3A_159] : memref<10240x64xf32, #tpu.memory_space<vmem_shared>> -> memref<10240x64xf32, #tpu.memory_space<vmem_shared>>
      tpu.enqueue_indirect_dma source(%dma_start3A_154 : memref<128x64xf32, #tpu.memory_space<vmem>>) target(%dma_start3A_160 : memref<10240x64xf32, #tpu.memory_space<vmem_shared>>) offsets(%dma_start3A_157 : memref<128xi32, #tpu.memory_space<vmem>>) semaphore(%arg11 : memref<!tpu.dma_semaphore, #tpu.memory_space<semaphore_mem>>) {add = true}
      %mul3A_161 = arith.constant 2 : i32
      %mul3A_162 = arith.muli %add3A_100, %mul3A_161 : i32
      %add3A_163 = arith.constant 1 : i32
      %add3A_164 = arith.addi %mul3A_162, %add3A_163 : i32
      %dma_start3A_165 = arith.constant 1 : i32
      %dma_start3A_166 = arith.constant 0 : i32
      %dma_start3A_167 = arith.constant 0 : i32
      %dma_start3A_168 = tpu.memref_slice %arg8[%dma_start3A_165, %dma_start3A_166, %dma_start3A_167] : memref<4x128x64xf32, #tpu.memory_space<vmem>> -> memref<1x128x64xf32, #tpu.memory_space<vmem>>
      %dma_start3A_169 = tpu.memref_squeeze %dma_start3A_168 : memref<1x128x64xf32, #tpu.memory_space<vmem>> -> memref<128x64xf32, #tpu.memory_space<vmem>>
      %dma_start3A_170 = arith.constant 0 : i32
      %dma_start3A_171 = tpu.memref_slice %arg7[%add3A_164, %dma_start3A_170] : memref<160x128xi32, #tpu.memory_space<vmem>> -> memref<1x128xi32, #tpu.memory_space<vmem>>
      %dma_start3A_172 = tpu.memref_squeeze %dma_start3A_171 : memref<1x128xi32, #tpu.memory_space<vmem>> -> memref<128xi32, #tpu.memory_space<vmem>>
      %dma_start3A_173 = arith.constant 0 : i32
      %dma_start3A_174 = arith.constant 0 : i32
      %dma_start3A_175 = tpu.memref_slice %arg9[%dma_start3A_173, %dma_start3A_174] : memref<10240x64xf32, #tpu.memory_space<vmem_shared>> -> memref<10240x64xf32, #tpu.memory_space<vmem_shared>>
      tpu.enqueue_indirect_dma source(%dma_start3A_169 : memref<128x64xf32, #tpu.memory_space<vmem>>) target(%dma_start3A_175 : memref<10240x64xf32, #tpu.memory_space<vmem_shared>>) offsets(%dma_start3A_172 : memref<128xi32, #tpu.memory_space<vmem>>) semaphore(%arg11 : memref<!tpu.dma_semaphore, #tpu.memory_space<semaphore_mem>>) {add = true}
      %dma_wait3A_176 = arith.constant 0 : i32
      %dma_wait3A_177 = arith.constant 0 : i32
      %dma_wait3A_178 = arith.constant 0 : i32
      %dma_wait3A_179 = tpu.memref_slice %arg8[%dma_wait3A_176, %dma_wait3A_177, %dma_wait3A_178] : memref<4x128x64xf32, #tpu.memory_space<vmem>> -> memref<1x128x64xf32, #tpu.memory_space<vmem>>
      %dma_wait3A_180 = tpu.memref_squeeze %dma_wait3A_179 : memref<1x128x64xf32, #tpu.memory_space<vmem>> -> memref<128x64xf32, #tpu.memory_space<vmem>>
      %dma_wait3A_181 = arith.constant 0 : i32
      %dma_wait3A_182 = arith.constant 0 : i32
      %dma_wait3A_183 = tpu.memref_slice %arg4[%arg0, %dma_wait3A_181, %dma_wait3A_182] : memref<2x10240x64xf32, #tpu.memory_space<hbm>> -> memref<1x10240x64xf32, #tpu.memory_space<hbm>>
      %dma_wait3A_184 = tpu.memref_squeeze %dma_wait3A_183 : memref<1x10240x64xf32, #tpu.memory_space<hbm>> -> memref<10240x64xf32, #tpu.memory_space<hbm>>
      %dma_wait3A_185 = arith.constant 0 : i32
      %dma_wait3A_186 = arith.constant 0 : i32
      %dma_wait3A_187 = tpu.memref_slice %dma_wait3A_184[%dma_wait3A_185, %dma_wait3A_186] : memref<10240x64xf32, #tpu.memory_space<hbm>> -> memref<128x64xf32, #tpu.memory_space<hbm>>
      %dma_wait3A_188 = arith.constant 0 : i32
      %dma_wait3A_189 = arith.constant 0 : i32
      %dma_wait3A_190 = tpu.memref_slice %arg8[%dma_wait3A_176, %dma_wait3A_188, %dma_wait3A_189] : memref<4x128x64xf32, #tpu.memory_space<vmem>> -> memref<1x128x64xf32, #tpu.memory_space<vmem>>
      %dma_wait3A_191 = tpu.memref_squeeze %dma_wait3A_190 : memref<1x128x64xf32, #tpu.memory_space<vmem>> -> memref<128x64xf32, #tpu.memory_space<vmem>>
      %dma_wait3A_192 = arith.constant 0 : i32
      %dma_wait3A_193 = arith.constant 0 : i32
      %dma_wait3A_194 = tpu.memref_slice %arg4[%arg0, %dma_wait3A_192, %dma_wait3A_193] : memref<2x10240x64xf32, #tpu.memory_space<hbm>> -> memref<1x10240x64xf32, #tpu.memory_space<hbm>>
      %dma_wait3A_195 = tpu.memref_squeeze %dma_wait3A_194 : memref<1x10240x64xf32, #tpu.memory_space<hbm>> -> memref<10240x64xf32, #tpu.memory_space<hbm>>
      %dma_wait3A_196 = arith.constant 0 : i32
      %dma_wait3A_197 = arith.constant 0 : i32
      %dma_wait3A_198 = tpu.memref_slice %dma_wait3A_195[%dma_wait3A_196, %dma_wait3A_197] : memref<10240x64xf32, #tpu.memory_space<hbm>> -> memref<128x64xf32, #tpu.memory_space<hbm>>
      tpu.wait_dma2 semaphore(%arg11 : memref<!tpu.dma_semaphore, #tpu.memory_space<semaphore_mem>>) src(%dma_wait3A_198 : memref<128x64xf32, #tpu.memory_space<hbm>>) dst(%dma_wait3A_191 : memref<128x64xf32, #tpu.memory_space<vmem>>)
      %dma_wait3A_199 = arith.constant 1 : i32
      %dma_wait3A_200 = arith.constant 0 : i32
      %dma_wait3A_201 = arith.constant 0 : i32
      %dma_wait3A_202 = tpu.memref_slice %arg8[%dma_wait3A_199, %dma_wait3A_200, %dma_wait3A_201] : memref<4x128x64xf32, #tpu.memory_space<vmem>> -> memref<1x128x64xf32, #tpu.memory_space<vmem>>
      %dma_wait3A_203 = tpu.memref_squeeze %dma_wait3A_202 : memref<1x128x64xf32, #tpu.memory_space<vmem>> -> memref<128x64xf32, #tpu.memory_space<vmem>>
      %dma_wait3A_204 = arith.constant 0 : i32
      %dma_wait3A_205 = arith.constant 0 : i32
      %dma_wait3A_206 = tpu.memref_slice %arg4[%arg0, %dma_wait3A_204, %dma_wait3A_205] : memref<2x10240x64xf32, #tpu.memory_space<hbm>> -> memref<1x10240x64xf32, #tpu.memory_space<hbm>>
      %dma_wait3A_207 = tpu.memref_squeeze %dma_wait3A_206 : memref<1x10240x64xf32, #tpu.memory_space<hbm>> -> memref<10240x64xf32, #tpu.memory_space<hbm>>
      %dma_wait3A_208 = arith.constant 0 : i32
      %dma_wait3A_209 = arith.constant 0 : i32
      %dma_wait3A_210 = tpu.memref_slice %dma_wait3A_207[%dma_wait3A_208, %dma_wait3A_209] : memref<10240x64xf32, #tpu.memory_space<hbm>> -> memref<128x64xf32, #tpu.memory_space<hbm>>
      %dma_wait3A_211 = arith.constant 0 : i32
      %dma_wait3A_212 = arith.constant 0 : i32
      %dma_wait3A_213 = tpu.memref_slice %arg8[%dma_wait3A_199, %dma_wait3A_211, %dma_wait3A_212] : memref<4x128x64xf32, #tpu.memory_space<vmem>> -> memref<1x128x64xf32, #tpu.memory_space<vmem>>
      %dma_wait3A_214 = tpu.memref_squeeze %dma_wait3A_213 : memref<1x128x64xf32, #tpu.memory_space<vmem>> -> memref<128x64xf32, #tpu.memory_space<vmem>>
      %dma_wait3A_215 = arith.constant 0 : i32
      %dma_wait3A_216 = arith.constant 0 : i32
      %dma_wait3A_217 = tpu.memref_slice %arg4[%arg0, %dma_wait3A_215, %dma_wait3A_216] : memref<2x10240x64xf32, #tpu.memory_space<hbm>> -> memref<1x10240x64xf32, #tpu.memory_space<hbm>>
      %dma_wait3A_218 = tpu.memref_squeeze %dma_wait3A_217 : memref<1x10240x64xf32, #tpu.memory_space<hbm>> -> memref<10240x64xf32, #tpu.memory_space<hbm>>
      %dma_wait3A_219 = arith.constant 0 : i32
      %dma_wait3A_220 = arith.constant 0 : i32
      %dma_wait3A_221 = tpu.memref_slice %dma_wait3A_218[%dma_wait3A_219, %dma_wait3A_220] : memref<10240x64xf32, #tpu.memory_space<hbm>> -> memref<128x64xf32, #tpu.memory_space<hbm>>
      tpu.wait_dma2 semaphore(%arg11 : memref<!tpu.dma_semaphore, #tpu.memory_space<semaphore_mem>>) src(%dma_wait3A_221 : memref<128x64xf32, #tpu.memory_space<hbm>>) dst(%dma_wait3A_214 : memref<128x64xf32, #tpu.memory_space<vmem>>)
      %add3A_222 = arith.constant 2 : i32
      %add3A_223 = arith.addi %add3A_100, %add3A_222 : i32
      %lt3A = arith.constant 80 : i32
      %lt3A_224 = arith.cmpi slt, %add3A_223, %lt3A : i32
      %convert_element_type3A = arith.extui %lt3A_224 : i1 to i32
      %cond3A = arith.constant 0 : i32
      %cond3A_225 = arith.cmpi ne, %convert_element_type3A, %cond3A : i32
      scf.if %cond3A_225 {
        %add3A_357 = arith.constant 2 : i32
        %add3A_358 = arith.addi %add3A_100, %add3A_357 : i32
        %mul3A_359 = arith.constant 2 : i32
        %mul3A_360 = arith.muli %add3A_358, %mul3A_359 : i32
        %add3A_361 = arith.constant 0 : i32
        %add3A_362 = arith.addi %mul3A_360, %add3A_361 : i32
        %dma_start3A_363 = arith.constant 0 : i32
        %dma_start3A_364 = arith.constant 0 : i32
        %dma_start3A_365 = arith.constant 0 : i32
        %dma_start3A_366 = tpu.memref_slice %arg8[%dma_start3A_363, %dma_start3A_364, %dma_start3A_365] : memref<4x128x64xf32, #tpu.memory_space<vmem>> -> memref<1x128x64xf32, #tpu.memory_space<vmem>>
        %dma_start3A_367 = tpu.memref_squeeze %dma_start3A_366 : memref<1x128x64xf32, #tpu.memory_space<vmem>> -> memref<128x64xf32, #tpu.memory_space<vmem>>
        %dma_start3A_368 = arith.constant 0 : i32
        %dma_start3A_369 = tpu.memref_slice %arg6[%add3A_362, %dma_start3A_368] : memref<160x128xi32, #tpu.memory_space<vmem>> -> memref<1x128xi32, #tpu.memory_space<vmem>>
        %dma_start3A_370 = tpu.memref_squeeze %dma_start3A_369 : memref<1x128xi32, #tpu.memory_space<vmem>> -> memref<128xi32, #tpu.memory_space<vmem>>
        %dma_start3A_371 = arith.constant 0 : i32
        %dma_start3A_372 = arith.constant 0 : i32
        %dma_start3A_373 = tpu.memref_slice %arg4[%arg0, %dma_start3A_371, %dma_start3A_372] : memref<2x10240x64xf32, #tpu.memory_space<hbm>> -> memref<1x10240x64xf32, #tpu.memory_space<hbm>>
        %dma_start3A_374 = tpu.memref_squeeze %dma_start3A_373 : memref<1x10240x64xf32, #tpu.memory_space<hbm>> -> memref<10240x64xf32, #tpu.memory_space<hbm>>
        %dma_start3A_375 = arith.constant 0 : i32
        %dma_start3A_376 = arith.constant 0 : i32
        %dma_start3A_377 = tpu.memref_slice %dma_start3A_374[%dma_start3A_375, %dma_start3A_376] : memref<10240x64xf32, #tpu.memory_space<hbm>> -> memref<10240x64xf32, #tpu.memory_space<hbm>>
        tpu.enqueue_indirect_dma source(%dma_start3A_377 : memref<10240x64xf32, #tpu.memory_space<hbm>>) target(%dma_start3A_367 : memref<128x64xf32, #tpu.memory_space<vmem>>) offsets(%dma_start3A_370 : memref<128xi32, #tpu.memory_space<vmem>>) semaphore(%arg10 : memref<!tpu.dma_semaphore, #tpu.memory_space<semaphore_mem>>)
        %add3A_378 = arith.constant 2 : i32
        %add3A_379 = arith.addi %add3A_100, %add3A_378 : i32
        %mul3A_380 = arith.constant 2 : i32
        %mul3A_381 = arith.muli %add3A_379, %mul3A_380 : i32
        %add3A_382 = arith.constant 1 : i32
        %add3A_383 = arith.addi %mul3A_381, %add3A_382 : i32
        %dma_start3A_384 = arith.constant 1 : i32
        %dma_start3A_385 = arith.constant 0 : i32
        %dma_start3A_386 = arith.constant 0 : i32
        %dma_start3A_387 = tpu.memref_slice %arg8[%dma_start3A_384, %dma_start3A_385, %dma_start3A_386] : memref<4x128x64xf32, #tpu.memory_space<vmem>> -> memref<1x128x64xf32, #tpu.memory_space<vmem>>
        %dma_start3A_388 = tpu.memref_squeeze %dma_start3A_387 : memref<1x128x64xf32, #tpu.memory_space<vmem>> -> memref<128x64xf32, #tpu.memory_space<vmem>>
        %dma_start3A_389 = arith.constant 0 : i32
        %dma_start3A_390 = tpu.memref_slice %arg6[%add3A_383, %dma_start3A_389] : memref<160x128xi32, #tpu.memory_space<vmem>> -> memref<1x128xi32, #tpu.memory_space<vmem>>
        %dma_start3A_391 = tpu.memref_squeeze %dma_start3A_390 : memref<1x128xi32, #tpu.memory_space<vmem>> -> memref<128xi32, #tpu.memory_space<vmem>>
        %dma_start3A_392 = arith.constant 0 : i32
        %dma_start3A_393 = arith.constant 0 : i32
        %dma_start3A_394 = tpu.memref_slice %arg4[%arg0, %dma_start3A_392, %dma_start3A_393] : memref<2x10240x64xf32, #tpu.memory_space<hbm>> -> memref<1x10240x64xf32, #tpu.memory_space<hbm>>
        %dma_start3A_395 = tpu.memref_squeeze %dma_start3A_394 : memref<1x10240x64xf32, #tpu.memory_space<hbm>> -> memref<10240x64xf32, #tpu.memory_space<hbm>>
        %dma_start3A_396 = arith.constant 0 : i32
        %dma_start3A_397 = arith.constant 0 : i32
        %dma_start3A_398 = tpu.memref_slice %dma_start3A_395[%dma_start3A_396, %dma_start3A_397] : memref<10240x64xf32, #tpu.memory_space<hbm>> -> memref<10240x64xf32, #tpu.memory_space<hbm>>
        tpu.enqueue_indirect_dma source(%dma_start3A_398 : memref<10240x64xf32, #tpu.memory_space<hbm>>) target(%dma_start3A_388 : memref<128x64xf32, #tpu.memory_space<vmem>>) offsets(%dma_start3A_391 : memref<128xi32, #tpu.memory_space<vmem>>) semaphore(%arg10 : memref<!tpu.dma_semaphore, #tpu.memory_space<semaphore_mem>>)
      } else {
      }
      %add3A_226 = arith.constant 1 : i32
      %add3A_227 = arith.addi %add3A_98, %add3A_226 : i32
      %dma_wait3A_228 = arith.constant 2 : i32
      %dma_wait3A_229 = arith.constant 0 : i32
      %dma_wait3A_230 = arith.constant 0 : i32
      %dma_wait3A_231 = tpu.memref_slice %arg8[%dma_wait3A_228, %dma_wait3A_229, %dma_wait3A_230] : memref<4x128x64xf32, #tpu.memory_space<vmem>> -> memref<1x128x64xf32, #tpu.memory_space<vmem>>
      %dma_wait3A_232 = tpu.memref_squeeze %dma_wait3A_231 : memref<1x128x64xf32, #tpu.memory_space<vmem>> -> memref<128x64xf32, #tpu.memory_space<vmem>>
      %dma_wait3A_233 = arith.constant 0 : i32
      %dma_wait3A_234 = arith.constant 0 : i32
      %dma_wait3A_235 = tpu.memref_slice %arg4[%arg0, %dma_wait3A_233, %dma_wait3A_234] : memref<2x10240x64xf32, #tpu.memory_space<hbm>> -> memref<1x10240x64xf32, #tpu.memory_space<hbm>>
      %dma_wait3A_236 = tpu.memref_squeeze %dma_wait3A_235 : memref<1x10240x64xf32, #tpu.memory_space<hbm>> -> memref<10240x64xf32, #tpu.memory_space<hbm>>
      %dma_wait3A_237 = arith.constant 0 : i32
      %dma_wait3A_238 = arith.constant 0 : i32
      %dma_wait3A_239 = tpu.memref_slice %dma_wait3A_236[%dma_wait3A_237, %dma_wait3A_238] : memref<10240x64xf32, #tpu.memory_space<hbm>> -> memref<128x64xf32, #tpu.memory_space<hbm>>
      %dma_wait3A_240 = arith.constant 0 : i32
      %dma_wait3A_241 = arith.constant 0 : i32
      %dma_wait3A_242 = tpu.memref_slice %arg8[%dma_wait3A_228, %dma_wait3A_240, %dma_wait3A_241] : memref<4x128x64xf32, #tpu.memory_space<vmem>> -> memref<1x128x64xf32, #tpu.memory_space<vmem>>
      %dma_wait3A_243 = tpu.memref_squeeze %dma_wait3A_242 : memref<1x128x64xf32, #tpu.memory_space<vmem>> -> memref<128x64xf32, #tpu.memory_space<vmem>>
      %dma_wait3A_244 = arith.constant 0 : i32
      %dma_wait3A_245 = arith.constant 0 : i32
      %dma_wait3A_246 = tpu.memref_slice %arg4[%arg0, %dma_wait3A_244, %dma_wait3A_245] : memref<2x10240x64xf32, #tpu.memory_space<hbm>> -> memref<1x10240x64xf32, #tpu.memory_space<hbm>>
      %dma_wait3A_247 = tpu.memref_squeeze %dma_wait3A_246 : memref<1x10240x64xf32, #tpu.memory_space<hbm>> -> memref<10240x64xf32, #tpu.memory_space<hbm>>
      %dma_wait3A_248 = arith.constant 0 : i32
      %dma_wait3A_249 = arith.constant 0 : i32
      %dma_wait3A_250 = tpu.memref_slice %dma_wait3A_247[%dma_wait3A_248, %dma_wait3A_249] : memref<10240x64xf32, #tpu.memory_space<hbm>> -> memref<128x64xf32, #tpu.memory_space<hbm>>
      tpu.wait_dma2 semaphore(%arg10 : memref<!tpu.dma_semaphore, #tpu.memory_space<semaphore_mem>>) src(%dma_wait3A_250 : memref<128x64xf32, #tpu.memory_space<hbm>>) dst(%dma_wait3A_243 : memref<128x64xf32, #tpu.memory_space<vmem>>)
      %dma_wait3A_251 = arith.constant 3 : i32
      %dma_wait3A_252 = arith.constant 0 : i32
      %dma_wait3A_253 = arith.constant 0 : i32
      %dma_wait3A_254 = tpu.memref_slice %arg8[%dma_wait3A_251, %dma_wait3A_252, %dma_wait3A_253] : memref<4x128x64xf32, #tpu.memory_space<vmem>> -> memref<1x128x64xf32, #tpu.memory_space<vmem>>
      %dma_wait3A_255 = tpu.memref_squeeze %dma_wait3A_254 : memref<1x128x64xf32, #tpu.memory_space<vmem>> -> memref<128x64xf32, #tpu.memory_space<vmem>>
      %dma_wait3A_256 = arith.constant 0 : i32
      %dma_wait3A_257 = arith.constant 0 : i32
      %dma_wait3A_258 = tpu.memref_slice %arg4[%arg0, %dma_wait3A_256, %dma_wait3A_257] : memref<2x10240x64xf32, #tpu.memory_space<hbm>> -> memref<1x10240x64xf32, #tpu.memory_space<hbm>>
      %dma_wait3A_259 = tpu.memref_squeeze %dma_wait3A_258 : memref<1x10240x64xf32, #tpu.memory_space<hbm>> -> memref<10240x64xf32, #tpu.memory_space<hbm>>
      %dma_wait3A_260 = arith.constant 0 : i32
      %dma_wait3A_261 = arith.constant 0 : i32
      %dma_wait3A_262 = tpu.memref_slice %dma_wait3A_259[%dma_wait3A_260, %dma_wait3A_261] : memref<10240x64xf32, #tpu.memory_space<hbm>> -> memref<128x64xf32, #tpu.memory_space<hbm>>
      %dma_wait3A_263 = arith.constant 0 : i32
      %dma_wait3A_264 = arith.constant 0 : i32
      %dma_wait3A_265 = tpu.memref_slice %arg8[%dma_wait3A_251, %dma_wait3A_263, %dma_wait3A_264] : memref<4x128x64xf32, #tpu.memory_space<vmem>> -> memref<1x128x64xf32, #tpu.memory_space<vmem>>
      %dma_wait3A_266 = tpu.memref_squeeze %dma_wait3A_265 : memref<1x128x64xf32, #tpu.memory_space<vmem>> -> memref<128x64xf32, #tpu.memory_space<vmem>>
      %dma_wait3A_267 = arith.constant 0 : i32
      %dma_wait3A_268 = arith.constant 0 : i32
      %dma_wait3A_269 = tpu.memref_slice %arg4[%arg0, %dma_wait3A_267, %dma_wait3A_268] : memref<2x10240x64xf32, #tpu.memory_space<hbm>> -> memref<1x10240x64xf32, #tpu.memory_space<hbm>>
      %dma_wait3A_270 = tpu.memref_squeeze %dma_wait3A_269 : memref<1x10240x64xf32, #tpu.memory_space<hbm>> -> memref<10240x64xf32, #tpu.memory_space<hbm>>
      %dma_wait3A_271 = arith.constant 0 : i32
      %dma_wait3A_272 = arith.constant 0 : i32
      %dma_wait3A_273 = tpu.memref_slice %dma_wait3A_270[%dma_wait3A_271, %dma_wait3A_272] : memref<10240x64xf32, #tpu.memory_space<hbm>> -> memref<128x64xf32, #tpu.memory_space<hbm>>
      tpu.wait_dma2 semaphore(%arg10 : memref<!tpu.dma_semaphore, #tpu.memory_space<semaphore_mem>>) src(%dma_wait3A_273 : memref<128x64xf32, #tpu.memory_space<hbm>>) dst(%dma_wait3A_266 : memref<128x64xf32, #tpu.memory_space<vmem>>)
      %mul3A_274 = arith.constant 2 : i32
      %mul3A_275 = arith.muli %add3A_227, %mul3A_274 : i32
      %add3A_276 = arith.constant 0 : i32
      %add3A_277 = arith.addi %mul3A_275, %add3A_276 : i32
      %dma_start3A_278 = arith.constant 2 : i32
      %dma_start3A_279 = arith.constant 0 : i32
      %dma_start3A_280 = arith.constant 0 : i32
      %dma_start3A_281 = tpu.memref_slice %arg8[%dma_start3A_278, %dma_start3A_279, %dma_start3A_280] : memref<4x128x64xf32, #tpu.memory_space<vmem>> -> memref<1x128x64xf32, #tpu.memory_space<vmem>>
      %dma_start3A_282 = tpu.memref_squeeze %dma_start3A_281 : memref<1x128x64xf32, #tpu.memory_space<vmem>> -> memref<128x64xf32, #tpu.memory_space<vmem>>
      %dma_start3A_283 = arith.constant 0 : i32
      %dma_start3A_284 = tpu.memref_slice %arg7[%add3A_277, %dma_start3A_283] : memref<160x128xi32, #tpu.memory_space<vmem>> -> memref<1x128xi32, #tpu.memory_space<vmem>>
      %dma_start3A_285 = tpu.memref_squeeze %dma_start3A_284 : memref<1x128xi32, #tpu.memory_space<vmem>> -> memref<128xi32, #tpu.memory_space<vmem>>
      %dma_start3A_286 = arith.constant 0 : i32
      %dma_start3A_287 = arith.constant 0 : i32
      %dma_start3A_288 = tpu.memref_slice %arg9[%dma_start3A_286, %dma_start3A_287] : memref<10240x64xf32, #tpu.memory_space<vmem_shared>> -> memref<10240x64xf32, #tpu.memory_space<vmem_shared>>
      tpu.enqueue_indirect_dma source(%dma_start3A_282 : memref<128x64xf32, #tpu.memory_space<vmem>>) target(%dma_start3A_288 : memref<10240x64xf32, #tpu.memory_space<vmem_shared>>) offsets(%dma_start3A_285 : memref<128xi32, #tpu.memory_space<vmem>>) semaphore(%arg11 : memref<!tpu.dma_semaphore, #tpu.memory_space<semaphore_mem>>) {add = true}
      %mul3A_289 = arith.constant 2 : i32
      %mul3A_290 = arith.muli %add3A_227, %mul3A_289 : i32
      %add3A_291 = arith.constant 1 : i32
      %add3A_292 = arith.addi %mul3A_290, %add3A_291 : i32
      %dma_start3A_293 = arith.constant 3 : i32
      %dma_start3A_294 = arith.constant 0 : i32
      %dma_start3A_295 = arith.constant 0 : i32
      %dma_start3A_296 = tpu.memref_slice %arg8[%dma_start3A_293, %dma_start3A_294, %dma_start3A_295] : memref<4x128x64xf32, #tpu.memory_space<vmem>> -> memref<1x128x64xf32, #tpu.memory_space<vmem>>
      %dma_start3A_297 = tpu.memref_squeeze %dma_start3A_296 : memref<1x128x64xf32, #tpu.memory_space<vmem>> -> memref<128x64xf32, #tpu.memory_space<vmem>>
      %dma_start3A_298 = arith.constant 0 : i32
      %dma_start3A_299 = tpu.memref_slice %arg7[%add3A_292, %dma_start3A_298] : memref<160x128xi32, #tpu.memory_space<vmem>> -> memref<1x128xi32, #tpu.memory_space<vmem>>
      %dma_start3A_300 = tpu.memref_squeeze %dma_start3A_299 : memref<1x128xi32, #tpu.memory_space<vmem>> -> memref<128xi32, #tpu.memory_space<vmem>>
      %dma_start3A_301 = arith.constant 0 : i32
      %dma_start3A_302 = arith.constant 0 : i32
      %dma_start3A_303 = tpu.memref_slice %arg9[%dma_start3A_301, %dma_start3A_302] : memref<10240x64xf32, #tpu.memory_space<vmem_shared>> -> memref<10240x64xf32, #tpu.memory_space<vmem_shared>>
      tpu.enqueue_indirect_dma source(%dma_start3A_297 : memref<128x64xf32, #tpu.memory_space<vmem>>) target(%dma_start3A_303 : memref<10240x64xf32, #tpu.memory_space<vmem_shared>>) offsets(%dma_start3A_300 : memref<128xi32, #tpu.memory_space<vmem>>) semaphore(%arg11 : memref<!tpu.dma_semaphore, #tpu.memory_space<semaphore_mem>>) {add = true}
      %dma_wait3A_304 = arith.constant 2 : i32
      %dma_wait3A_305 = arith.constant 0 : i32
      %dma_wait3A_306 = arith.constant 0 : i32
      %dma_wait3A_307 = tpu.memref_slice %arg8[%dma_wait3A_304, %dma_wait3A_305, %dma_wait3A_306] : memref<4x128x64xf32, #tpu.memory_space<vmem>> -> memref<1x128x64xf32, #tpu.memory_space<vmem>>
      %dma_wait3A_308 = tpu.memref_squeeze %dma_wait3A_307 : memref<1x128x64xf32, #tpu.memory_space<vmem>> -> memref<128x64xf32, #tpu.memory_space<vmem>>
      %dma_wait3A_309 = arith.constant 0 : i32
      %dma_wait3A_310 = arith.constant 0 : i32
      %dma_wait3A_311 = tpu.memref_slice %arg4[%arg0, %dma_wait3A_309, %dma_wait3A_310] : memref<2x10240x64xf32, #tpu.memory_space<hbm>> -> memref<1x10240x64xf32, #tpu.memory_space<hbm>>
      %dma_wait3A_312 = tpu.memref_squeeze %dma_wait3A_311 : memref<1x10240x64xf32, #tpu.memory_space<hbm>> -> memref<10240x64xf32, #tpu.memory_space<hbm>>
      %dma_wait3A_313 = arith.constant 0 : i32
      %dma_wait3A_314 = arith.constant 0 : i32
      %dma_wait3A_315 = tpu.memref_slice %dma_wait3A_312[%dma_wait3A_313, %dma_wait3A_314] : memref<10240x64xf32, #tpu.memory_space<hbm>> -> memref<128x64xf32, #tpu.memory_space<hbm>>
      %dma_wait3A_316 = arith.constant 0 : i32
      %dma_wait3A_317 = arith.constant 0 : i32
      %dma_wait3A_318 = tpu.memref_slice %arg8[%dma_wait3A_304, %dma_wait3A_316, %dma_wait3A_317] : memref<4x128x64xf32, #tpu.memory_space<vmem>> -> memref<1x128x64xf32, #tpu.memory_space<vmem>>
      %dma_wait3A_319 = tpu.memref_squeeze %dma_wait3A_318 : memref<1x128x64xf32, #tpu.memory_space<vmem>> -> memref<128x64xf32, #tpu.memory_space<vmem>>
      %dma_wait3A_320 = arith.constant 0 : i32
      %dma_wait3A_321 = arith.constant 0 : i32
      %dma_wait3A_322 = tpu.memref_slice %arg4[%arg0, %dma_wait3A_320, %dma_wait3A_321] : memref<2x10240x64xf32, #tpu.memory_space<hbm>> -> memref<1x10240x64xf32, #tpu.memory_space<hbm>>
      %dma_wait3A_323 = tpu.memref_squeeze %dma_wait3A_322 : memref<1x10240x64xf32, #tpu.memory_space<hbm>> -> memref<10240x64xf32, #tpu.memory_space<hbm>>
      %dma_wait3A_324 = arith.constant 0 : i32
      %dma_wait3A_325 = arith.constant 0 : i32
      %dma_wait3A_326 = tpu.memref_slice %dma_wait3A_323[%dma_wait3A_324, %dma_wait3A_325] : memref<10240x64xf32, #tpu.memory_space<hbm>> -> memref<128x64xf32, #tpu.memory_space<hbm>>
      tpu.wait_dma2 semaphore(%arg11 : memref<!tpu.dma_semaphore, #tpu.memory_space<semaphore_mem>>) src(%dma_wait3A_326 : memref<128x64xf32, #tpu.memory_space<hbm>>) dst(%dma_wait3A_319 : memref<128x64xf32, #tpu.memory_space<vmem>>)
      %dma_wait3A_327 = arith.constant 3 : i32
      %dma_wait3A_328 = arith.constant 0 : i32
      %dma_wait3A_329 = arith.constant 0 : i32
      %dma_wait3A_330 = tpu.memref_slice %arg8[%dma_wait3A_327, %dma_wait3A_328, %dma_wait3A_329] : memref<4x128x64xf32, #tpu.memory_space<vmem>> -> memref<1x128x64xf32, #tpu.memory_space<vmem>>
      %dma_wait3A_331 = tpu.memref_squeeze %dma_wait3A_330 : memref<1x128x64xf32, #tpu.memory_space<vmem>> -> memref<128x64xf32, #tpu.memory_space<vmem>>
      %dma_wait3A_332 = arith.constant 0 : i32
      %dma_wait3A_333 = arith.constant 0 : i32
      %dma_wait3A_334 = tpu.memref_slice %arg4[%arg0, %dma_wait3A_332, %dma_wait3A_333] : memref<2x10240x64xf32, #tpu.memory_space<hbm>> -> memref<1x10240x64xf32, #tpu.memory_space<hbm>>
      %dma_wait3A_335 = tpu.memref_squeeze %dma_wait3A_334 : memref<1x10240x64xf32, #tpu.memory_space<hbm>> -> memref<10240x64xf32, #tpu.memory_space<hbm>>
      %dma_wait3A_336 = arith.constant 0 : i32
      %dma_wait3A_337 = arith.constant 0 : i32
      %dma_wait3A_338 = tpu.memref_slice %dma_wait3A_335[%dma_wait3A_336, %dma_wait3A_337] : memref<10240x64xf32, #tpu.memory_space<hbm>> -> memref<128x64xf32, #tpu.memory_space<hbm>>
      %dma_wait3A_339 = arith.constant 0 : i32
      %dma_wait3A_340 = arith.constant 0 : i32
      %dma_wait3A_341 = tpu.memref_slice %arg8[%dma_wait3A_327, %dma_wait3A_339, %dma_wait3A_340] : memref<4x128x64xf32, #tpu.memory_space<vmem>> -> memref<1x128x64xf32, #tpu.memory_space<vmem>>
      %dma_wait3A_342 = tpu.memref_squeeze %dma_wait3A_341 : memref<1x128x64xf32, #tpu.memory_space<vmem>> -> memref<128x64xf32, #tpu.memory_space<vmem>>
      %dma_wait3A_343 = arith.constant 0 : i32
      %dma_wait3A_344 = arith.constant 0 : i32
      %dma_wait3A_345 = tpu.memref_slice %arg4[%arg0, %dma_wait3A_343, %dma_wait3A_344] : memref<2x10240x64xf32, #tpu.memory_space<hbm>> -> memref<1x10240x64xf32, #tpu.memory_space<hbm>>
      %dma_wait3A_346 = tpu.memref_squeeze %dma_wait3A_345 : memref<1x10240x64xf32, #tpu.memory_space<hbm>> -> memref<10240x64xf32, #tpu.memory_space<hbm>>
      %dma_wait3A_347 = arith.constant 0 : i32
      %dma_wait3A_348 = arith.constant 0 : i32
      %dma_wait3A_349 = tpu.memref_slice %dma_wait3A_346[%dma_wait3A_347, %dma_wait3A_348] : memref<10240x64xf32, #tpu.memory_space<hbm>> -> memref<128x64xf32, #tpu.memory_space<hbm>>
      tpu.wait_dma2 semaphore(%arg11 : memref<!tpu.dma_semaphore, #tpu.memory_space<semaphore_mem>>) src(%dma_wait3A_349 : memref<128x64xf32, #tpu.memory_space<hbm>>) dst(%dma_wait3A_342 : memref<128x64xf32, #tpu.memory_space<vmem>>)
      %add3A_350 = arith.constant 2 : i32
      %add3A_351 = arith.addi %add3A_227, %add3A_350 : i32
      %lt3A_352 = arith.constant 80 : i32
      %lt3A_353 = arith.cmpi slt, %add3A_351, %lt3A_352 : i32
      %convert_element_type3A_354 = arith.extui %lt3A_353 : i1 to i32
      %cond3A_355 = arith.constant 0 : i32
      %cond3A_356 = arith.cmpi ne, %convert_element_type3A_354, %cond3A_355 : i32
      scf.if %cond3A_356 {
        %add3A_357 = arith.constant 2 : i32
        %add3A_358 = arith.addi %add3A_227, %add3A_357 : i32
        %mul3A_359 = arith.constant 2 : i32
        %mul3A_360 = arith.muli %add3A_358, %mul3A_359 : i32
        %add3A_361 = arith.constant 0 : i32
        %add3A_362 = arith.addi %mul3A_360, %add3A_361 : i32
        %dma_start3A_363 = arith.constant 2 : i32
        %dma_start3A_364 = arith.constant 0 : i32
        %dma_start3A_365 = arith.constant 0 : i32
        %dma_start3A_366 = tpu.memref_slice %arg8[%dma_start3A_363, %dma_start3A_364, %dma_start3A_365] : memref<4x128x64xf32, #tpu.memory_space<vmem>> -> memref<1x128x64xf32, #tpu.memory_space<vmem>>
        %dma_start3A_367 = tpu.memref_squeeze %dma_start3A_366 : memref<1x128x64xf32, #tpu.memory_space<vmem>> -> memref<128x64xf32, #tpu.memory_space<vmem>>
        %dma_start3A_368 = arith.constant 0 : i32
        %dma_start3A_369 = tpu.memref_slice %arg6[%add3A_362, %dma_start3A_368] : memref<160x128xi32, #tpu.memory_space<vmem>> -> memref<1x128xi32, #tpu.memory_space<vmem>>
        %dma_start3A_370 = tpu.memref_squeeze %dma_start3A_369 : memref<1x128xi32, #tpu.memory_space<vmem>> -> memref<128xi32, #tpu.memory_space<vmem>>
        %dma_start3A_371 = arith.constant 0 : i32
        %dma_start3A_372 = arith.constant 0 : i32
        %dma_start3A_373 = tpu.memref_slice %arg4[%arg0, %dma_start3A_371, %dma_start3A_372] : memref<2x10240x64xf32, #tpu.memory_space<hbm>> -> memref<1x10240x64xf32, #tpu.memory_space<hbm>>
        %dma_start3A_374 = tpu.memref_squeeze %dma_start3A_373 : memref<1x10240x64xf32, #tpu.memory_space<hbm>> -> memref<10240x64xf32, #tpu.memory_space<hbm>>
        %dma_start3A_375 = arith.constant 0 : i32
        %dma_start3A_376 = arith.constant 0 : i32
        %dma_start3A_377 = tpu.memref_slice %dma_start3A_374[%dma_start3A_375, %dma_start3A_376] : memref<10240x64xf32, #tpu.memory_space<hbm>> -> memref<10240x64xf32, #tpu.memory_space<hbm>>
        tpu.enqueue_indirect_dma source(%dma_start3A_377 : memref<10240x64xf32, #tpu.memory_space<hbm>>) target(%dma_start3A_367 : memref<128x64xf32, #tpu.memory_space<vmem>>) offsets(%dma_start3A_370 : memref<128xi32, #tpu.memory_space<vmem>>) semaphore(%arg10 : memref<!tpu.dma_semaphore, #tpu.memory_space<semaphore_mem>>)
        %add3A_378 = arith.constant 2 : i32
        %add3A_379 = arith.addi %add3A_227, %add3A_378 : i32
        %mul3A_380 = arith.constant 2 : i32
        %mul3A_381 = arith.muli %add3A_379, %mul3A_380 : i32
        %add3A_382 = arith.constant 1 : i32
        %add3A_383 = arith.addi %mul3A_381, %add3A_382 : i32
        %dma_start3A_384 = arith.constant 3 : i32
        %dma_start3A_385 = arith.constant 0 : i32
        %dma_start3A_386 = arith.constant 0 : i32
        %dma_start3A_387 = tpu.memref_slice %arg8[%dma_start3A_384, %dma_start3A_385, %dma_start3A_386] : memref<4x128x64xf32, #tpu.memory_space<vmem>> -> memref<1x128x64xf32, #tpu.memory_space<vmem>>
        %dma_start3A_388 = tpu.memref_squeeze %dma_start3A_387 : memref<1x128x64xf32, #tpu.memory_space<vmem>> -> memref<128x64xf32, #tpu.memory_space<vmem>>
        %dma_start3A_389 = arith.constant 0 : i32
        %dma_start3A_390 = tpu.memref_slice %arg6[%add3A_383, %dma_start3A_389] : memref<160x128xi32, #tpu.memory_space<vmem>> -> memref<1x128xi32, #tpu.memory_space<vmem>>
        %dma_start3A_391 = tpu.memref_squeeze %dma_start3A_390 : memref<1x128xi32, #tpu.memory_space<vmem>> -> memref<128xi32, #tpu.memory_space<vmem>>
        %dma_start3A_392 = arith.constant 0 : i32
        %dma_start3A_393 = arith.constant 0 : i32
        %dma_start3A_394 = tpu.memref_slice %arg4[%arg0, %dma_start3A_392, %dma_start3A_393] : memref<2x10240x64xf32, #tpu.memory_space<hbm>> -> memref<1x10240x64xf32, #tpu.memory_space<hbm>>
        %dma_start3A_395 = tpu.memref_squeeze %dma_start3A_394 : memref<1x10240x64xf32, #tpu.memory_space<hbm>> -> memref<10240x64xf32, #tpu.memory_space<hbm>>
        %dma_start3A_396 = arith.constant 0 : i32
        %dma_start3A_397 = arith.constant 0 : i32
        %dma_start3A_398 = tpu.memref_slice %dma_start3A_395[%dma_start3A_396, %dma_start3A_397] : memref<10240x64xf32, #tpu.memory_space<hbm>> -> memref<10240x64xf32, #tpu.memory_space<hbm>>
        tpu.enqueue_indirect_dma source(%dma_start3A_398 : memref<10240x64xf32, #tpu.memory_space<hbm>>) target(%dma_start3A_388 : memref<128x64xf32, #tpu.memory_space<vmem>>) offsets(%dma_start3A_391 : memref<128xi32, #tpu.memory_space<vmem>>) semaphore(%arg10 : memref<!tpu.dma_semaphore, #tpu.memory_space<semaphore_mem>>)
      } else {
      }
    }
    %scan3A_92 = arith.constant 40 : i32
    %barrier3A_93 = arith.constant 0 : index
    tpu.barrier barrier_id(%barrier3A_93)
    "tpu.region"() ({
      %run_scoped3A_94 = tpu.sem_alloc : memref<!tpu.dma_semaphore, #tpu.memory_space<semaphore_mem>>
      %dma_start3A_95 = arith.constant 0 : i32
      %dma_start3A_96 = tpu.memref_slice %arg5[%arg0, %mul3A_11, %dma_start3A_95] : memref<2x10240x64xf32, #tpu.memory_space<hbm>> -> memref<1x640x64xf32, #tpu.memory_space<hbm>>
      %dma_start3A_97 = tpu.memref_squeeze %dma_start3A_96 : memref<1x640x64xf32, #tpu.memory_space<hbm>> -> memref<640x64xf32, #tpu.memory_space<hbm>>
      %dma_start3A_98 = arith.constant 0 : i32
      %dma_start3A_99 = tpu.memref_slice %arg9[%mul3A_11, %dma_start3A_98] : memref<10240x64xf32, #tpu.memory_space<vmem_shared>> -> memref<640x64xf32, #tpu.memory_space<vmem_shared>>
      tpu.enqueue_dma source(%dma_start3A_99 : memref<640x64xf32, #tpu.memory_space<vmem_shared>>) target(%dma_start3A_97 : memref<640x64xf32, #tpu.memory_space<hbm>>) target_semaphore(%run_scoped3A_94 : memref<!tpu.dma_semaphore, #tpu.memory_space<semaphore_mem>>)
      %dma_wait3A = arith.constant 0 : i32
      %dma_wait3A_100 = tpu.memref_slice %arg5[%arg0, %mul3A_11, %dma_wait3A] : memref<2x10240x64xf32, #tpu.memory_space<hbm>> -> memref<1x640x64xf32, #tpu.memory_space<hbm>>
      %dma_wait3A_101 = tpu.memref_squeeze %dma_wait3A_100 : memref<1x640x64xf32, #tpu.memory_space<hbm>> -> memref<640x64xf32, #tpu.memory_space<hbm>>
      %dma_wait3A_102 = arith.constant 0 : i32
      %dma_wait3A_103 = tpu.memref_slice %arg9[%mul3A_11, %dma_wait3A_102] : memref<10240x64xf32, #tpu.memory_space<vmem_shared>> -> memref<640x64xf32, #tpu.memory_space<vmem_shared>>
      tpu.wait_dma2 semaphore(%run_scoped3A_94 : memref<!tpu.dma_semaphore, #tpu.memory_space<semaphore_mem>>) src(%dma_wait3A_103 : memref<640x64xf32, #tpu.memory_space<vmem_shared>>) dst(%dma_wait3A_101 : memref<640x64xf32, #tpu.memory_space<hbm>>)
      tpu.yield
    }) : () -> ()
    return
  }
}

module attributes {stable_mosaic.version = 14 : i64} {
  func.func @_pre_body(%arg0: i32, %arg1: memref<1xf32, #tpu.memory_space<smem>>, %arg2: memref<1024x128xf32, #tpu.memory_space<vmem>>, %arg3: memref<128x128xf32, #tpu.memory_space<vmem>>, %arg4: memref<1024x1xf32, #tpu.memory_space<vmem>>, %arg5: memref<1024x1xf32, #tpu.memory_space<vmem>>, %arg6: memref<2x1024x64xf32, #tpu.memory_space<vmem>>, %arg7: memref<1024x128xf32, #tpu.memory_space<vmem>>, %arg8: memref<1024x1xf32, #tpu.memory_space<vmem>>) attributes {dimension_semantics = [#tpu.dimension_semantics<arbitrary>], iteration_bounds = array<i64: 10>, scalar_prefetch = 0 : i64, scratch_operands = 0 : i64, tpu.core_type = #tpu.core_type<tc>, window_params = [{transform_indices = @transform_0, window_bounds = array<i64: 1>}, {transform_indices = @transform_1, window_bounds = array<i64: 1024, 128>}, {pipeline_mode = #tpu.pipeline_mode<synchronous>, transform_indices = @transform_2, window_bounds = array<i64: 128, 128>}, {transform_indices = @transform_3, window_bounds = array<i64: 1024, 1>}, {transform_indices = @transform_4, window_bounds = array<i64: 1024, 1>}, {transform_indices = @transform_5, window_bounds = array<i64: 2, 1024, 64>}, {transform_indices = @transform_6, window_bounds = array<i64: 1024, 128>}, {transform_indices = @transform_7, window_bounds = array<i64: 1024, 1>}]} {
    %get3A = arith.constant 0 : index
    %get3A_0 = memref.load %arg1[%get3A] : memref<1xf32, #tpu.memory_space<smem>>
    %get3A_1 = arith.constant 0 : index
    %get3A_2 = arith.constant 0 : index
    %get3A_3 = vector.load %arg2[%get3A_1, %get3A_2] : memref<1024x128xf32, #tpu.memory_space<vmem>>, vector<1024x128xf32>
    %iota3A = tpu.iota {dimensions = array<i32: 1>} : vector<1024x128xi32>
    %gt3A = arith.constant 0 : i32
    %gt3A_4 = vector.broadcast %gt3A : i32 to vector<1024x128xi32>
    %gt3A_5 = arith.cmpi sgt, %iota3A, %gt3A_4 : vector<1024x128xi32>
    %slice3A = vector.extract_strided_slice %get3A_3 {offsets = [0, 0], sizes = [1024, 1], strides = [1, 1]} : vector<1024x128xf32> to vector<1024x1xf32>
    %mul3A = arith.mulf %get3A_3, %get3A_3 : vector<1024x128xf32>
    %jit3A = arith.constant 0.000000e+00 : f32
    %broadcast_in_dim3A = vector.broadcast %jit3A : f32 to vector<1024x128xf32>
    %select_n3A = arith.select %gt3A_5, %mul3A, %broadcast_in_dim3A : vector<1024x128xi1>, vector<1024x128xf32>
    %reduce_sum3A = arith.constant dense<0.000000e+00> : vector<1024xf32>
    %reduce_sum3A_6 = vector.multi_reduction <add>, %select_n3A, %reduce_sum3A [1] : vector<1024x128xf32> to vector<1024xf32>
    %broadcast_in_dim3A_7 = vector.shape_cast %reduce_sum3A_6 : vector<1024xf32> to vector<1024x1xf32>
    %sqrt3A = math.sqrt %broadcast_in_dim3A_7 : vector<1024x1xf32>
    %max3A = arith.constant 9.99999996E-13 : f32
    %max3A_8 = vector.broadcast %max3A : f32 to vector<1024x1xf32>
    %max3A_9 = arith.maximumf %sqrt3A, %max3A_8 : vector<1024x1xf32>
    %mul3A_10 = vector.broadcast %get3A_0 : f32 to vector<1024x1xf32>
    %mul3A_11 = arith.mulf %mul3A_10, %slice3A : vector<1024x1xf32>
    %max3A_12 = arith.constant 1.00000012 : f32
    %max3A_13 = vector.broadcast %max3A_12 : f32 to vector<1024x1xf32>
    %max3A_14 = arith.maximumf %mul3A_11, %max3A_13 : vector<1024x1xf32>
    %mul3A_15 = arith.mulf %max3A_14, %max3A_14 : vector<1024x1xf32>
    %sub3A = arith.constant 1.000000e+00 : f32
    %sub3A_16 = vector.broadcast %sub3A : f32 to vector<1024x1xf32>
    %sub3A_17 = arith.subf %mul3A_15, %sub3A_16 : vector<1024x1xf32>
    %sqrt3A_18 = math.sqrt %sub3A_17 : vector<1024x1xf32>
    %add3A = arith.addf %max3A_14, %sqrt3A_18 : vector<1024x1xf32>
    %log3A = math.log %add3A : vector<1024x1xf32>
    %div3A = vector.broadcast %get3A_0 : f32 to vector<1024x1xf32>
    %div3A_19 = arith.divf %log3A, %div3A : vector<1024x1xf32>
    %div3A_20 = arith.divf %div3A_19, %max3A_9 : vector<1024x1xf32>
    %mul3A_21 = vector.broadcast %div3A_20 : vector<1024x1xf32> to vector<1024x128xf32>
    %mul3A_22 = arith.mulf %get3A_3, %mul3A_21 : vector<1024x128xf32>
    %jit3A_23 = arith.constant 0.000000e+00 : f32
    %broadcast_in_dim3A_24 = vector.broadcast %jit3A_23 : f32 to vector<1024x128xf32>
    %select_n3A_25 = arith.select %gt3A_5, %mul3A_22, %broadcast_in_dim3A_24 : vector<1024x128xi1>, vector<1024x128xf32>
    %get3A_26 = arith.constant 0 : index
    %get3A_27 = arith.constant 0 : index
    %get3A_28 = vector.load %arg3[%get3A_26, %get3A_27] : memref<128x128xf32, #tpu.memory_space<vmem>>, vector<128x128xf32>
    %dot_general3A = arith.constant dense<0.000000e+00> : vector<1024x128xf32>
    %dot_general3A_29 = tpu.matmul %select_n3A_25, %get3A_28, %dot_general3A {dimension_numbers = #tpu.dot_dimension_numbers<[1], [0], [0], [1], [0, 0, 1, 1], [], []>, transpose_lhs_hint = false} : vector<1024x128xf32>, vector<128x128xf32>, vector<1024x128xf32> -> vector<1024x128xf32>
    %get3A_30 = arith.constant 0 : index
    %get3A_31 = arith.constant 0 : index
    %get3A_32 = vector.load %arg4[%get3A_30, %get3A_31] : memref<1024x1xf32, #tpu.memory_space<vmem>>, vector<1024x1xf32>
    %get3A_33 = arith.constant 0 : index
    %get3A_34 = arith.constant 0 : index
    %get3A_35 = vector.load %arg5[%get3A_33, %get3A_34] : memref<1024x1xf32, #tpu.memory_space<vmem>>, vector<1024x1xf32>
    %add3A_36 = arith.addf %get3A_32, %get3A_35 : vector<1024x1xf32>
    %add3A_37 = arith.constant 1.000000e+00 : f32
    %add3A_38 = vector.broadcast %add3A_37 : f32 to vector<1024x1xf32>
    %add3A_39 = arith.addf %add3A_36, %add3A_38 : vector<1024x1xf32>
    %rsqrt3A = math.rsqrt %add3A_39 : vector<1024x1xf32>
    %mul3A_40 = vector.broadcast %rsqrt3A : vector<1024x1xf32> to vector<1024x128xf32>
    %mul3A_41 = arith.mulf %mul3A_40, %dot_general3A_29 : vector<1024x128xf32>
    %slice3A_42 = vector.extract_strided_slice %mul3A_41 {offsets = [0, 0], sizes = [1024, 64], strides = [1, 1]} : vector<1024x128xf32> to vector<1024x64xf32>
    %swap3A = arith.constant 0 : index
    %swap3A_43 = arith.constant 0 : index
    %swap3A_44 = arith.constant 0 : index
    %swap3A_45 = vector.load %arg6[%swap3A, %swap3A_43, %swap3A_44] : memref<2x1024x64xf32, #tpu.memory_space<vmem>>, vector<1x1024x64xf32>
    %swap3A_46 = vector.shape_cast %swap3A_45 : vector<1x1024x64xf32> to vector<1024x64xf32>
    %swap3A_47 = vector.shape_cast %slice3A_42 : vector<1024x64xf32> to vector<1x1024x64xf32>
    tpu.vector_store %arg6[%swap3A, %swap3A_43, %swap3A_44], %swap3A_47 {strides = array<i32>} : memref<2x1024x64xf32, #tpu.memory_space<vmem>>, vector<1x1024x64xf32>,
    %slice3A_48 = vector.extract_strided_slice %mul3A_41 {offsets = [0, 64], sizes = [1024, 64], strides = [1, 1]} : vector<1024x128xf32> to vector<1024x64xf32>
    %swap3A_49 = arith.constant 1 : index
    %swap3A_50 = arith.constant 0 : index
    %swap3A_51 = arith.constant 0 : index
    %swap3A_52 = vector.load %arg6[%swap3A_49, %swap3A_50, %swap3A_51] : memref<2x1024x64xf32, #tpu.memory_space<vmem>>, vector<1x1024x64xf32>
    %swap3A_53 = vector.shape_cast %swap3A_52 : vector<1x1024x64xf32> to vector<1024x64xf32>
    %swap3A_54 = vector.shape_cast %slice3A_48 : vector<1024x64xf32> to vector<1x1024x64xf32>
    tpu.vector_store %arg6[%swap3A_49, %swap3A_50, %swap3A_51], %swap3A_54 {strides = array<i32>} : memref<2x1024x64xf32, #tpu.memory_space<vmem>>, vector<1x1024x64xf32>,
    %mul3A_55 = vector.broadcast %rsqrt3A : vector<1024x1xf32> to vector<1024x128xf32>
    %mul3A_56 = arith.mulf %mul3A_55, %mul3A_41 : vector<1024x128xf32>
    %swap3A_57 = arith.constant 0 : index
    %swap3A_58 = arith.constant 0 : index
    %swap3A_59 = vector.load %arg7[%swap3A_57, %swap3A_58] : memref<1024x128xf32, #tpu.memory_space<vmem>>, vector<1024x128xf32>
    tpu.vector_store %arg7[%swap3A_57, %swap3A_58], %mul3A_56 {strides = array<i32>} : memref<1024x128xf32, #tpu.memory_space<vmem>>, vector<1024x128xf32>,
    %swap3A_60 = arith.constant 0 : index
    %swap3A_61 = arith.constant 0 : index
    %swap3A_62 = vector.load %arg8[%swap3A_60, %swap3A_61] : memref<1024x1xf32, #tpu.memory_space<vmem>>, vector<1024x1xf32>
    tpu.vector_store %arg8[%swap3A_60, %swap3A_61], %rsqrt3A {strides = array<i32>} : memref<1024x1xf32, #tpu.memory_space<vmem>>, vector<1024x1xf32>,
    return
  }
  func.func @transform_0(%arg0: i32) -> i32 {
    %c0_i32 = arith.constant 0 : i32
    %c0_i32_0 = arith.constant 0 : i32
    return %c0_i32 : i32
  }
  func.func @transform_1(%arg0: i32) -> (i32, i32) {
    %c0_i32 = arith.constant 0 : i32
    %c0_i32_0 = arith.constant 0 : i32
    return %arg0, %c0_i32 : i32, i32
  }
  func.func @transform_2(%arg0: i32) -> (i32, i32) {
    %c0_i32 = arith.constant 0 : i32
    %c0_i32_0 = arith.constant 0 : i32
    %c0_i32_1 = arith.constant 0 : i32
    return %c0_i32, %c0_i32_0 : i32, i32
  }
  func.func @transform_3(%arg0: i32) -> (i32, i32) {
    %c0_i32 = arith.constant 0 : i32
    %c0_i32_0 = arith.constant 0 : i32
    return %arg0, %c0_i32 : i32, i32
  }
  func.func @transform_4(%arg0: i32) -> (i32, i32) {
    %c0_i32 = arith.constant 0 : i32
    %c0_i32_0 = arith.constant 0 : i32
    return %arg0, %c0_i32 : i32, i32
  }
  func.func @transform_5(%arg0: i32) -> (i32, i32, i32) {
    %c0_i32 = arith.constant 0 : i32
    %c0_i32_0 = arith.constant 0 : i32
    %c0_i32_1 = arith.constant 0 : i32
    return %c0_i32, %arg0, %c0_i32_0 : i32, i32, i32
  }
  func.func @transform_6(%arg0: i32) -> (i32, i32) {
    %c0_i32 = arith.constant 0 : i32
    %c0_i32_0 = arith.constant 0 : i32
    return %arg0, %c0_i32 : i32, i32
  }
  func.func @transform_7(%arg0: i32) -> (i32, i32) {
    %c0_i32 = arith.constant 0 : i32
    %c0_i32_0 = arith.constant 0 : i32
    return %arg0, %c0_i32 : i32, i32
  }
}

module attributes {stable_mosaic.version = 14 : i64} {
  func.func @_post_body(%arg0: i32, %arg1: memref<1xf32, #tpu.memory_space<smem>>, %arg2: memref<2x1000x64xf32, #tpu.memory_space<vmem>>, %arg3: memref<1000x128xf32, #tpu.memory_space<vmem>>, %arg4: memref<1000x1xf32, #tpu.memory_space<vmem>>, %arg5: memref<1x128xf32, #tpu.memory_space<vmem>>, %arg6: memref<1000x128xf32, #tpu.memory_space<vmem>>) attributes {dimension_semantics = [#tpu.dimension_semantics<arbitrary>], iteration_bounds = array<i64: 10>, scalar_prefetch = 0 : i64, scratch_operands = 0 : i64, tpu.core_type = #tpu.core_type<tc>, window_params = [{transform_indices = @transform_0, window_bounds = array<i64: 1>}, {transform_indices = @transform_1, window_bounds = array<i64: 2, 1000, 64>}, {transform_indices = @transform_2, window_bounds = array<i64: 1000, 128>}, {transform_indices = @transform_3, window_bounds = array<i64: 1000, 1>}, {pipeline_mode = #tpu.pipeline_mode<synchronous>, transform_indices = @transform_4, window_bounds = array<i64: 1, 128>}, {transform_indices = @transform_5, window_bounds = array<i64: 1000, 128>}]} {
    %get3A = arith.constant 0 : index
    %get3A_0 = memref.load %arg1[%get3A] : memref<1xf32, #tpu.memory_space<smem>>
    %get3A_1 = arith.constant 0 : index
    %get3A_2 = arith.constant 0 : index
    %get3A_3 = arith.constant 0 : index
    %get3A_4 = vector.load %arg2[%get3A_1, %get3A_2, %get3A_3] : memref<2x1000x64xf32, #tpu.memory_space<vmem>>, vector<1x1000x64xf32>
    %get3A_5 = vector.shape_cast %get3A_4 : vector<1x1000x64xf32> to vector<1000x64xf32>
    %get3A_6 = arith.constant 1 : index
    %get3A_7 = arith.constant 0 : index
    %get3A_8 = arith.constant 0 : index
    %get3A_9 = vector.load %arg2[%get3A_6, %get3A_7, %get3A_8] : memref<2x1000x64xf32, #tpu.memory_space<vmem>>, vector<1x1000x64xf32>
    %get3A_10 = vector.shape_cast %get3A_9 : vector<1x1000x64xf32> to vector<1000x64xf32>
    %concatenate3A = tpu.concatenate %get3A_5, %get3A_10 in 1 : vector<1000x64xf32>, vector<1000x64xf32> -> vector<1000x128xf32>
    %get3A_11 = arith.constant 0 : index
    %get3A_12 = arith.constant 0 : index
    %get3A_13 = vector.load %arg4[%get3A_11, %get3A_12] : memref<1000x1xf32, #tpu.memory_space<vmem>>, vector<1000x1xf32>
    %mul3A = vector.broadcast %get3A_13 : vector<1000x1xf32> to vector<1000x128xf32>
    %mul3A_14 = arith.mulf %mul3A, %concatenate3A : vector<1000x128xf32>
    %get3A_15 = arith.constant 0 : index
    %get3A_16 = arith.constant 0 : index
    %get3A_17 = vector.load %arg3[%get3A_15, %get3A_16] : memref<1000x128xf32, #tpu.memory_space<vmem>>, vector<1000x128xf32>
    %add3A = arith.addf %mul3A_14, %get3A_17 : vector<1000x128xf32>
    %get3A_18 = arith.constant 0 : index
    %get3A_19 = arith.constant 0 : index
    %get3A_20 = vector.load %arg5[%get3A_18, %get3A_19] : memref<1x128xf32, #tpu.memory_space<vmem>>, vector<1x128xf32>
    %add3A_21 = vector.broadcast %get3A_20 : vector<1x128xf32> to vector<1000x128xf32>
    %add3A_22 = arith.addf %add3A, %add3A_21 : vector<1000x128xf32>
    %max3A = arith.constant 0.000000e+00 : f32
    %max3A_23 = vector.broadcast %max3A : f32 to vector<1000x128xf32>
    %max3A_24 = arith.maximumf %add3A_22, %max3A_23 : vector<1000x128xf32>
    %iota3A = tpu.iota {dimensions = array<i32: 1>} : vector<1000x128xi32>
    %gt3A = arith.constant 0 : i32
    %gt3A_25 = vector.broadcast %gt3A : i32 to vector<1000x128xi32>
    %gt3A_26 = arith.cmpi sgt, %iota3A, %gt3A_25 : vector<1000x128xi32>
    %mul3A_27 = arith.mulf %max3A_24, %max3A_24 : vector<1000x128xf32>
    %jit3A = arith.constant 0.000000e+00 : f32
    %broadcast_in_dim3A = vector.broadcast %jit3A : f32 to vector<1000x128xf32>
    %select_n3A = arith.select %gt3A_26, %mul3A_27, %broadcast_in_dim3A : vector<1000x128xi1>, vector<1000x128xf32>
    %reduce_sum3A = arith.constant dense<0.000000e+00> : vector<1000xf32>
    %reduce_sum3A_28 = vector.multi_reduction <add>, %select_n3A, %reduce_sum3A [1] : vector<1000x128xf32> to vector<1000xf32>
    %broadcast_in_dim3A_29 = vector.shape_cast %reduce_sum3A_28 : vector<1000xf32> to vector<1000x1xf32>
    %sqrt3A = math.sqrt %broadcast_in_dim3A_29 : vector<1000x1xf32>
    %max3A_30 = arith.constant 9.99999996E-13 : f32
    %max3A_31 = vector.broadcast %max3A_30 : f32 to vector<1000x1xf32>
    %max3A_32 = arith.maximumf %sqrt3A, %max3A_31 : vector<1000x1xf32>
    %mul3A_33 = vector.broadcast %get3A_0 : f32 to vector<1000x1xf32>
    %mul3A_34 = arith.mulf %mul3A_33, %max3A_32 : vector<1000x1xf32>
    %exp3A = math.exp %mul3A_34 : vector<1000x1xf32>
    %div3A = arith.constant 1.000000e+00 : f32
    %div3A_35 = vector.broadcast %div3A : f32 to vector<1000x1xf32>
    %div3A_36 = arith.divf %div3A_35, %exp3A : vector<1000x1xf32>
    %add3A_37 = arith.addf %exp3A, %div3A_36 : vector<1000x1xf32>
    %div3A_38 = arith.constant 5.000000e-01 : f32
    %div3A_39 = arith.divf %div3A_38, %get3A_0 : f32
    %mul3A_40 = vector.broadcast %div3A_39 : f32 to vector<1000x1xf32>
    %mul3A_41 = arith.mulf %add3A_37, %mul3A_40 : vector<1000x1xf32>
    %sub3A = arith.subf %exp3A, %div3A_36 : vector<1000x1xf32>
    %mul3A_42 = arith.constant 5.000000e-01 : f32
    %mul3A_43 = vector.broadcast %mul3A_42 : f32 to vector<1000x1xf32>
    %mul3A_44 = arith.mulf %sub3A, %mul3A_43 : vector<1000x1xf32>
    %div3A_45 = arith.divf %mul3A_44, %mul3A_34 : vector<1000x1xf32>
    %mul3A_46 = vector.broadcast %div3A_45 : vector<1000x1xf32> to vector<1000x128xf32>
    %mul3A_47 = arith.mulf %mul3A_46, %max3A_24 : vector<1000x128xf32>
    %broadcast_in_dim3A_48 = vector.shape_cast %mul3A_41 : vector<1000x1xf32> to vector<1000x1xf32>
    %broadcast_in_dim3A_49 = vector.broadcast %broadcast_in_dim3A_48 : vector<1000x1xf32> to vector<1000x128xf32>
    %select_n3A_50 = arith.select %gt3A_26, %mul3A_47, %broadcast_in_dim3A_49 : vector<1000x128xi1>, vector<1000x128xf32>
    %swap3A = arith.constant 0 : index
    %swap3A_51 = arith.constant 0 : index
    %swap3A_52 = vector.load %arg6[%swap3A, %swap3A_51] : memref<1000x128xf32, #tpu.memory_space<vmem>>, vector<1000x128xf32>
    tpu.vector_store %arg6[%swap3A, %swap3A_51], %select_n3A_50 {strides = array<i32>} : memref<1000x128xf32, #tpu.memory_space<vmem>>, vector<1000x128xf32>,
    return
  }
  func.func @transform_0(%arg0: i32) -> i32 {
    %c0_i32 = arith.constant 0 : i32
    %c0_i32_0 = arith.constant 0 : i32
    return %c0_i32 : i32
  }
  func.func @transform_1(%arg0: i32) -> (i32, i32, i32) {
    %c0_i32 = arith.constant 0 : i32
    %c0_i32_0 = arith.constant 0 : i32
    %c0_i32_1 = arith.constant 0 : i32
    return %c0_i32, %arg0, %c0_i32_0 : i32, i32, i32
  }
  func.func @transform_2(%arg0: i32) -> (i32, i32) {
    %c0_i32 = arith.constant 0 : i32
    %c0_i32_0 = arith.constant 0 : i32
    return %arg0, %c0_i32 : i32, i32
  }
  func.func @transform_3(%arg0: i32) -> (i32, i32) {
    %c0_i32 = arith.constant 0 : i32
    %c0_i32_0 = arith.constant 0 : i32
    return %arg0, %c0_i32 : i32, i32
  }
  func.func @transform_4(%arg0: i32) -> (i32, i32) {
    %c0_i32 = arith.constant 0 : i32
    %c0_i32_0 = arith.constant 0 : i32
    %c0_i32_1 = arith.constant 0 : i32
    return %c0_i32, %c0_i32_0 : i32, i32
  }
  func.func @transform_5(%arg0: i32) -> (i32, i32) {
    %c0_i32 = arith.constant 0 : i32
    %c0_i32_0 = arith.constant 0 : i32
    return %arg0, %c0_i32 : i32, i32
  }
}

</mosaic_0001>

<sc_bundles>
// kernel: kernel.6.cloned.1.call-start
scs
__scs_entry_jumppad:
0x0: {  	(pc) =	sbr.rel $0x88, $3  }
0x1: {  	(tag) =	ssettag $0x0;
	lr =	simm.s32 $0x1  }
0x2: {  	[smem:$0x3F9C] =	sst lr;
	_ =	strace $0xD0000000  }
0x3: {  	_ = 	snop  }
0x4: {  	_ = 	snop  }
0x5: {  	_ = 	snop  }
0x6: {  	_ = 	snop  }
0x7: {  	_ = 	snop  }
__scs_overlays_trampoline_lowered:
0x8: {  	[smem:$0x3FAB] =	sst s0  }
0x9: {  	[smem:$0x3FAC] =	sst s1  }
0xa: {  	[smem:$0x3FAD] =	sst s2  }
0xb: {  	[smem:$0x3FAE] =	sst s3  }
0xc: {  	[smem:$0x3FAF] =	sst s4  }
0xd: {  	[smem:$0x3FB0] =	sst s5  }
0xe: {  	[smem:$0x3FB1] =	sst s6  }
0xf: {  	[smem:$0x3FB2] =	sst s7  }
0x10: {  	[smem:$0x3FB3] =	sst s8  }
0x11: {  	[smem:$0x3FB4] =	sst s9;
	s0 =	simm.s32 @!p0 $0x0  }
0x12: {  	s1 =	sld [smem:$0x3F9A];
	s0 =	simm.s32 @p0 $0x1  }
0x13: {  	[smem:$0x3FB5] =	sst s0;
	s0 =	simm.s32 @!p1 $0x0  }
0x14: {  	s2 =	sld [smem:$0x3F99];
	s0 =	simm.s32 @p1 $0x1  }
0x15: {  	[smem:$0x3FB6] =	sst s0;
	s0 =	simm.s32 @!p2 $0x0  }
0x16: {  	s3 =	sld [smem:$0x3FDB];
	s0 =	simm.s32 @p2 $0x1  }
0x17: {  	s4 =	simm.s32 $0x1BF5;
	[smem:$0x3FB8] =	sst s0  }
0x18: {  	s0 =	sld [smem:$0x3F9B];
	_ =	swait.ge [sflag:s4], $0x0  }
0x19: {  	s7 =	sld [smem:$0x3F9C]  }
0x1a: {  	s8 =	sadd.s32 $0xFFFFE003, lr  }
0x1b: {  	s9 =	sadd.s32 $0xFFFFFEF7, lr;
	s5 =	simm.s32 $0xFFFFFFFF;
	p2 =	slt.u32 s8, $0xFFFFF086  }
0x1c: {  	p1 =	slt.u32 s9, $0xF7A;
	s5 =	simm.s32 @!p2 $0x0  }
0x1d: {  	s5 =	simm.s32 @p1 $0x1;
	p0 =	seq.s32 s7, s2  }
0x1e: {  	s7 =	smul.u32 @!p0 $0xF7A, s2;
	p2 =	seq.s32 @!p0 s5, $0x0  }
0x1f: {  	s9 =	smul.u32 $0xF7A, s1;
	s8 =	simm.s32 @!p0 $0x1BF5;
	p2 =	por !p2, p0  }
0x20: {  	[sflag:s8] =	ssyncset.s32 @!p0 $0xFFFFF086;
	s6 =	sadd.s32 @!p0 s3, s7;
	s7 =	simm.s32 @!p0 $0x108  }
0x21: {  	s3 =	sadd.s32 s3, s9;
	s6 =	sadd.s32 @!p0 $0x88, s6;
	s7 =	simm.s32 @p2 $0x1082  }
0x22: {  	[simem:s7], [sflag:s8] =	dma.local @!p0 [hbm:s6], $0xF7A  }
0x23: {  	s9 =	sor.u32 $0xD0000000, s2;
	s6 =	simm.s32 $0x108;
	_ =	swait.ge @!p0 [sflag:s8], $0x0  }
0x24: {  	s3 =	sadd.s32 $0x88, s3;
	s6 =	simm.s32 @!p1 $0x1082;
	[sflag:s4] =	ssyncset.s32 $0xFFFFF086  }
0x25: {  	[simem:s6], [sflag:s4] =	dma.local [hbm:s3], $0xF7A  }
0x26: {  	[smem:$0x3F9C] =	sst s1;
	(tag) =	ssettag s2;
	_ =	strace s9  }
0x27: {  	s1 =	sld [smem:$0x3FAC]  }
0x28: {  	s2 =	sld [smem:$0x3FAD]  }
0x29: {  	s4 =	sld [smem:$0x3FAF]  }
0x2a: {  	p0 =	seq.s32 s5, $0x0;
	s5 =	sld [smem:$0x3FB0]  }
0x2b: {  	s6 =	sld [smem:$0x3FB1]  }
0x2c: {  	s7 =	sld [smem:$0x3FB2]  }
0x2d: {  	s3 =	simm.s32 $0x108;
	s8 =	sld [smem:$0x3FB3]  }
0x2e: {  	s3 =	simm.s32 @!p0 $0x1082;
	s9 =	sld [smem:$0x3FB4]  }
0x2f: {  	lr =	sadd.s32 s0, s3;
	s0 =	sld [smem:$0x3FAB]  }
0x30: {  	s3 =	sld [smem:$0x3FAE]  }
0x31: {  	[smem:$0x3FB7] =	sst s10  }
0x32: {  	s10 =	sld [smem:$0x3FB5];
	_ =	sdelay $0x3  }
0x33: {  	p0 =	seq.s32 s10, $0x1;
	s10 =	sld [smem:$0x3FB7];
	_ =	sdelay $0x3  }
0x34: {  	[smem:$0x3FB7] =	sst s10  }
0x35: {  	s10 =	sld [smem:$0x3FB6];
	_ =	sdelay $0x3  }
0x36: {  	p1 =	seq.s32 s10, $0x1;
	s10 =	sld [smem:$0x3FB7];
	_ =	sdelay $0x3  }
0x37: {  	[smem:$0x3FB7] =	sst s10  }
0x38: {  	s10 =	sld [smem:$0x3FB8]  }
0x39: {  	_ = 	snop;
	(pc) =	sbr.ind lr, $3  }
0x3a: {  	_ = 	snop  }
0x3b: {  	_ = 	snop  }
0x3c: {  	p2 =	seq.s32 s10, $0x1;
	s10 =	sld [smem:$0x3FB7]  }
0x3d: {  	_ =	shalt  }
0x3e: {  	_ =	shalt  }
0x3f: {  	_ =	shalt  }
0x40: {  	_ =	shalt  }
0x41: {  	_ =	shalt  }
0x42: {  	_ =	shalt  }
0x43: {  	_ =	shalt  }
0x44: {  	_ =	shalt  }
0x45: {  	_ =	shalt  }
0x46: {  	_ =	shalt  }
0x47: {  	_ =	shalt  }
0x48: {  	_ =	shalt  }
0x49: {  	_ =	shalt  }
0x4a: {  	_ =	shalt  }
0x4b: {  	_ =	shalt  }
0x4c: {  	_ =	shalt  }
0x4d: {  	_ =	shalt  }
0x4e: {  	_ =	shalt  }
0x4f: {  	_ =	shalt  }
0x50: {  	_ =	shalt  }
0x51: {  	_ =	shalt  }
0x52: {  	_ =	shalt  }
0x53: {  	_ =	shalt  }
0x54: {  	_ =	shalt  }
0x55: {  	_ =	shalt  }
0x56: {  	_ =	shalt  }
0x57: {  	_ =	shalt  }
0x58: {  	_ =	shalt  }
0x59: {  	_ =	shalt  }
0x5a: {  	_ =	shalt  }
0x5b: {  	_ =	shalt  }
0x5c: {  	_ =	shalt  }
0x5d: {  	_ =	shalt  }
0x5e: {  	_ =	shalt  }
0x5f: {  	_ =	shalt  }
0x60: {  	_ =	shalt  }
0x61: {  	_ =	shalt  }
0x62: {  	_ =	shalt  }
0x63: {  	_ =	shalt  }
0x64: {  	_ =	shalt  }
0x65: {  	_ =	shalt  }
0x66: {  	_ =	shalt  }
0x67: {  	_ =	shalt  }
0x68: {  	_ =	shalt  }
0x69: {  	_ =	shalt  }
0x6a: {  	_ =	shalt  }
0x6b: {  	_ =	shalt  }
0x6c: {  	_ =	shalt  }
0x6d: {  	_ =	shalt  }
0x6e: {  	_ =	shalt  }
0x6f: {  	_ =	shalt  }
0x70: {  	_ =	shalt  }
0x71: {  	_ =	shalt  }
0x72: {  	_ =	shalt  }
0x73: {  	_ =	shalt  }
0x74: {  	_ =	shalt  }
0x75: {  	_ =	shalt  }
0x76: {  	_ =	shalt  }
0x77: {  	_ =	shalt  }
0x78: {  	_ =	shalt  }
0x79: {  	_ =	shalt  }
0x7a: {  	_ =	shalt  }
0x7b: {  	_ =	shalt  }
0x7c: {  	_ =	shalt  }
0x7d: {  	_ =	shalt  }
0x7e: {  	_ =	shalt  }
0x7f: {  	_ =	shalt  }
0x80: {  	_ =	shalt  }
0x81: {  	_ =	shalt  }
0x82: {  	_ =	shalt  }
0x83: {  	_ =	shalt  }
0x84: {  	_ =	shalt  }
0x85: {  	_ =	shalt  }
0x86: {  	_ =	shalt  }
0x87: {  	_ =	shalt  }
.Lfunc_end0:
.L_simem_size_0:
called_computation_lowered:
.L_overlay_start_0:
0x88: {  	s2 =	sld [smem:$0x3FD9]  }
0x89: {  	s3 =	sld [smem:$0x3FFE];
	_ =	sdelay $0x1  }
0x8a: {  	s1 =	srdreg.scid  }
0x8b: {  	s0 =	sand.u32 $0x1, s1  }
0x8c: {  	s16 =	sshll.u32 s0, $0xA;
	s2 =	sadd.s32 s3, s2  }
0x8d: {  	s2 =	sadd.s32 s2, s16  }
0x8e: {  	[smem:$0x3FC3] =	sst s2  }
0x8f: {  	_ = 	snop  }
0x90: {  	(tm) =	ssettm $0x1  }
0x91: {  	s17 =	sld [smem:$0x3FFB];
	_ =	sdelay $0x3  }
0x92: {  	_ =	strace s17  }
0x93: {  	s2 =	sld [smem:$0x3FFC];
	_ =	sdelay $0x3  }
0x94: {  	_ =	strace s2  }
0x95: {  	s2 =	sld [smem:$0x3FFD];
	_ =	sdelay $0x3  }
0x96: {  	_ =	strace s2  }
0x97: {  	_ =	strace $0x8FFFFFFF  }
0x98: {  	s18 =	sld [smem:$0x3FDB];
	_ =	sdelay $0x1  }
0x99: {  	s19 =	simm.s32 $_scs_section_size  }
0x9a: {  	s4 =	simm.s32 $_size__tile_overlayer_lowered;
	s5 =	simm.s32 $_tile_overlayer_lowered  }
0x9b: {  	s22 =	simm.s32 $0x1BFF;
	s21 =	sshll.u32 s5, $0x1;
	s2 =	sadd.s32 s19, s18  }
0x9c: {  	s6 =	simm.s32 $0x0;
	s20 =	sshll.u32 s4, $0x1;
	s4 =	sadd.s32 s21, s2  }
0x9d: {  	[timem:s6], [sflag:s22] =	dma.local [hbm:s4], s20  }
0x9e: {  	_ =	swait.ge [sflag:s22], s20  }
0x9f: {  	s3 =	ssub.s32 $0x0, s20;
	[sflag:s22] =	ssyncset.done $0x0  }
0xa0: {  	[sflag:s22] =	ssyncadd.s32 s3;
	_ =	sdelay $0x1  }
0xa1: {  	s23 =	simm.s32 $0x1B8B  }
0xa2: {  	_ =	swait.ge [sflag:s23], $0x1  }
0xa3: {  	[sflag:s23] =	ssyncset.done $0x0  }
0xa4: {  	s25 =	simm.s32 $0x1B8E;
	s24 =	sld [smem:$0x3FFE];
	[sflag:s23] =	ssyncadd.s32 $0xFFFFFFFF  }
0xa5: {  	s26 =	simm.s32 $execute0_lowered;
	[smem:$0x3FD2] =	sst s25  }
0xa6: {  	s4 =	sshll.u32 s26, $0x1;
	_ =	strace $0x80000046;
	[dreg:$0x1] =	wrdreg $0xFFFFFFFF  }
0xa7: {  	s28 =	simm.s32 $_size_execute0_lowered;
	s2 =	sadd.s32 s2, s4;
	[dreg:$0x0] =	wrdreg $0x0  }
0xa8: {  	s4 =	sshll.u32 s28, $0x1;
	[dreg:$0x2] =	wrdreg s2  }
0xa9: {  	[dreg:$0x3] =	wrdreg s4  }
0xaa: {  	[dreg:$0x4] =	wrdreg $0xC0  }
0xab: {  	_ =	task [dreg:s6], $0x5FFFF  }
0xac: {  	[dreg:$0x1] =	wrdreg $0xFFFFFFFF  }
0xad: {  	[dreg:$0x0] =	wrdreg $0x60  }
0xae: {  	[dreg:$0x2] =	wrdreg s24  }
0xaf: {  	[dreg:$0x3] =	wrdreg $0x7A800  }
0xb0: {  	[dreg:$0x4] =	wrdreg $0x9  }
0xb1: {  	_ =	task.clear_ibuf [dreg:s6], $0x5FFFF;
	_ =	strace $0x90000046  }
0xb2: {  	s29 =	simm.s32 $0x9;
	_ =	strace $0x80000048  }
0xb3: {  	_ =	swait.ge [sflag:s29], $0x1  }
0xb4: {  	[sflag:s29] =	ssyncadd.s32 $0xFFFFFFFF  }
0xb5: {  	_ =	strace $0x90000048  }
0xb6: {  	_ =	sfence  }
0xb7: {  	s30 =	sld [smem:$0x0];
	_ =	sdelay $0x2  }
0xb8: {  	s31 =	sshll.u32 s1, $0xD;
	s1 =	sshrl.u32 s1, $0x2  }
0xb9: {  	s3 =	sand.u32 $0x4000, s31;
	s1 =	sadd.s32 s1, s30  }
0xba: {  	s0 =	sor.u32 s3, s0;
	s1 =	sshll.u32 s1, $0x11  }
0xbb: {  	s0 =	sor.u32 s1, s0  }
0xbc: {  	s0 =	sadd.s32 $0x8F2B, s0  }
0xbd: {  	[sflag:s0] =	ssyncadd.remote.s32 $0x1  }
0xbe: {  	_ =	sfence.sel $0xFFFF  }
0xbf: {  	[dreg:$0x0] =	wrdreg $0xFFFFFFFF;
	(pc) =	sbr.abs _section_cstart, $3  }
0xc0: {  	[dreg:$0x1] =	wrdreg $0xFFFFFFFF  }
0xc1: {  	_ =	task.clear_ibuf [dreg:s6], $0x2FFFF;
	_ =	strace $0x9FFFFFFF  }
0xc2: {  	(tm) =	ssettm $0x7FFFFFFF  }
0xc3: {  	_ =	shalt  }
tec
execute0_lowered:
.L_overlay_start_1:
0x0: {  	(tag) =	ssettag $0x1  }
0x1: {  	s0 =	srdreg.scid  }
0x2: {  	s1 =	rddreg [dreg:$0x0];
	s7 =	stileid.u32  }
0x3: {  	s3 =	rddreg [dreg:$0x1];
	s4 =	simm.s32 $0x0;
	s0 =	sand.u32 $0x1, s0  }
0x4: {  	[smem:$0x7FF] =	sst s4;
	s12 =	smul.u32 $0x500, s7;
	s13 =	sshrl.u32 s7, $0x3  }
0x5: {  	s6 =	smul.u32 $0x5000, s7;
	s15 =	sshll.u32 s7, $0x7;
	s2 =	sshll.u32 s0, $0x4  }
0x6: {  	s5 =	sshll.u32 s0, $0x7;
	s0 =	ssub.s32 $0x2, s0;
	s2 =	sor.u32 s7, s2  }
0x7: {  	s4 =	sor.u32 s5, s12;
	s5 =	smul.u32 $0x50000, s13;
	s14 =	sshrl.u32 s0, $0x1  }
0x8: {  	_ =	strace $0x80000047;
	s2 =	smul.u32 $0x500, s2;
	s0 =	ssub.s32 s0, s14  }
0x9: {  	s4 =	sshrl.u32 s4, $0x3;
	s5 =	sshrl.u32 s5, $0x2;
	s0 =	smax.u32 s0, $0x1  }
0xa: {  	s2 =	sadd.s32 s2, s1;
	s1 =	sadd.s32 s4, s1;
	s4 =	sand.u32 $0x380, s15  }
0xb: {  	s5 =	sadd.s32 s5, s3;
	[dreg:$0x15] =	wrdreg s0;
	s2 =	sadd.s32 $0x1000, s2  }
0xc: {  	s6 =	sshrl.u32 s6, $0x2;
	s16 =	sadd.s32 s4, s5;
	[dreg:$0x3] =	wrdreg s2  }
0xd: {  	s5 =	sadd.s32 s6, s3;
	s1 =	sadd.s32 $0xB000, s1;
	[dreg:$0x4] =	wrdreg s16  }
0xe: {  	s17 =	sadd.s32 $0x80, s5;
	[dreg:$0x14] =	wrdreg s1  }
0xf: {  	s18 =	sadd.s32 $0x100, s5;
	[dreg:$0x5] =	wrdreg s17  }
0x10: {  	s19 =	sadd.s32 $0x180, s5;
	[dreg:$0x6] =	wrdreg s18  }
0x11: {  	s20 =	sadd.s32 $0x200, s5;
	[dreg:$0x7] =	wrdreg s19  }
0x12: {  	s21 =	sadd.s32 $0x280, s5;
	[dreg:$0x8] =	wrdreg s20  }
0x13: {  	s22 =	sadd.s32 $0x300, s5;
	[dreg:$0x9] =	wrdreg s21  }
0x14: {  	s23 =	sadd.s32 $0x380, s5;
	[dreg:$0xa] =	wrdreg s22  }
0x15: {  	s24 =	sadd.s32 $0x14000, s5;
	[dreg:$0xb] =	wrdreg s23  }
0x16: {  	s25 =	sadd.s32 $0x14080, s5;
	[dreg:$0xc] =	wrdreg s24  }
0x17: {  	s26 =	sadd.s32 $0x14100, s5;
	[dreg:$0xd] =	wrdreg s25  }
0x18: {  	s3 =	sadd.s32 $0x14180, s5;
	[dreg:$0xe] =	wrdreg s26  }
0x19: {  	s4 =	sadd.s32 $0x14200, s5;
	[dreg:$0xf] =	wrdreg s3  }
0x1a: {  	s6 =	sadd.s32 $0x14280, s5;
	[dreg:$0x10] =	wrdreg s4  }
0x1b: {  	s7 =	sadd.s32 $0x14300, s5;
	[dreg:$0x11] =	wrdreg s6  }
0x1c: {  	s8 =	sadd.s32 $0x14380, s5;
	[dreg:$0x12] =	wrdreg s7  }
0x1d: {  	s9 =	sadd.s32 $0x400, s5;
	[dreg:$0x13] =	wrdreg s8  }
0x1e: {  	s10 =	sadd.s32 $0x800, s5;
	[dreg:$0x16] =	wrdreg s9  }
0x1f: {  	s11 =	sadd.s32 $0xC00, s5;
	[dreg:$0x17] =	wrdreg s10  }
0x20: {  	s12 =	sadd.s32 $0x1000, s5;
	[dreg:$0x18] =	wrdreg s11  }
0x21: {  	s13 =	sadd.s32 $0x480, s5;
	[dreg:$0x19] =	wrdreg s12  }
0x22: {  	s14 =	sadd.s32 $0x880, s5;
	[dreg:$0x1a] =	wrdreg s13  }
0x23: {  	s15 =	sadd.s32 $0xC80, s5;
	[dreg:$0x1b] =	wrdreg s14  }
0x24: {  	s16 =	sadd.s32 $0x1080, s5;
	[dreg:$0x1c] =	wrdreg s15  }
0x25: {  	s1 =	sadd.s32 $0xE00, s5;
	[dreg:$0x1d] =	wrdreg s16  }
0x26: {  	s2 =	sadd.s32 $0x1200, s5;
	[smem:$0x7E5] =	sst s1  }
0x27: {  	s17 =	sadd.s32 $0x500, s5;
	[smem:$0x7E6] =	sst s2  }
0x28: {  	s18 =	sadd.s32 $0x900, s5;
	[dreg:$0x1e] =	wrdreg s17  }
0x29: {  	s19 =	sadd.s32 $0xD00, s5;
	[dreg:$0x1f] =	wrdreg s18  }
0x2a: {  	s20 =	sadd.s32 $0x1100, s5;
	[smem:$0x7DD] =	sst s19  }
0x2b: {  	s21 =	sadd.s32 $0x580, s5;
	[smem:$0x7DE] =	sst s20  }
0x2c: {  	s22 =	sadd.s32 $0x980, s5;
	[smem:$0x7DF] =	sst s21  }
0x2d: {  	s23 =	sadd.s32 $0xD80, s5;
	[smem:$0x7E0] =	sst s22  }
0x2e: {  	s24 =	sadd.s32 $0x1180, s5;
	[smem:$0x7E1] =	sst s23  }
0x2f: {  	s25 =	sadd.s32 $0x600, s5;
	[smem:$0x7E2] =	sst s24  }
0x30: {  	s26 =	sadd.s32 $0xA00, s5;
	[smem:$0x7E3] =	sst s25  }
0x31: {  	s3 =	sadd.s32 $0x680, s5;
	[smem:$0x7E4] =	sst s26  }
0x32: {  	s4 =	sadd.s32 $0xA80, s5;
	[smem:$0x7E7] =	sst s3  }
0x33: {  	s6 =	sadd.s32 $0xE80, s5;
	[smem:$0x7E8] =	sst s4  }
0x34: {  	s7 =	sadd.s32 $0x1280, s5;
	[smem:$0x7E9] =	sst s6  }
0x35: {  	s8 =	sadd.s32 $0x700, s5;
	[smem:$0x7EA] =	sst s7  }
0x36: {  	s9 =	sadd.s32 $0xB00, s5;
	[smem:$0x7EB] =	sst s8  }
0x37: {  	s10 =	sadd.s32 $0xF00, s5;
	[smem:$0x7EC] =	sst s9  }
0x38: {  	s11 =	sadd.s32 $0x1300, s5;
	[smem:$0x7ED] =	sst s10  }
0x39: {  	s12 =	sadd.s32 $0x780, s5;
	[smem:$0x7EE] =	sst s11  }
0x3a: {  	s28 =	simm.s32 $0x1;
	s13 =	sadd.s32 $0xB80, s5;
	[smem:$0x7EF] =	sst s12  }
0x3b: {  	s29 =	simm.s32 $0x2800;
	s14 =	sadd.s32 $0xF80, s5;
	[smem:$0x7F0] =	sst s13  }
0x3c: {  	s30 =	simm.s32 $0x80;
	s15 =	sadd.s32 $0x1380, s5;
	[smem:$0x7F1] =	sst s14  }
0x3d: {  	s31 =	simm.s32 $0x0;
	s16 =	sadd.s32 $0x14400, s5;
	[smem:$0x7F2] =	sst s15  }
0x3e: {  	[smem:$0x7F3] =	sst s16;
	s17 =	sadd.s32 $0x14800, s5;
	s18 =	sadd.s32 $0x14C00, s5  }
0x3f: {  	s19 =	sadd.s32 $0x15000, s5;
	s20 =	sadd.s32 $0x14480, s5;
	[smem:$0x7F4] =	sst s17  }
0x40: {  	s21 =	sadd.s32 $0x14880, s5;
	s22 =	sadd.s32 $0x14C80, s5;
	[smem:$0x7F5] =	sst s18  }
0x41: {  	s23 =	sadd.s32 $0x15080, s5;
	s24 =	sadd.s32 $0x14500, s5;
	[smem:$0x7F6] =	sst s19  }
0x42: {  	s25 =	sadd.s32 $0x14900, s5;
	s26 =	sadd.s32 $0x14D00, s5;
	[smem:$0x7F7] =	sst s20  }
0x43: {  	s6 =	sadd.s32 $0x15100, s5;
	s7 =	sadd.s32 $0x14580, s5;
	[smem:$0x7F8] =	sst s21  }
0x44: {  	s8 =	sadd.s32 $0x14980, s5;
	s9 =	sadd.s32 $0x14D80, s5;
	[smem:$0x7F9] =	sst s22  }
0x45: {  	s10 =	sadd.s32 $0x15180, s5;
	s11 =	sadd.s32 $0x14600, s5;
	[smem:$0x7FA] =	sst s23  }
0x46: {  	s12 =	sadd.s32 $0x14A00, s5;
	s13 =	sadd.s32 $0x14E00, s5;
	[smem:$0x7FB] =	sst s24  }
0x47: {  	s14 =	sadd.s32 $0x15200, s5;
	s15 =	sadd.s32 $0x14680, s5;
	[smem:$0x7FC] =	sst s25  }
0x48: {  	s16 =	sadd.s32 $0x14A80, s5;
	[smem:$0x7FD] =	sst s26;
	s17 =	sadd.s32 $0x14E80, s5  }
0x49: {  	s18 =	sadd.s32 $0x15280, s5;
	s19 =	sadd.s32 $0x14700, s5;
	s20 =	sadd.s32 $0x14B00, s5  }
0x4a: {  	s21 =	sadd.s32 $0x14F00, s5;
	s22 =	sadd.s32 $0x15300, s5;
	s23 =	sadd.s32 $0x14780, s5  }
0x4b: {  	v0 =	vimm.f32 $0.0e+00;
	v1 =	vimm.f32 $1.000000000e+00;
	s24 =	sadd.s32 $0x14B80, s5;
	s25 =	sadd.s32 $0x14F80, s5;
	s26 =	sadd.s32 $0x15380, s5  }
.LBB2_1:
0x4c: {  	s0 =	simm.s32 $0x0;
	s1 =	rddreg [dreg:$0x3]  }
0x4d: {  	[tilespmem:s0], [sflag:$0x1] =	stream.linear.gather [hbm4b:s1+s0], $0x2800, $0x38;
	[tilespmem:$0xA280] =	vst v63  }
0x4e: {  	_ =	swait.ge [sflag:s28], $0x2800  }
0x4f: {  	[sflag:s28] =	ssyncset.done $0x0  }
0x50: {  	s0 =	simm.s32 $0x0;
	[sflag:s28] =	ssyncadd.s32 $0xFFFFD800  }
.LBB2_2:
0x51: {  	p0 =	sne.s32 s0, $0x9FC0  }
.Ltmp0:
0x52: {  	_ = 	snop;
	(pc) =	sbr.rel @p0 .LBB2_2-.Ltmp0, $3  }
0x53: {  	_ =	sdelay $0x1  }
0x54: {  	s1 =	sshra.s32 s0, $0x2  }
0x55: {  	s0 =	sadd.s32 $0x40, s0;
	[tilespmem:s1+$0x2800] =	vst v0  }
0x56: {  	s1 =	simm.s32 $0x0;
	s0 =	simm.s32 $0x40  }
.LBB2_4:
0x57: {  	p0 =	sne.s32 s0, $0x9FC0;
	v2 =	vld [tilespmem:s1+$0x0];
	_ =	sdelay $0x3  }
.Ltmp1:
0x58: {  	(pc) =	sbr.rel @p0 .LBB2_4-.Ltmp1, $2  }
0x59: {  	_ =	sdelay $0x2  }
0x5a: {  	s1 =	sshra.s32 s0, $0x2;
	s0 =	sadd.s32 $0x40, s0;
	[tilespmem:v2+s29+$0x0] =	vst.idx.add.f32.msk $0xffff, v1  }
0x5b: {  	v2 =	vld [tilespmem:s1+$0x0];
	_ =	sdelay $0x7  }
0x5c: {  	s0 =	rddreg [dreg:$0x4];
	s4 =	simm.s32 $0x400;
	[tilespmem:v2+s29+$0x0] =	vst.idx.add.f32.msk $0xffff, v1  }
0x5d: {  	[spmem:s0] =	stream.strided.scatter [tilespmem:s29], [sflag:$0x1], $0x2800, s4, s30, $0x38;
	[tilespmem:$0xA280] =	vst v63  }
0x5e: {  	_ =	swait.ge [sflag:s28], $0x2800  }
0x5f: {  	[sflag:s28] =	ssyncset.done $0x0  }
0x60: {  	[sflag:s28] =	ssyncadd.s32 $0xFFFFD800  }
0x61: {  	s2 =	simm.s32 $0x5000;
	[bflag:$0x0] =	sbarrier.arrive $0xFFFF  }
0x62: {  	[tilespmem:s2], [sflag:$0x1] =	stream.linear.gather [spmem:s5], $0x80, $0x38;
	[tilespmem:$0xA280] =	vst v63  }
0x63: {  	s4 =	simm.s32 $0x5400;
	s3 =	rddreg [dreg:$0x16]  }
0x64: {  	[tilespmem:s4], [sflag:$0x1] =	stream.linear.gather [spmem:s3], $0x80, $0x38;
	[tilespmem:$0xA280] =	vst v63  }
0x65: {  	s1 =	rddreg [dreg:$0x17];
	s2 =	simm.s32 $0x5800  }
0x66: {  	[tilespmem:s2], [sflag:$0x1] =	stream.linear.gather [spmem:s1], $0x80, $0x38;
	[tilespmem:$0xA280] =	vst v63  }
0x67: {  	s3 =	rddreg [dreg:$0x18];
	s4 =	simm.s32 $0x5C00  }
0x68: {  	[tilespmem:s4], [sflag:$0x1] =	stream.linear.gather [spmem:s3], $0x80, $0x38;
	[tilespmem:$0xA280] =	vst v63  }
0x69: {  	s1 =	rddreg [dreg:$0x19];
	s2 =	simm.s32 $0x6000  }
0x6a: {  	[tilespmem:s2], [sflag:$0x1] =	stream.linear.gather [spmem:s1], $0x80, $0x38;
	[tilespmem:$0xA280] =	vst v63  }
0x6b: {  	_ =	swait.ge [sflag:s28], $0x280  }
0x6c: {  	[sflag:s28] =	ssyncset.done $0x0  }
0x6d: {  	s4 =	simm.s32 $0x5080;
	s3 =	rddreg [dreg:$0x5];
	[sflag:s28] =	ssyncadd.s32 $0xFFFFFD80  }
0x6e: {  	[tilespmem:s4], [sflag:$0x1] =	stream.linear.gather [spmem:s3], $0x80, $0x38;
	[tilespmem:$0xA280] =	vst v63  }
0x6f: {  	s2 =	simm.s32 $0x5480;
	s1 =	rddreg [dreg:$0x1a]  }
0x70: {  	[tilespmem:s2], [sflag:$0x1] =	stream.linear.gather [spmem:s1], $0x80, $0x38;
	[tilespmem:$0xA280] =	vst v63  }
0x71: {  	s3 =	rddreg [dreg:$0x1b];
	s4 =	simm.s32 $0x5880  }
0x72: {  	[tilespmem:s4], [sflag:$0x1] =	stream.linear.gather [spmem:s3], $0x80, $0x38;
	[tilespmem:$0xA280] =	vst v63  }
0x73: {  	s1 =	rddreg [dreg:$0x1c];
	s2 =	simm.s32 $0x5C80  }
0x74: {  	[tilespmem:s2], [sflag:$0x1] =	stream.linear.gather [spmem:s1], $0x80, $0x38;
	[tilespmem:$0xA280] =	vst v63  }
0x75: {  	s3 =	rddreg [dreg:$0x1d];
	s4 =	simm.s32 $0x6080  }
0x76: {  	[tilespmem:s4], [sflag:$0x1] =	stream.linear.gather [spmem:s3], $0x80, $0x38;
	[tilespmem:$0xA280] =	vst v63  }
0x77: {  	_ =	swait.ge [sflag:s28], $0x280  }
0x78: {  	[sflag:s28] =	ssyncset.done $0x0;
	s1 =	rddreg [dreg:$0x6]  }
0x79: {  	s2 =	simm.s32 $0x5100;
	s3 =	rddreg [dreg:$0x1e];
	[sflag:s28] =	ssyncadd.s32 $0xFFFFFD80  }
0x7a: {  	[tilespmem:s2], [sflag:$0x1] =	stream.linear.gather [spmem:s1], $0x80, $0x38;
	[tilespmem:$0xA280] =	vst v63  }
0x7b: {  	s4 =	simm.s32 $0x5500;
	s1 =	rddreg [dreg:$0x1f]  }
0x7c: {  	[tilespmem:s4], [sflag:$0x1] =	stream.linear.gather [spmem:s3], $0x80, $0x38;
	[tilespmem:$0xA280] =	vst v63  }
0x7d: {  	s2 =	simm.s32 $0x5900;
	s3 =	sld [smem:$0x7DD]  }
0x7e: {  	[tilespmem:s2], [sflag:$0x1] =	stream.linear.gather [spmem:s1], $0x80, $0x38;
	[tilespmem:$0xA280] =	vst v63  }
0x7f: {  	s4 =	simm.s32 $0x5D00;
	s1 =	sld [smem:$0x7DE]  }
0x80: {  	[tilespmem:s4], [sflag:$0x1] =	stream.linear.gather [spmem:s3], $0x80, $0x38;
	[tilespmem:$0xA280] =	vst v63  }
0x81: {  	s2 =	simm.s32 $0x6100  }
0x82: {  	[tilespmem:s2], [sflag:$0x1] =	stream.linear.gather [spmem:s1], $0x80, $0x38;
	[tilespmem:$0xA280] =	vst v63  }
0x83: {  	_ =	swait.ge [sflag:s28], $0x280  }
0x84: {  	[sflag:s28] =	ssyncset.done $0x0;
	s3 =	rddreg [dreg:$0x7]  }
0x85: {  	s4 =	simm.s32 $0x5180;
	s1 =	sld [smem:$0x7DF];
	[sflag:s28] =	ssyncadd.s32 $0xFFFFFD80  }
0x86: {  	[tilespmem:s4], [sflag:$0x1] =	stream.linear.gather [spmem:s3], $0x80, $0x38;
	[tilespmem:$0xA280] =	vst v63  }
0x87: {  	s2 =	simm.s32 $0x5580;
	s3 =	sld [smem:$0x7E0]  }
0x88: {  	[tilespmem:s2], [sflag:$0x1] =	stream.linear.gather [spmem:s1], $0x80, $0x38;
	[tilespmem:$0xA280] =	vst v63  }
0x89: {  	s4 =	simm.s32 $0x5980;
	s1 =	sld [smem:$0x7E1]  }
0x8a: {  	[tilespmem:s4], [sflag:$0x1] =	stream.linear.gather [spmem:s3], $0x80, $0x38;
	[tilespmem:$0xA280] =	vst v63  }
0x8b: {  	s2 =	simm.s32 $0x5D80;
	s3 =	sld [smem:$0x7E2]  }
0x8c: {  	[tilespmem:s2], [sflag:$0x1] =	stream.linear.gather [spmem:s1], $0x80, $0x38;
	[tilespmem:$0xA280] =	vst v63  }
0x8d: {  	s4 =	simm.s32 $0x6180  }
0x8e: {  	[tilespmem:s4], [sflag:$0x1] =	stream.linear.gather [spmem:s3], $0x80, $0x38;
	[tilespmem:$0xA280] =	vst v63  }
0x8f: {  	_ =	swait.ge [sflag:s28], $0x280  }
0x90: {  	[sflag:s28] =	ssyncset.done $0x0;
	s1 =	rddreg [dreg:$0x8]  }
0x91: {  	s2 =	simm.s32 $0x5200;
	s3 =	sld [smem:$0x7E3];
	[sflag:s28] =	ssyncadd.s32 $0xFFFFFD80  }
0x92: {  	[tilespmem:s2], [sflag:$0x1] =	stream.linear.gather [spmem:s1], $0x80, $0x38;
	[tilespmem:$0xA280] =	vst v63  }
0x93: {  	s4 =	simm.s32 $0x5600;
	s1 =	sld [smem:$0x7E4]  }
0x94: {  	[tilespmem:s4], [sflag:$0x1] =	stream.linear.gather [spmem:s3], $0x80, $0x38;
	[tilespmem:$0xA280] =	vst v63  }
0x95: {  	s2 =	simm.s32 $0x5A00;
	s3 =	sld [smem:$0x7E5]  }
0x96: {  	[tilespmem:s2], [sflag:$0x1] =	stream.linear.gather [spmem:s1], $0x80, $0x38;
	[tilespmem:$0xA280] =	vst v63  }
0x97: {  	s4 =	simm.s32 $0x5E00;
	s1 =	sld [smem:$0x7E6]  }
0x98: {  	[tilespmem:s4], [sflag:$0x1] =	stream.linear.gather [spmem:s3], $0x80, $0x38;
	[tilespmem:$0xA280] =	vst v63  }
0x99: {  	s2 =	simm.s32 $0x6200  }
0x9a: {  	[tilespmem:s2], [sflag:$0x1] =	stream.linear.gather [spmem:s1], $0x80, $0x38;
	[tilespmem:$0xA280] =	vst v63  }
0x9b: {  	_ =	swait.ge [sflag:s28], $0x280  }
0x9c: {  	[sflag:s28] =	ssyncset.done $0x0;
	s3 =	rddreg [dreg:$0x9]  }
0x9d: {  	s4 =	simm.s32 $0x5280;
	s1 =	sld [smem:$0x7E7];
	[sflag:s28] =	ssyncadd.s32 $0xFFFFFD80  }
0x9e: {  	[tilespmem:s4], [sflag:$0x1] =	stream.linear.gather [spmem:s3], $0x80, $0x38;
	[tilespmem:$0xA280] =	vst v63  }
0x9f: {  	s2 =	simm.s32 $0x5680;
	s3 =	sld [smem:$0x7E8]  }
0xa0: {  	[tilespmem:s2], [sflag:$0x1] =	stream.linear.gather [spmem:s1], $0x80, $0x38;
	[tilespmem:$0xA280] =	vst v63  }
0xa1: {  	s4 =	simm.s32 $0x5A80;
	s1 =	sld [smem:$0x7E9]  }
0xa2: {  	[tilespmem:s4], [sflag:$0x1] =	stream.linear.gather [spmem:s3], $0x80, $0x38;
	[tilespmem:$0xA280] =	vst v63  }
0xa3: {  	s2 =	simm.s32 $0x5E80;
	s3 =	sld [smem:$0x7EA]  }
0xa4: {  	[tilespmem:s2], [sflag:$0x1] =	stream.linear.gather [spmem:s1], $0x80, $0x38;
	[tilespmem:$0xA280] =	vst v63  }
0xa5: {  	s4 =	simm.s32 $0x6280  }
0xa6: {  	[tilespmem:s4], [sflag:$0x1] =	stream.linear.gather [spmem:s3], $0x80, $0x38;
	[tilespmem:$0xA280] =	vst v63  }
0xa7: {  	_ =	swait.ge [sflag:s28], $0x280  }
0xa8: {  	[sflag:s28] =	ssyncset.done $0x0;
	s1 =	rddreg [dreg:$0xa]  }
0xa9: {  	s2 =	simm.s32 $0x5300;
	s3 =	sld [smem:$0x7EB];
	[sflag:s28] =	ssyncadd.s32 $0xFFFFFD80  }
0xaa: {  	[tilespmem:s2], [sflag:$0x1] =	stream.linear.gather [spmem:s1], $0x80, $0x38;
	[tilespmem:$0xA280] =	vst v63  }
0xab: {  	s4 =	simm.s32 $0x5700;
	s1 =	sld [smem:$0x7EC]  }
0xac: {  	[tilespmem:s4], [sflag:$0x1] =	stream.linear.gather [spmem:s3], $0x80, $0x38;
	[tilespmem:$0xA280] =	vst v63  }
0xad: {  	s2 =	simm.s32 $0x5B00;
	s3 =	sld [smem:$0x7ED]  }
0xae: {  	[tilespmem:s2], [sflag:$0x1] =	stream.linear.gather [spmem:s1], $0x80, $0x38;
	[tilespmem:$0xA280] =	vst v63  }
0xaf: {  	s4 =	simm.s32 $0x5F00;
	s1 =	sld [smem:$0x7EE]  }
0xb0: {  	[tilespmem:s4], [sflag:$0x1] =	stream.linear.gather [spmem:s3], $0x80, $0x38;
	[tilespmem:$0xA280] =	vst v63  }
0xb1: {  	s2 =	simm.s32 $0x6300  }
0xb2: {  	[tilespmem:s2], [sflag:$0x1] =	stream.linear.gather [spmem:s1], $0x80, $0x38;
	[tilespmem:$0xA280] =	vst v63  }
0xb3: {  	_ =	swait.ge [sflag:s28], $0x280  }
0xb4: {  	[sflag:s28] =	ssyncset.done $0x0;
	s3 =	rddreg [dreg:$0xb]  }
0xb5: {  	s4 =	simm.s32 $0x5380;
	s1 =	sld [smem:$0x7EF];
	[sflag:s28] =	ssyncadd.s32 $0xFFFFFD80  }
0xb6: {  	[tilespmem:s4], [sflag:$0x1] =	stream.linear.gather [spmem:s3], $0x80, $0x38;
	[tilespmem:$0xA280] =	vst v63  }
0xb7: {  	s2 =	simm.s32 $0x5780;
	s3 =	sld [smem:$0x7F0]  }
0xb8: {  	[tilespmem:s2], [sflag:$0x1] =	stream.linear.gather [spmem:s1], $0x80, $0x38;
	[tilespmem:$0xA280] =	vst v63  }
0xb9: {  	s4 =	simm.s32 $0x5B80;
	s1 =	sld [smem:$0x7F1]  }
0xba: {  	[tilespmem:s4], [sflag:$0x1] =	stream.linear.gather [spmem:s3], $0x80, $0x38;
	[tilespmem:$0xA280] =	vst v63  }
0xbb: {  	s2 =	simm.s32 $0x5F80;
	s3 =	sld [smem:$0x7F2]  }
0xbc: {  	[tilespmem:s2], [sflag:$0x1] =	stream.linear.gather [spmem:s1], $0x80, $0x38;
	[tilespmem:$0xA280] =	vst v63  }
0xbd: {  	s4 =	simm.s32 $0x6380  }
0xbe: {  	[tilespmem:s4], [sflag:$0x1] =	stream.linear.gather [spmem:s3], $0x80, $0x38;
	[tilespmem:$0xA280] =	vst v63  }
0xbf: {  	_ =	swait.ge [sflag:s28], $0x280  }
0xc0: {  	[sflag:s28] =	ssyncset.done $0x0;
	s1 =	rddreg [dreg:$0xc]  }
0xc1: {  	s2 =	simm.s32 $0x6400;
	s3 =	sld [smem:$0x7F3];
	[sflag:s28] =	ssyncadd.s32 $0xFFFFFD80  }
0xc2: {  	[tilespmem:s2], [sflag:$0x1] =	stream.linear.gather [spmem:s1], $0x80, $0x38;
	[tilespmem:$0xA280] =	vst v63  }
0xc3: {  	s4 =	simm.s32 $0x6800;
	s1 =	sld [smem:$0x7F4]  }
0xc4: {  	[tilespmem:s4], [sflag:$0x1] =	stream.linear.gather [spmem:s3], $0x80, $0x38;
	[tilespmem:$0xA280] =	vst v63  }
0xc5: {  	s2 =	simm.s32 $0x6C00;
	s3 =	sld [smem:$0x7F5]  }
0xc6: {  	[tilespmem:s2], [sflag:$0x1] =	stream.linear.gather [spmem:s1], $0x80, $0x38;
	[tilespmem:$0xA280] =	vst v63  }
0xc7: {  	s4 =	simm.s32 $0x7000;
	s1 =	sld [smem:$0x7F6]  }
0xc8: {  	[tilespmem:s4], [sflag:$0x1] =	stream.linear.gather [spmem:s3], $0x80, $0x38;
	[tilespmem:$0xA280] =	vst v63  }
0xc9: {  	s2 =	simm.s32 $0x7400  }
0xca: {  	[tilespmem:s2], [sflag:$0x1] =	stream.linear.gather [spmem:s1], $0x80, $0x38;
	[tilespmem:$0xA280] =	vst v63  }
0xcb: {  	_ =	swait.ge [sflag:s28], $0x280  }
0xcc: {  	[sflag:s28] =	ssyncset.done $0x0;
	s3 =	rddreg [dreg:$0xd]  }
0xcd: {  	s4 =	simm.s32 $0x6480;
	s1 =	sld [smem:$0x7F7];
	[sflag:s28] =	ssyncadd.s32 $0xFFFFFD80  }
0xce: {  	[tilespmem:s4], [sflag:$0x1] =	stream.linear.gather [spmem:s3], $0x80, $0x38;
	[tilespmem:$0xA280] =	vst v63  }
0xcf: {  	s2 =	simm.s32 $0x6880;
	s3 =	sld [smem:$0x7F8]  }
0xd0: {  	[tilespmem:s2], [sflag:$0x1] =	stream.linear.gather [spmem:s1], $0x80, $0x38;
	[tilespmem:$0xA280] =	vst v63  }
0xd1: {  	s4 =	simm.s32 $0x6C80;
	s1 =	sld [smem:$0x7F9]  }
0xd2: {  	[tilespmem:s4], [sflag:$0x1] =	stream.linear.gather [spmem:s3], $0x80, $0x38;
	[tilespmem:$0xA280] =	vst v63  }
0xd3: {  	s2 =	simm.s32 $0x7080;
	s3 =	sld [smem:$0x7FA]  }
0xd4: {  	[tilespmem:s2], [sflag:$0x1] =	stream.linear.gather [spmem:s1], $0x80, $0x38;
	[tilespmem:$0xA280] =	vst v63  }
0xd5: {  	s4 =	simm.s32 $0x7480  }
0xd6: {  	[tilespmem:s4], [sflag:$0x1] =	stream.linear.gather [spmem:s3], $0x80, $0x38;
	[tilespmem:$0xA280] =	vst v63  }
0xd7: {  	_ =	swait.ge [sflag:s28], $0x280  }
0xd8: {  	[sflag:s28] =	ssyncset.done $0x0;
	s1 =	rddreg [dreg:$0xe]  }
0xd9: {  	s2 =	simm.s32 $0x6500;
	s3 =	sld [smem:$0x7FB];
	[sflag:s28] =	ssyncadd.s32 $0xFFFFFD80  }
0xda: {  	[tilespmem:s2], [sflag:$0x1] =	stream.linear.gather [spmem:s1], $0x80, $0x38;
	[tilespmem:$0xA280] =	vst v63  }
0xdb: {  	s4 =	simm.s32 $0x6900;
	s1 =	sld [smem:$0x7FC]  }
0xdc: {  	[tilespmem:s4], [sflag:$0x1] =	stream.linear.gather [spmem:s3], $0x80, $0x38;
	[tilespmem:$0xA280] =	vst v63  }
0xdd: {  	s2 =	simm.s32 $0x6D00;
	s3 =	sld [smem:$0x7FD]  }
0xde: {  	[tilespmem:s2], [sflag:$0x1] =	stream.linear.gather [spmem:s1], $0x80, $0x38;
	[tilespmem:$0xA280] =	vst v63  }
0xdf: {  	s4 =	simm.s32 $0x7100  }
0xe0: {  	[tilespmem:s4], [sflag:$0x1] =	stream.linear.gather [spmem:s3], $0x80, $0x38;
	[tilespmem:$0xA280] =	vst v63  }
0xe1: {  	s2 =	simm.s32 $0x7500  }
0xe2: {  	[tilespmem:s2], [sflag:$0x1] =	stream.linear.gather [spmem:s6], $0x80, $0x38;
	[tilespmem:$0xA280] =	vst v63  }
0xe3: {  	_ =	swait.ge [sflag:s28], $0x280  }
0xe4: {  	[sflag:s28] =	ssyncset.done $0x0  }
0xe5: {  	s4 =	simm.s32 $0x6580;
	s3 =	rddreg [dreg:$0xf];
	[sflag:s28] =	ssyncadd.s32 $0xFFFFFD80  }
0xe6: {  	[tilespmem:s4], [sflag:$0x1] =	stream.linear.gather [spmem:s3], $0x80, $0x38;
	[tilespmem:$0xA280] =	vst v63  }
0xe7: {  	s1 =	simm.s32 $0x6980  }
0xe8: {  	[tilespmem:s1], [sflag:$0x1] =	stream.linear.gather [spmem:s7], $0x80, $0x38;
	[tilespmem:$0xA280] =	vst v63  }
0xe9: {  	s2 =	simm.s32 $0x6D80  }
0xea: {  	[tilespmem:s2], [sflag:$0x1] =	stream.linear.gather [spmem:s8], $0x80, $0x38;
	[tilespmem:$0xA280] =	vst v63  }
0xeb: {  	s3 =	simm.s32 $0x7180  }
0xec: {  	[tilespmem:s3], [sflag:$0x1] =	stream.linear.gather [spmem:s9], $0x80, $0x38;
	[tilespmem:$0xA280] =	vst v63  }
0xed: {  	s4 =	simm.s32 $0x7580  }
0xee: {  	[tilespmem:s4], [sflag:$0x1] =	stream.linear.gather [spmem:s10], $0x80, $0x38;
	[tilespmem:$0xA280] =	vst v63  }
0xef: {  	_ =	swait.ge [sflag:s28], $0x280  }
0xf0: {  	[sflag:s28] =	ssyncset.done $0x0  }
0xf1: {  	s2 =	simm.s32 $0x6600;
	s1 =	rddreg [dreg:$0x10];
	[sflag:s28] =	ssyncadd.s32 $0xFFFFFD80  }
0xf2: {  	[tilespmem:s2], [sflag:$0x1] =	stream.linear.gather [spmem:s1], $0x80, $0x38;
	[tilespmem:$0xA280] =	vst v63  }
0xf3: {  	s3 =	simm.s32 $0x6A00  }
0xf4: {  	[tilespmem:s3], [sflag:$0x1] =	stream.linear.gather [spmem:s11], $0x80, $0x38;
	[tilespmem:$0xA280] =	vst v63  }
0xf5: {  	s4 =	simm.s32 $0x6E00  }
0xf6: {  	[tilespmem:s4], [sflag:$0x1] =	stream.linear.gather [spmem:s12], $0x80, $0x38;
	[tilespmem:$0xA280] =	vst v63  }
0xf7: {  	s1 =	simm.s32 $0x7200  }
0xf8: {  	[tilespmem:s1], [sflag:$0x1] =	stream.linear.gather [spmem:s13], $0x80, $0x38;
	[tilespmem:$0xA280] =	vst v63  }
0xf9: {  	s2 =	simm.s32 $0x7600  }
0xfa: {  	[tilespmem:s2], [sflag:$0x1] =	stream.linear.gather [spmem:s14], $0x80, $0x38;
	[tilespmem:$0xA280] =	vst v63  }
0xfb: {  	_ =	swait.ge [sflag:s28], $0x280  }
0xfc: {  	[sflag:s28] =	ssyncset.done $0x0  }
0xfd: {  	s4 =	simm.s32 $0x6680;
	s3 =	rddreg [dreg:$0x11];
	[sflag:s28] =	ssyncadd.s32 $0xFFFFFD80  }
0xfe: {  	[tilespmem:s4], [sflag:$0x1] =	stream.linear.gather [spmem:s3], $0x80, $0x38;
	[tilespmem:$0xA280] =	vst v63  }
0xff: {  	s1 =	simm.s32 $0x6A80  }
0x100: {  	[tilespmem:s1], [sflag:$0x1] =	stream.linear.gather [spmem:s15], $0x80, $0x38;
	[tilespmem:$0xA280] =	vst v63  }
0x101: {  	s2 =	simm.s32 $0x6E80  }
0x102: {  	[tilespmem:s2], [sflag:$0x1] =	stream.linear.gather [spmem:s16], $0x80, $0x38;
	[tilespmem:$0xA280] =	vst v63  }
0x103: {  	s3 =	simm.s32 $0x7280  }
0x104: {  	[tilespmem:s3], [sflag:$0x1] =	stream.linear.gather [spmem:s17], $0x80, $0x38;
	[tilespmem:$0xA280] =	vst v63  }
0x105: {  	s4 =	simm.s32 $0x7680  }
0x106: {  	[tilespmem:s4], [sflag:$0x1] =	stream.linear.gather [spmem:s18], $0x80, $0x38;
	[tilespmem:$0xA280] =	vst v63  }
0x107: {  	_ =	swait.ge [sflag:s28], $0x280  }
0x108: {  	[sflag:s28] =	ssyncset.done $0x0  }
0x109: {  	s2 =	simm.s32 $0x6700;
	s1 =	rddreg [dreg:$0x12];
	[sflag:s28] =	ssyncadd.s32 $0xFFFFFD80  }
0x10a: {  	[tilespmem:s2], [sflag:$0x1] =	stream.linear.gather [spmem:s1], $0x80, $0x38;
	[tilespmem:$0xA280] =	vst v63  }
0x10b: {  	s3 =	simm.s32 $0x6B00  }
0x10c: {  	[tilespmem:s3], [sflag:$0x1] =	stream.linear.gather [spmem:s19], $0x80, $0x38;
	[tilespmem:$0xA280] =	vst v63  }
0x10d: {  	s4 =	simm.s32 $0x6F00  }
0x10e: {  	[tilespmem:s4], [sflag:$0x1] =	stream.linear.gather [spmem:s20], $0x80, $0x38;
	[tilespmem:$0xA280] =	vst v63  }
0x10f: {  	s1 =	simm.s32 $0x7300  }
0x110: {  	[tilespmem:s1], [sflag:$0x1] =	stream.linear.gather [spmem:s21], $0x80, $0x38;
	[tilespmem:$0xA280] =	vst v63  }
0x111: {  	s2 =	simm.s32 $0x7700  }
0x112: {  	[tilespmem:s2], [sflag:$0x1] =	stream.linear.gather [spmem:s22], $0x80, $0x38;
	[tilespmem:$0xA280] =	vst v63  }
0x113: {  	_ =	swait.ge [sflag:s28], $0x280  }
0x114: {  	[sflag:s28] =	ssyncset.done $0x0  }
0x115: {  	s4 =	simm.s32 $0x6780;
	s3 =	rddreg [dreg:$0x13];
	[sflag:s28] =	ssyncadd.s32 $0xFFFFFD80  }
0x116: {  	[tilespmem:s4], [sflag:$0x1] =	stream.linear.gather [spmem:s3], $0x80, $0x38;
	[tilespmem:$0xA280] =	vst v63  }
0x117: {  	s2 =	simm.s32 $0x6B80  }
0x118: {  	[tilespmem:s2], [sflag:$0x1] =	stream.linear.gather [spmem:s23], $0x80, $0x38;
	[tilespmem:$0xA280] =	vst v63  }
0x119: {  	s3 =	simm.s32 $0x6F80  }
0x11a: {  	[tilespmem:s3], [sflag:$0x1] =	stream.linear.gather [spmem:s24], $0x80, $0x38;
	[tilespmem:$0xA280] =	vst v63  }
0x11b: {  	s4 =	simm.s32 $0x7380  }
0x11c: {  	[tilespmem:s4], [sflag:$0x1] =	stream.linear.gather [spmem:s25], $0x80, $0x38;
	[tilespmem:$0xA280] =	vst v63  }
0x11d: {  	s1 =	simm.s32 $0x7780  }
0x11e: {  	[tilespmem:s1], [sflag:$0x1] =	stream.linear.gather [spmem:s26], $0x80, $0x38;
	[tilespmem:$0xA280] =	vst v63  }
0x11f: {  	s2 =	simm.s32 $0x0;
	_ =	swait.ge [sflag:s28], $0x280  }
0x120: {  	s0 =	sand.u32 $0x1C00, s2;
	s3 =	sand.u32 $0x70, s2;
	[sflag:s28] =	ssyncset.done $0x0  }
0x121: {  	s0 =	sor.u32 s3, s0;
	[sflag:s28] =	ssyncadd.s32 $0xFFFFFD80  }
0x122: {  	v2 =	vld [tilespmem:s0+$0x5080]  }
0x123: {  	v3 =	vld [tilespmem:s0+$0x5000];
	_ =	sdelay $0x1  }
0x124: {  	v4 =	vld [tilespmem:s0+$0x5100];
	_ =	sdelay $0x1  }
0x125: {  	v5 =	vld [tilespmem:s0+$0x5180]  }
0x126: {  	v2 =	vadd.f32 v2, v3  }
0x127: {  	v3 =	vld [tilespmem:s0+$0x5200]  }
0x128: {  	v2 =	vadd.f32 v4, v2  }
0x129: {  	v56 =	vld [tilespmem:s0+$0x5280]  }
0x12a: {  	v2 =	vadd.f32 v5, v2  }
0x12b: {  	v57 =	vld [tilespmem:s0+$0x5300]  }
0x12c: {  	v2 =	vadd.f32 v3, v2  }
0x12d: {  	v3 =	vld [tilespmem:s0+$0x5380]  }
0x12e: {  	v2 =	vadd.f32 v56, v2  }
0x12f: {  	v58 =	vld [tilespmem:s0+$0x6400]  }
0x130: {  	v2 =	vadd.f32 v57, v2  }
0x131: {  	v59 =	vld [tilespmem:s0+$0x6480]  }
0x132: {  	v2 =	vadd.f32 v3, v2  }
0x133: {  	v3 =	vld [tilespmem:s0+$0x6500]  }
0x134: {  	v2 =	vadd.f32 v58, v2  }
0x135: {  	v60 =	vld [tilespmem:s0+$0x6580]  }
0x136: {  	v2 =	vadd.f32 v59, v2  }
0x137: {  	v61 =	vld [tilespmem:s0+$0x6600]  }
0x138: {  	v2 =	vadd.f32 v3, v2  }
0x139: {  	v3 =	vld [tilespmem:s0+$0x6680]  }
0x13a: {  	v2 =	vadd.f32 v60, v2  }
0x13b: {  	v62 =	vld [tilespmem:s0+$0x6700]  }
0x13c: {  	v2 =	vadd.f32 v61, v2  }
0x13d: {  	v63 =	vld [tilespmem:s0+$0x6780]  }
0x13e: {  	v2 =	vadd.f32 v3, v2;
	_ =	sdelay $0x1  }
0x13f: {  	v2 =	vadd.f32 v62, v2;
	_ =	sdelay $0x1  }
0x140: {  	s2 =	simm.s32 $0x80;
	s4 =	simm.s32 $0x10;
	v2 =	vadd.f32 v63, v2  }
0x141: {  	s3 =	sand.u32 $0x1C00, s2;
	s1 =	simm.s32 $0x7800;
	s0 =	sand.u32 $0x70, s4  }
0x142: {  	s0 =	sor.u32 s0, s3;
	s3 =	simm.s32 $0x20;
	[tilespmem:s1+$0x0] =	vst v2  }
.LBB2_6:
0x143: {  	p0 =	sne.s32 s3, $0x270;
	v2 =	vld [tilespmem:s0+$0x5080]  }
0x144: {  	v3 =	vld [tilespmem:s0+$0x5000];
	_ =	sdelay $0x1  }
0x145: {  	v4 =	vld [tilespmem:s0+$0x5100];
	_ =	sdelay $0x1  }
0x146: {  	v5 =	vld [tilespmem:s0+$0x5180]  }
0x147: {  	v2 =	vadd.f32 v2, v3  }
0x148: {  	v3 =	vld [tilespmem:s0+$0x5200]  }
0x149: {  	v2 =	vadd.f32 v4, v2  }
0x14a: {  	v4 =	vld [tilespmem:s0+$0x5280]  }
0x14b: {  	v2 =	vadd.f32 v5, v2  }
0x14c: {  	v5 =	vld [tilespmem:s0+$0x5300]  }
0x14d: {  	v2 =	vadd.f32 v3, v2  }
0x14e: {  	v3 =	vld [tilespmem:s0+$0x5380]  }
0x14f: {  	v2 =	vadd.f32 v4, v2  }
0x150: {  	v4 =	vld [tilespmem:s0+$0x6400]  }
0x151: {  	v2 =	vadd.f32 v5, v2  }
0x152: {  	v5 =	vld [tilespmem:s0+$0x6480]  }
0x153: {  	v2 =	vadd.f32 v3, v2  }
0x154: {  	v3 =	vld [tilespmem:s0+$0x6500]  }
0x155: {  	v2 =	vadd.f32 v4, v2  }
0x156: {  	v4 =	vld [tilespmem:s0+$0x6580]  }
0x157: {  	v2 =	vadd.f32 v5, v2  }
0x158: {  	v5 =	vld [tilespmem:s0+$0x6600]  }
0x159: {  	v2 =	vadd.f32 v3, v2  }
0x15a: {  	v3 =	vld [tilespmem:s0+$0x6680]  }
0x15b: {  	v2 =	vadd.f32 v4, v2  }
0x15c: {  	v4 =	vld [tilespmem:s0+$0x6700]  }
0x15d: {  	v2 =	vadd.f32 v5, v2  }
0x15e: {  	v5 =	vld [tilespmem:s0+$0x6780]  }
0x15f: {  	v2 =	vadd.f32 v3, v2;
	_ =	sdelay $0x1  }
.Ltmp2:
0x160: {  	v2 =	vadd.f32 v4, v2;
	(pc) =	sbr.rel @p0 .LBB2_6-.Ltmp2, $4  }
0x161: {  	_ = 	snop  }
0x162: {  	s2 =	sadd.s32 $0x80, s2;
	v2 =	vadd.f32 v5, v2  }
0x163: {  	s1 =	sadd.s32 $0x10, s1;
	s4 =	sand.u32 $0x1C00, s2;
	s0 =	sand.u32 $0x70, s3  }
0x164: {  	s3 =	sadd.s32 $0x10, s3;
	s0 =	sor.u32 s0, s4;
	[tilespmem:s1+$0x0] =	vst v2  }
0x165: {  	v2 =	vld [tilespmem:s0+$0x5080]  }
0x166: {  	v3 =	vld [tilespmem:s0+$0x5000];
	_ =	sdelay $0x1  }
0x167: {  	v4 =	vld [tilespmem:s0+$0x5100];
	_ =	sdelay $0x1  }
0x168: {  	v5 =	vld [tilespmem:s0+$0x5180]  }
0x169: {  	v2 =	vadd.f32 v2, v3  }
0x16a: {  	v3 =	vld [tilespmem:s0+$0x5200]  }
0x16b: {  	v2 =	vadd.f32 v4, v2  }
0x16c: {  	v56 =	vld [tilespmem:s0+$0x5280]  }
0x16d: {  	v2 =	vadd.f32 v5, v2  }
0x16e: {  	v57 =	vld [tilespmem:s0+$0x5300]  }
0x16f: {  	v2 =	vadd.f32 v3, v2  }
0x170: {  	v3 =	vld [tilespmem:s0+$0x5380]  }
0x171: {  	v2 =	vadd.f32 v56, v2  }
0x172: {  	v58 =	vld [tilespmem:s0+$0x6400]  }
0x173: {  	v2 =	vadd.f32 v57, v2  }
0x174: {  	v59 =	vld [tilespmem:s0+$0x6480]  }
0x175: {  	v2 =	vadd.f32 v3, v2  }
0x176: {  	v3 =	vld [tilespmem:s0+$0x6500]  }
0x177: {  	v2 =	vadd.f32 v58, v2  }
0x178: {  	v60 =	vld [tilespmem:s0+$0x6580]  }
0x179: {  	v2 =	vadd.f32 v59, v2  }
0x17a: {  	v61 =	vld [tilespmem:s0+$0x6600]  }
0x17b: {  	v2 =	vadd.f32 v3, v2  }
0x17c: {  	v3 =	vld [tilespmem:s0+$0x6680]  }
0x17d: {  	v2 =	vadd.f32 v60, v2  }
0x17e: {  	v62 =	vld [tilespmem:s0+$0x6700]  }
0x17f: {  	v2 =	vadd.f32 v61, v2  }
0x180: {  	v63 =	vld [tilespmem:s0+$0x6780]  }
0x181: {  	v2 =	vadd.f32 v3, v2;
	_ =	sdelay $0x1  }
0x182: {  	v2 =	vadd.f32 v62, v2;
	_ =	sdelay $0x1  }
0x183: {  	v2 =	vadd.f32 v63, v2  }
0x184: {  	s4 =	sadd.s32 $0x10, s1  }
0x185: {  	s1 =	rddreg [dreg:$0x14];
	s3 =	simm.s32 $0x100;
	s2 =	simm.s32 $0x7800;
	[tilespmem:s4+$0x0] =	vst v2  }
0x186: {  	[hbm4b:s1+s30] =	stream.strided.scatter [tilespmem:s2], [sflag:$0x1], $0x280, s3, s30, $0x38;
	[tilespmem:$0xA280] =	vst v63  }
0x187: {  	_ =	swait.ge [sflag:s28], $0x280  }
0x188: {  	s31 =	sadd.s32 $0x1, s31;
	s4 =	rddreg [dreg:$0x15]  }
0x189: {  	p0 =	sne.s32 s31, s4  }
.Ltmp3:
0x18a: {  	_ = 	snop;
	(pc) =	sbr.rel @p0 .LBB2_1-.Ltmp3, $3  }
0x18b: {  	_ =	sdelay $0x1  }
0x18c: {  	[sflag:s28] =	ssyncset.done $0x0  }
0x18d: {  	[sflag:s28] =	ssyncadd.s32 $0xFFFFFD80  }
0x18e: {  	_ =	sfence.sel $0x180000  }
0x18f: {  	[bflag:$0x0] =	sbarrier.arrive $0xFFFF  }
0x190: {  	_ =	strace $0x90000047  }
0x191: {  	s0 =	stileid.u32;
	[bflag:$0x2] =	sbarrier.arrive $0xFFFF  }
0x192: {  	p0 =	sne.s32 s0, $0x0;
	s0 =	rddreg [dreg:$0x2]  }
0x193: {  	s0 =	sadd.s32 @!p0 $0x100000, s0  }
0x194: {  	[sflag:s0] =	ssyncadd.tile.s32 @!p0 $0x1;
	_ =	shalt  }
.Lfunc_end2:
_tile_overlayer_lowered:
.L_overlay_start_2:
0x195: {  	(tag) =	ssettag $0x2  }
0x196: {  	s0 =	rddreg [dreg:$0x0];
	s2 =	stileid.u32  }
0x197: {  	s1 =	rddreg [dreg:$0x1];
	p0 =	sne.s32 s2, $0x0  }
0x198: {  	s3 =	rddreg [dreg:$0x2];
	[bflag:$0x3] =	sbarrier.arrive $0xFFFF;
	s2 =	simm.s32 @!p0 $0x1C01  }
0x199: {  	[timem:s3], [sflag:s2] =	dma.local @!p0 [hbm:s0], s1  }
0x19a: {  	s0 =	simm.s32 @!p0 $0x1  }
0x19b: {  	_ =	swait.ge @!p0 [sflag:s0], s1  }
0x19c: {  	s1 =	ssub.s32 @!p0 $0x0, s1;
	[sflag:s0] =	ssyncset.done @!p0 $0x0  }
0x19d: {  	[sflag:s0] =	ssyncadd.s32 @!p0 s1  }
0x19e: {  	[bflag:$0x3] =	sbarrier.arrive $0xFFFF  }
0x19f: {  	_ =	shalt  }

// kernel: kernel.9.cloned.1.call-start
scs
__scs_entry_jumppad:
0x0: {  	(pc) =	sbr.rel $0x88, $3  }
0x1: {  	(tag) =	ssettag $0x0;
	lr =	simm.s32 $0x1  }
0x2: {  	[smem:$0x3F9C] =	sst lr;
	_ =	strace $0xD0000000  }
0x3: {  	_ = 	snop  }
0x4: {  	_ = 	snop  }
0x5: {  	_ = 	snop  }
0x6: {  	_ = 	snop  }
0x7: {  	_ = 	snop  }
__scs_overlays_trampoline_lowered:
0x8: {  	[smem:$0x3FAB] =	sst s0  }
0x9: {  	[smem:$0x3FAC] =	sst s1  }
0xa: {  	[smem:$0x3FAD] =	sst s2  }
0xb: {  	[smem:$0x3FAE] =	sst s3  }
0xc: {  	[smem:$0x3FAF] =	sst s4  }
0xd: {  	[smem:$0x3FB0] =	sst s5  }
0xe: {  	[smem:$0x3FB1] =	sst s6  }
0xf: {  	[smem:$0x3FB2] =	sst s7  }
0x10: {  	[smem:$0x3FB3] =	sst s8  }
0x11: {  	[smem:$0x3FB4] =	sst s9;
	s0 =	simm.s32 @!p0 $0x0  }
0x12: {  	s1 =	sld [smem:$0x3F9A];
	s0 =	simm.s32 @p0 $0x1  }
0x13: {  	[smem:$0x3FB5] =	sst s0;
	s0 =	simm.s32 @!p1 $0x0  }
0x14: {  	s2 =	sld [smem:$0x3F99];
	s0 =	simm.s32 @p1 $0x1  }
0x15: {  	[smem:$0x3FB6] =	sst s0;
	s0 =	simm.s32 @!p2 $0x0  }
0x16: {  	s3 =	sld [smem:$0x3FDB];
	s0 =	simm.s32 @p2 $0x1  }
0x17: {  	s4 =	simm.s32 $0x1BF5;
	[smem:$0x3FB8] =	sst s0  }
0x18: {  	s0 =	sld [smem:$0x3F9B];
	_ =	swait.ge [sflag:s4], $0x0  }
0x19: {  	s7 =	sld [smem:$0x3F9C]  }
0x1a: {  	s8 =	sadd.s32 $0xFFFFE003, lr  }
0x1b: {  	s9 =	sadd.s32 $0xFFFFFEF7, lr;
	s5 =	simm.s32 $0xFFFFFFFF;
	p2 =	slt.u32 s8, $0xFFFFF086  }
0x1c: {  	p1 =	slt.u32 s9, $0xF7A;
	s5 =	simm.s32 @!p2 $0x0  }
0x1d: {  	s5 =	simm.s32 @p1 $0x1;
	p0 =	seq.s32 s7, s2  }
0x1e: {  	s7 =	smul.u32 @!p0 $0xF7A, s2;
	p2 =	seq.s32 @!p0 s5, $0x0  }
0x1f: {  	s9 =	smul.u32 $0xF7A, s1;
	s8 =	simm.s32 @!p0 $0x1BF5;
	p2 =	por !p2, p0  }
0x20: {  	[sflag:s8] =	ssyncset.s32 @!p0 $0xFFFFF086;
	s6 =	sadd.s32 @!p0 s3, s7;
	s7 =	simm.s32 @!p0 $0x108  }
0x21: {  	s3 =	sadd.s32 s3, s9;
	s6 =	sadd.s32 @!p0 $0x88, s6;
	s7 =	simm.s32 @p2 $0x1082  }
0x22: {  	[simem:s7], [sflag:s8] =	dma.local @!p0 [hbm:s6], $0xF7A  }
0x23: {  	s9 =	sor.u32 $0xD0000000, s2;
	s6 =	simm.s32 $0x108;
	_ =	swait.ge @!p0 [sflag:s8], $0x0  }
0x24: {  	s3 =	sadd.s32 $0x88, s3;
	s6 =	simm.s32 @!p1 $0x1082;
	[sflag:s4] =	ssyncset.s32 $0xFFFFF086  }
0x25: {  	[simem:s6], [sflag:s4] =	dma.local [hbm:s3], $0xF7A  }
0x26: {  	[smem:$0x3F9C] =	sst s1;
	(tag) =	ssettag s2;
	_ =	strace s9  }
0x27: {  	s1 =	sld [smem:$0x3FAC]  }
0x28: {  	s2 =	sld [smem:$0x3FAD]  }
0x29: {  	s4 =	sld [smem:$0x3FAF]  }
0x2a: {  	p0 =	seq.s32 s5, $0x0;
	s5 =	sld [smem:$0x3FB0]  }
0x2b: {  	s6 =	sld [smem:$0x3FB1]  }
0x2c: {  	s7 =	sld [smem:$0x3FB2]  }
0x2d: {  	s3 =	simm.s32 $0x108;
	s8 =	sld [smem:$0x3FB3]  }
0x2e: {  	s3 =	simm.s32 @!p0 $0x1082;
	s9 =	sld [smem:$0x3FB4]  }
0x2f: {  	lr =	sadd.s32 s0, s3;
	s0 =	sld [smem:$0x3FAB]  }
0x30: {  	s3 =	sld [smem:$0x3FAE]  }
0x31: {  	[smem:$0x3FB7] =	sst s10  }
0x32: {  	s10 =	sld [smem:$0x3FB5];
	_ =	sdelay $0x3  }
0x33: {  	p0 =	seq.s32 s10, $0x1;
	s10 =	sld [smem:$0x3FB7];
	_ =	sdelay $0x3  }
0x34: {  	[smem:$0x3FB7] =	sst s10  }
0x35: {  	s10 =	sld [smem:$0x3FB6];
	_ =	sdelay $0x3  }
0x36: {  	p1 =	seq.s32 s10, $0x1;
	s10 =	sld [smem:$0x3FB7];
	_ =	sdelay $0x3  }
0x37: {  	[smem:$0x3FB7] =	sst s10  }
0x38: {  	s10 =	sld [smem:$0x3FB8]  }
0x39: {  	_ = 	snop;
	(pc) =	sbr.ind lr, $3  }
0x3a: {  	_ = 	snop  }
0x3b: {  	_ = 	snop  }
0x3c: {  	p2 =	seq.s32 s10, $0x1;
	s10 =	sld [smem:$0x3FB7]  }
0x3d: {  	_ =	shalt  }
0x3e: {  	_ =	shalt  }
0x3f: {  	_ =	shalt  }
0x40: {  	_ =	shalt  }
0x41: {  	_ =	shalt  }
0x42: {  	_ =	shalt  }
0x43: {  	_ =	shalt  }
0x44: {  	_ =	shalt  }
0x45: {  	_ =	shalt  }
0x46: {  	_ =	shalt  }
0x47: {  	_ =	shalt  }
0x48: {  	_ =	shalt  }
0x49: {  	_ =	shalt  }
0x4a: {  	_ =	shalt  }
0x4b: {  	_ =	shalt  }
0x4c: {  	_ =	shalt  }
0x4d: {  	_ =	shalt  }
0x4e: {  	_ =	shalt  }
0x4f: {  	_ =	shalt  }
0x50: {  	_ =	shalt  }
0x51: {  	_ =	shalt  }
0x52: {  	_ =	shalt  }
0x53: {  	_ =	shalt  }
0x54: {  	_ =	shalt  }
0x55: {  	_ =	shalt  }
0x56: {  	_ =	shalt  }
0x57: {  	_ =	shalt  }
0x58: {  	_ =	shalt  }
0x59: {  	_ =	shalt  }
0x5a: {  	_ =	shalt  }
0x5b: {  	_ =	shalt  }
0x5c: {  	_ =	shalt  }
0x5d: {  	_ =	shalt  }
0x5e: {  	_ =	shalt  }
0x5f: {  	_ =	shalt  }
0x60: {  	_ =	shalt  }
0x61: {  	_ =	shalt  }
0x62: {  	_ =	shalt  }
0x63: {  	_ =	shalt  }
0x64: {  	_ =	shalt  }
0x65: {  	_ =	shalt  }
0x66: {  	_ =	shalt  }
0x67: {  	_ =	shalt  }
0x68: {  	_ =	shalt  }
0x69: {  	_ =	shalt  }
0x6a: {  	_ =	shalt  }
0x6b: {  	_ =	shalt  }
0x6c: {  	_ =	shalt  }
0x6d: {  	_ =	shalt  }
0x6e: {  	_ =	shalt  }
0x6f: {  	_ =	shalt  }
0x70: {  	_ =	shalt  }
0x71: {  	_ =	shalt  }
0x72: {  	_ =	shalt  }
0x73: {  	_ =	shalt  }
0x74: {  	_ =	shalt  }
0x75: {  	_ =	shalt  }
0x76: {  	_ =	shalt  }
0x77: {  	_ =	shalt  }
0x78: {  	_ =	shalt  }
0x79: {  	_ =	shalt  }
0x7a: {  	_ =	shalt  }
0x7b: {  	_ =	shalt  }
0x7c: {  	_ =	shalt  }
0x7d: {  	_ =	shalt  }
0x7e: {  	_ =	shalt  }
0x7f: {  	_ =	shalt  }
0x80: {  	_ =	shalt  }
0x81: {  	_ =	shalt  }
0x82: {  	_ =	shalt  }
0x83: {  	_ =	shalt  }
0x84: {  	_ =	shalt  }
0x85: {  	_ =	shalt  }
0x86: {  	_ =	shalt  }
0x87: {  	_ =	shalt  }
.Lfunc_end0:
.L_simem_size_0:
called_computation.1_lowered:
.L_overlay_start_0:
0x88: {  	s2 =	sld [smem:$0x3FD9]  }
0x89: {  	s3 =	sld [smem:$0x3FFE];
	_ =	sdelay $0x1  }
0x8a: {  	s1 =	srdreg.scid  }
0x8b: {  	s0 =	sand.u32 $0x1, s1  }
0x8c: {  	s17 =	sshll.u32 s0, $0xA;
	s2 =	sadd.s32 s3, s2  }
0x8d: {  	s2 =	sadd.s32 s2, s17  }
0x8e: {  	[smem:$0x3FC3] =	sst s2  }
0x8f: {  	_ = 	snop  }
0x90: {  	s2 =	sld [smem:$0x3FD0];
	(tm) =	ssettm $0x1  }
0x91: {  	s18 =	sld [smem:$0x3FFB];
	_ =	sdelay $0x3  }
0x92: {  	_ =	strace s18  }
0x93: {  	s3 =	sld [smem:$0x3FFC];
	_ =	sdelay $0x3  }
0x94: {  	_ =	strace s3  }
0x95: {  	s3 =	sld [smem:$0x3FFD];
	_ =	sdelay $0x3  }
0x96: {  	_ =	strace s3  }
0x97: {  	_ =	strace $0x8FFFFFFF  }
0x98: {  	s19 =	sld [smem:$0x3FDB];
	_ =	sdelay $0x1  }
0x99: {  	s4 =	simm.s32 $_scs_section_size  }
0x9a: {  	s5 =	simm.s32 $_size__tile_overlayer_lowered;
	s6 =	simm.s32 $_tile_overlayer_lowered  }
0x9b: {  	s22 =	simm.s32 $0x1BFF;
	s21 =	sshll.u32 s6, $0x1;
	s3 =	sadd.s32 s4, s19  }
0x9c: {  	s7 =	simm.s32 $0x0;
	s20 =	sshll.u32 s5, $0x1;
	s5 =	sadd.s32 s21, s3  }
0x9d: {  	[timem:s7], [sflag:s22] =	dma.local [hbm:s5], s20  }
0x9e: {  	_ =	swait.ge [sflag:s22], s20  }
0x9f: {  	s4 =	ssub.s32 $0x0, s20;
	[sflag:s22] =	ssyncset.done $0x0  }
0xa0: {  	[sflag:s22] =	ssyncadd.s32 s4;
	_ =	sdelay $0x1  }
0xa1: {  	s23 =	simm.s32 $0x1B8B  }
0xa2: {  	_ =	swait.ge [sflag:s23], $0x1  }
0xa3: {  	[sflag:s23] =	ssyncset.done $0x0  }
0xa4: {  	s25 =	simm.s32 $0x1B8E;
	s24 =	sld [smem:$0x3FFE];
	[sflag:s23] =	ssyncadd.s32 $0xFFFFFFFF  }
0xa5: {  	s26 =	simm.s32 $execute0_lowered;
	[smem:$0x3FD2] =	sst s25  }
0xa6: {  	s5 =	sshll.u32 s26, $0x1;
	_ =	strace $0x80000049;
	[dreg:$0x1] =	wrdreg $0xFFFFFFFF  }
0xa7: {  	s28 =	simm.s32 $_size_execute0_lowered;
	s3 =	sadd.s32 s3, s5;
	[dreg:$0x0] =	wrdreg $0x0  }
0xa8: {  	s5 =	sshll.u32 s28, $0x1;
	[dreg:$0x2] =	wrdreg s3  }
0xa9: {  	[dreg:$0x3] =	wrdreg s5  }
0xaa: {  	[dreg:$0x4] =	wrdreg $0xC0  }
0xab: {  	_ =	task [dreg:s7], $0x5FFFF  }
0xac: {  	[dreg:$0x1] =	wrdreg $0xFFFFFFFF  }
0xad: {  	[dreg:$0x0] =	wrdreg $0x60  }
0xae: {  	[dreg:$0x2] =	wrdreg s2  }
0xaf: {  	[dreg:$0x3] =	wrdreg s24  }
0xb0: {  	[dreg:$0x4] =	wrdreg $0x120000  }
0xb1: {  	[dreg:$0x5] =	wrdreg $0x9  }
0xb2: {  	_ =	task.clear_ibuf [dreg:s7], $0x6FFFF;
	_ =	strace $0x90000049  }
0xb3: {  	s29 =	simm.s32 $0x9;
	_ =	strace $0x8000004B  }
0xb4: {  	_ =	swait.ge [sflag:s29], $0x1  }
0xb5: {  	[sflag:s29] =	ssyncadd.s32 $0xFFFFFFFF  }
0xb6: {  	_ =	strace $0x9000004B  }
0xb7: {  	_ =	sfence  }
0xb8: {  	s30 =	sld [smem:$0x0];
	_ =	sdelay $0x2  }
0xb9: {  	s31 =	sshll.u32 s1, $0xD;
	s1 =	sshrl.u32 s1, $0x2  }
0xba: {  	s3 =	sand.u32 $0x4000, s31;
	s1 =	sadd.s32 s1, s30  }
0xbb: {  	s0 =	sor.u32 s3, s0;
	s1 =	sshll.u32 s1, $0x11  }
0xbc: {  	s0 =	sor.u32 s1, s0  }
0xbd: {  	s0 =	sadd.s32 $0x8F2B, s0  }
0xbe: {  	[sflag:s0] =	ssyncadd.remote.s32 $0x1  }
0xbf: {  	_ =	sfence.sel $0xFFFF  }
0xc0: {  	[dreg:$0x0] =	wrdreg $0xFFFFFFFF;
	(pc) =	sbr.abs _section_cstart, $3  }
0xc1: {  	[dreg:$0x1] =	wrdreg $0xFFFFFFFF  }
0xc2: {  	_ =	task.clear_ibuf [dreg:s7], $0x2FFFF;
	_ =	strace $0x9FFFFFFF  }
0xc3: {  	(tm) =	ssettm $0x7FFFFFFF  }
tec
execute0_lowered:
.L_overlay_start_1:
0x0: {  	(tag) =	ssettag $0x1  }
0x1: {  	s1 =	rddreg [dreg:$0x0]  }
0x2: {  	s4 =	rddreg [dreg:$0x1];
	s0 =	stileid.u32  }
0x3: {  	s3 =	srdreg.scid;
	s2 =	rddreg [dreg:$0x2]  }
0x4: {  	s15 =	simm.s32 $0x5000;
	s16 =	simm.s32 $0xA000;
	s17 =	simm.s32 $0x80  }
0x5: {  	s18 =	simm.s32 $0xC000;
	s19 =	simm.s32 $0x100;
	s20 =	simm.s32 $0xE000  }
0x6: {  	s21 =	simm.s32 $0x180;
	s22 =	simm.s32 $0x10000;
	s23 =	simm.s32 $0x1  }
0x7: {  	s24 =	simm.s32 $0x2;
	s28 =	simm.s32 $0x9F00;
	s5 =	smul.u32 $0xA00, s0  }
0x8: {  	s29 =	simm.s32 $0x9F80;
	s30 =	simm.s32 $0x0;
	s8 =	smul.u32 $0xA000, s0  }
0x9: {  	s6 =	sand.u32 $0x1, s3;
	s3 =	simm.s32 $0x0;
	s11 =	smul.u32 $0x28000, s0  }
0xa: {  	s7 =	smul.u32 $0xA0000, s6;
	[smem:$0x7FF] =	sst s3;
	s6 =	ssub.s32 $0x2, s6  }
0xb: {  	_ =	strace $0x8000004A;
	s9 =	sadd.s32 s5, s4;
	s25 =	sshrl.u32 s6, $0x1  }
0xc: {  	s26 =	sshrl.u32 s11, $0x2;
	s10 =	sshrl.u32 s7, $0x3;
	s7 =	sadd.s32 s8, s7  }
0xd: {  	s14 =	ssub.s32 s6, s25;
	s31 =	sadd.s32 s26, s2;
	s6 =	sadd.s32 s8, s2  }
0xe: {  	s25 =	simm.s32 $0x9E00;
	s26 =	simm.s32 $0x9E80;
	s12 =	sadd.s32 s10, s4  }
0xf: {  	s7 =	sshrl.u32 s7, $0x3;
	s8 =	sadd.s32 $0x4000, s31;
	s10 =	sadd.s32 $0x8000, s31  }
0x10: {  	s13 =	sadd.s32 s7, s4;
	s4 =	sadd.s32 s1, s5;
	s5 =	sadd.s32 $0x1000, s9  }
0x11: {  	s7 =	sadd.s32 $0x2000, s31;
	s9 =	sadd.s32 $0x6000, s31;
	s11 =	sadd.s32 $0xBC00, s12  }
0x12: {  	v0 =	vimm.f32 $0.0e+00;
	s12 =	sadd.s32 $0x33C00, s13;
	s13 =	smax.u32 s14, $0x1;
	s14 =	simm.s32 $0x3  }
.LBB2_1:
0x13: {  	[tilespmem:s3], [sflag:$0x3] =	stream.linear.gather [hbm4b:s4+s3], $0x5000, $0x38;
	[tilespmem:$0x1C000] =	vst v63  }
0x14: {  	_ =	swait.ge [sflag:s14], $0x5000  }
0x15: {  	[sflag:s14] =	ssyncset.done $0x0  }
0x16: {  	[sflag:s14] =	ssyncadd.s32 $0xFFFFB000  }
0x17: {  	[tilespmem:s15], [sflag:$0x3] =	stream.linear.gather [hbm4b:s5+s3], $0x5000, $0x38;
	[tilespmem:$0x1C000] =	vst v63  }
0x18: {  	_ =	swait.ge [sflag:s14], $0x5000  }
0x19: {  	[sflag:s14] =	ssyncset.done $0x0  }
0x1a: {  	s31 =	simm.s32 $0x100;
	s1 =	simm.s32 $0x0;
	[sflag:s14] =	ssyncadd.s32 $0xFFFFB000  }
.LBB2_2:
0x1b: {  	p0 =	sne.s32 s31, $0x7F00;
	[tilespmem:s1+$0xA030] =	vst v0;
	s0 =	smov.u32 s31;
	s31 =	sadd.s32 $0x100, s31  }
.Ltmp0:
0x1c: {  	[tilespmem:s1+$0xA020] =	vst v0;
	(pc) =	sbr.rel @p0 .LBB2_2-.Ltmp0, $3  }
0x1d: {  	[tilespmem:s1+$0xA000] =	vst v0  }
0x1e: {  	[tilespmem:s1+$0xA010] =	vst v0;
	_ =	sdelay $0x1  }
0x1f: {  	s1 =	sshra.s32 s0, $0x2  }
0x20: {  	[tilespmem:s1+$0xA030] =	vst v0  }
0x21: {  	[tilespmem:s1+$0xA020] =	vst v0  }
0x22: {  	[tilespmem:s1+$0xA000] =	vst v0  }
0x23: {  	[tilespmem:s1+$0xA010] =	vst v0  }
0x24: {  	[spmem:s6] =	stream.linear.scatter [tilespmem:s16], [sflag:$0x3], $0x2000, $0x38;
	[tilespmem:$0x1C000] =	vst v63  }
0x25: {  	_ =	swait.ge [sflag:s14], $0x2000  }
0x26: {  	[sflag:s14] =	ssyncset.done $0x0  }
0x27: {  	[sflag:s14] =	ssyncadd.s32 $0xFFFFE000  }
0x28: {  	[spmem:s7] =	stream.linear.scatter [tilespmem:s16], [sflag:$0x3], $0x2000, $0x38;
	[tilespmem:$0x1C000] =	vst v63  }
0x29: {  	_ =	swait.ge [sflag:s14], $0x2000  }
0x2a: {  	[sflag:s14] =	ssyncset.done $0x0  }
0x2b: {  	[sflag:s14] =	ssyncadd.s32 $0xFFFFE000  }
0x2c: {  	[spmem:s8] =	stream.linear.scatter [tilespmem:s16], [sflag:$0x3], $0x2000, $0x38;
	[tilespmem:$0x1C000] =	vst v63  }
0x2d: {  	_ =	swait.ge [sflag:s14], $0x2000  }
0x2e: {  	[sflag:s14] =	ssyncset.done $0x0  }
0x2f: {  	[sflag:s14] =	ssyncadd.s32 $0xFFFFE000  }
0x30: {  	[spmem:s9] =	stream.linear.scatter [tilespmem:s16], [sflag:$0x3], $0x2000, $0x38;
	[tilespmem:$0x1C000] =	vst v63  }
0x31: {  	_ =	swait.ge [sflag:s14], $0x2000  }
0x32: {  	[sflag:s14] =	ssyncset.done $0x0  }
0x33: {  	[sflag:s14] =	ssyncadd.s32 $0xFFFFE000  }
0x34: {  	[spmem:s10] =	stream.linear.scatter [tilespmem:s16], [sflag:$0x3], $0x2000, $0x38;
	[tilespmem:$0x1C000] =	vst v63  }
0x35: {  	_ =	swait.ge [sflag:s14], $0x2000  }
0x36: {  	[sflag:s14] =	ssyncset.done $0x0  }
0x37: {  	[sflag:s14] =	ssyncadd.s32 $0xFFFFE000  }
0x38: {  	s0 =	simm.s32 $0x0;
	[bflag:$0x0] =	sbarrier.arrive $0xFFFF  }
0x39: {  	[tilespmem:s16], [sflag:$0x1] =	stream.indirect.gather [hbm4b:s11+s17], $0x40, s0, s17, $0xb8;
	[tilespmem:$0x1C000] =	vst v63  }
0x3a: {  	_ = 	snop  }
0x3b: {  	[tilespmem:s18], [sflag:$0x1] =	stream.indirect.gather [hbm4b:s11+s17], $0x40, s17, s17, $0xb8;
	[tilespmem:$0x1C000] =	vst v63  }
0x3c: {  	_ = 	snop  }
0x3d: {  	[tilespmem:s20], [sflag:$0x1] =	stream.indirect.gather [hbm4b:s11+s17], $0x40, s19, s17, $0xb8;
	[tilespmem:$0x1C000] =	vst v63  }
0x3e: {  	_ = 	snop  }
0x3f: {  	[tilespmem:s22], [sflag:$0x1] =	stream.indirect.gather [hbm4b:s11+s17], $0x40, s21, s17, $0xb8;
	[tilespmem:$0x1C000] =	vst v63  }
0x40: {  	_ =	swait.ge [sflag:s23], $0x2000  }
0x41: {  	[sflag:s23] =	ssyncset.done $0x0  }
0x42: {  	[sflag:s23] =	ssyncadd.s32 $0xFFFFE000  }
0x43: {  	_ =	swait.ge [sflag:s23], $0x2000  }
0x44: {  	[sflag:s23] =	ssyncset.done $0x0  }
0x45: {  	s1 =	simm.s32 $0x5000;
	[sflag:s23] =	ssyncadd.s32 $0xFFFFE000  }
0x46: {  	[spmem:s2] =	stream.indirect.scatter.add.f32 [tilespmem:s16], [sflag:$0x2], $0x40, s1, s17, $0xb8;
	[tilespmem:$0x1C000] =	vst v63  }
0x47: {  	s1 =	simm.s32 $0x5080  }
0x48: {  	[spmem:s2] =	stream.indirect.scatter.add.f32 [tilespmem:s18], [sflag:$0x2], $0x40, s1, s17, $0xb8;
	[tilespmem:$0x1C000] =	vst v63  }
0x49: {  	_ =	swait.ge [sflag:s24], $0x2000  }
0x4a: {  	[sflag:s24] =	ssyncset.done $0x0  }
0x4b: {  	[sflag:s24] =	ssyncadd.s32 $0xFFFFE000  }
0x4c: {  	_ =	swait.ge [sflag:s24], $0x2000  }
0x4d: {  	[sflag:s24] =	ssyncset.done $0x0  }
0x4e: {  	s1 =	simm.s32 $0x200;
	[sflag:s24] =	ssyncadd.s32 $0xFFFFE000  }
0x4f: {  	[tilespmem:s16], [sflag:$0x1] =	stream.indirect.gather [hbm4b:s11+s17], $0x40, s1, s17, $0xb8;
	[tilespmem:$0x1C000] =	vst v63  }
0x50: {  	s1 =	simm.s32 $0x280  }
0x51: {  	[tilespmem:s18], [sflag:$0x1] =	stream.indirect.gather [hbm4b:s11+s17], $0x40, s1, s17, $0xb8;
	[tilespmem:$0x1C000] =	vst v63  }
0x52: {  	_ =	swait.ge [sflag:s23], $0x2000  }
0x53: {  	[sflag:s23] =	ssyncset.done $0x0  }
0x54: {  	[sflag:s23] =	ssyncadd.s32 $0xFFFFE000  }
0x55: {  	_ =	swait.ge [sflag:s23], $0x2000  }
0x56: {  	[sflag:s23] =	ssyncset.done $0x0  }
0x57: {  	s1 =	simm.s32 $0x5100;
	[sflag:s23] =	ssyncadd.s32 $0xFFFFE000  }
0x58: {  	[spmem:s2] =	stream.indirect.scatter.add.f32 [tilespmem:s20], [sflag:$0x2], $0x40, s1, s17, $0xb8;
	[tilespmem:$0x1C000] =	vst v63  }
0x59: {  	s1 =	simm.s32 $0x5180  }
0x5a: {  	[spmem:s2] =	stream.indirect.scatter.add.f32 [tilespmem:s22], [sflag:$0x2], $0x40, s1, s17, $0xb8;
	[tilespmem:$0x1C000] =	vst v63  }
0x5b: {  	_ =	swait.ge [sflag:s24], $0x2000  }
0x5c: {  	[sflag:s24] =	ssyncset.done $0x0  }
0x5d: {  	[sflag:s24] =	ssyncadd.s32 $0xFFFFE000  }
0x5e: {  	_ =	swait.ge [sflag:s24], $0x2000  }
0x5f: {  	[sflag:s24] =	ssyncset.done $0x0  }
0x60: {  	s1 =	simm.s32 $0x300;
	[sflag:s24] =	ssyncadd.s32 $0xFFFFE000  }
0x61: {  	[tilespmem:s20], [sflag:$0x1] =	stream.indirect.gather [hbm4b:s11+s17], $0x40, s1, s17, $0xb8;
	[tilespmem:$0x1C000] =	vst v63  }
0x62: {  	s31 =	simm.s32 $0x800;
	s1 =	simm.s32 $0x380  }
.LBB2_4:
0x63: {  	[tilespmem:s22], [sflag:$0x1] =	stream.indirect.gather [hbm4b:s11+s17], $0x40, s1, s17, $0xb8;
	[tilespmem:$0x1C000] =	vst v63  }
0x64: {  	s0 =	smov.u32 s31  }
0x65: {  	p0 =	sne.s32 s31, $0x13000;
	s31 =	sadd.s32 $0x800, s31;
	_ =	swait.ge [sflag:s23], $0x2000  }
0x66: {  	[sflag:s23] =	ssyncset.done $0x0  }
0x67: {  	[sflag:s23] =	ssyncadd.s32 $0xFFFFE000  }
0x68: {  	_ =	swait.ge [sflag:s23], $0x2000  }
0x69: {  	s1 =	sshra.s32 s0, $0x2;
	[sflag:s23] =	ssyncset.done $0x0  }
0x6a: {  	s0 =	sadd.s32 $0x5000, s1;
	[sflag:s23] =	ssyncadd.s32 $0xFFFFE000  }
0x6b: {  	[spmem:s2] =	stream.indirect.scatter.add.f32 [tilespmem:s16], [sflag:$0x2], $0x40, s0, s17, $0xb8;
	[tilespmem:$0x1C000] =	vst v63  }
0x6c: {  	s0 =	sadd.s32 $0x5080, s1  }
0x6d: {  	[spmem:s2] =	stream.indirect.scatter.add.f32 [tilespmem:s18], [sflag:$0x2], $0x40, s0, s17, $0xb8;
	[tilespmem:$0x1C000] =	vst v63  }
0x6e: {  	_ =	swait.ge [sflag:s24], $0x2000  }
0x6f: {  	[sflag:s24] =	ssyncset.done $0x0  }
0x70: {  	[sflag:s24] =	ssyncadd.s32 $0xFFFFE000  }
0x71: {  	_ =	swait.ge [sflag:s24], $0x2000  }
0x72: {  	[sflag:s24] =	ssyncset.done $0x0  }
0x73: {  	s0 =	sadd.s32 $0x200, s1;
	[sflag:s24] =	ssyncadd.s32 $0xFFFFE000  }
0x74: {  	[tilespmem:s16], [sflag:$0x1] =	stream.indirect.gather [hbm4b:s11+s17], $0x40, s0, s17, $0xb8;
	[tilespmem:$0x1C000] =	vst v63  }
0x75: {  	s0 =	sadd.s32 $0x280, s1  }
0x76: {  	[tilespmem:s18], [sflag:$0x1] =	stream.indirect.gather [hbm4b:s11+s17], $0x40, s0, s17, $0xb8;
	[tilespmem:$0x1C000] =	vst v63  }
0x77: {  	_ =	swait.ge [sflag:s23], $0x2000  }
0x78: {  	[sflag:s23] =	ssyncset.done $0x0  }
0x79: {  	[sflag:s23] =	ssyncadd.s32 $0xFFFFE000  }
0x7a: {  	_ =	swait.ge [sflag:s23], $0x2000  }
0x7b: {  	[sflag:s23] =	ssyncset.done $0x0  }
0x7c: {  	s0 =	sadd.s32 $0x5100, s1;
	[sflag:s23] =	ssyncadd.s32 $0xFFFFE000  }
0x7d: {  	[spmem:s2] =	stream.indirect.scatter.add.f32 [tilespmem:s20], [sflag:$0x2], $0x40, s0, s17, $0xb8;
	[tilespmem:$0x1C000] =	vst v63  }
0x7e: {  	s0 =	sadd.s32 $0x5180, s1  }
0x7f: {  	[spmem:s2] =	stream.indirect.scatter.add.f32 [tilespmem:s22], [sflag:$0x2], $0x40, s0, s17, $0xb8;
	[tilespmem:$0x1C000] =	vst v63  }
0x80: {  	_ =	swait.ge [sflag:s24], $0x2000  }
0x81: {  	[sflag:s24] =	ssyncset.done $0x0  }
0x82: {  	[sflag:s24] =	ssyncadd.s32 $0xFFFFE000  }
.Ltmp1:
0x83: {  	_ =	swait.ge [sflag:s24], $0x2000;
	(pc) =	sbr.rel @p0 .LBB2_4-.Ltmp1, $4  }
0x84: {  	[sflag:s24] =	ssyncset.done $0x0  }
0x85: {  	s0 =	sadd.s32 $0x300, s1;
	[sflag:s24] =	ssyncadd.s32 $0xFFFFE000  }
0x86: {  	[tilespmem:s20], [sflag:$0x1] =	stream.indirect.gather [hbm4b:s11+s17], $0x40, s0, s17, $0xb8;
	[tilespmem:$0x1C000] =	vst v63  }
0x87: {  	s1 =	sadd.s32 $0x380, s1  }
0x88: {  	[tilespmem:s22], [sflag:$0x1] =	stream.indirect.gather [hbm4b:s11+s17], $0x40, s1, s17, $0xb8;
	[tilespmem:$0x1C000] =	vst v63  }
0x89: {  	_ =	swait.ge [sflag:s23], $0x2000  }
0x8a: {  	[sflag:s23] =	ssyncset.done $0x0  }
0x8b: {  	[sflag:s23] =	ssyncadd.s32 $0xFFFFE000  }
0x8c: {  	_ =	swait.ge [sflag:s23], $0x2000  }
0x8d: {  	[sflag:s23] =	ssyncset.done $0x0  }
0x8e: {  	[sflag:s23] =	ssyncadd.s32 $0xFFFFE000  }
0x8f: {  	[spmem:s2] =	stream.indirect.scatter.add.f32 [tilespmem:s16], [sflag:$0x2], $0x40, s25, s17, $0xb8;
	[tilespmem:$0x1C000] =	vst v63  }
0x90: {  	_ = 	snop  }
0x91: {  	[spmem:s2] =	stream.indirect.scatter.add.f32 [tilespmem:s18], [sflag:$0x2], $0x40, s26, s17, $0xb8;
	[tilespmem:$0x1C000] =	vst v63  }
0x92: {  	_ =	swait.ge [sflag:s24], $0x2000  }
0x93: {  	[sflag:s24] =	ssyncset.done $0x0  }
0x94: {  	[sflag:s24] =	ssyncadd.s32 $0xFFFFE000  }
0x95: {  	_ =	swait.ge [sflag:s24], $0x2000  }
0x96: {  	[sflag:s24] =	ssyncset.done $0x0  }
0x97: {  	[sflag:s24] =	ssyncadd.s32 $0xFFFFE000  }
0x98: {  	_ =	swait.ge [sflag:s23], $0x2000  }
0x99: {  	[sflag:s23] =	ssyncset.done $0x0  }
0x9a: {  	[sflag:s23] =	ssyncadd.s32 $0xFFFFE000  }
0x9b: {  	_ =	swait.ge [sflag:s23], $0x2000  }
0x9c: {  	[sflag:s23] =	ssyncset.done $0x0  }
0x9d: {  	[sflag:s23] =	ssyncadd.s32 $0xFFFFE000  }
0x9e: {  	[spmem:s2] =	stream.indirect.scatter.add.f32 [tilespmem:s20], [sflag:$0x2], $0x40, s28, s17, $0xb8;
	[tilespmem:$0x1C000] =	vst v63  }
0x9f: {  	_ = 	snop  }
0xa0: {  	[spmem:s2] =	stream.indirect.scatter.add.f32 [tilespmem:s22], [sflag:$0x2], $0x40, s29, s17, $0xb8;
	[tilespmem:$0x1C000] =	vst v63  }
0xa1: {  	_ =	swait.ge [sflag:s24], $0x2000  }
0xa2: {  	[sflag:s24] =	ssyncset.done $0x0  }
0xa3: {  	[sflag:s24] =	ssyncadd.s32 $0xFFFFE000  }
0xa4: {  	s0 =	stileid.u32;
	_ =	swait.ge [sflag:s24], $0x2000  }
0xa5: {  	s31 =	sshrl.u32 s6, $0x3;
	s30 =	sadd.s32 $0x1, s30;
	[sflag:s24] =	ssyncset.done $0x0  }
0xa6: {  	s0 =	sshll.u32 s0, $0x6;
	p0 =	sne.s32 s30, s13;
	[sflag:s24] =	ssyncadd.s32 $0xFFFFE000  }
.Ltmp2:
0xa7: {  	s0 =	sor.u32 $0x1C03, s0;
	[bflag:$0x0] =	sbarrier.arrive $0xFFFF;
	(pc) =	sbr.rel @p0 .LBB2_1-.Ltmp2, $4  }
0xa8: {  	[hbm:s12], [sflag:s0] =	dma.local [spmem:s31], $0x1400  }
0xa9: {  	_ =	swait.ge [sflag:s14], $0x1400  }
0xaa: {  	[sflag:s14] =	ssyncset.done $0x0  }
0xab: {  	[sflag:s14] =	ssyncadd.s32 $0xFFFFEC00  }
0xac: {  	_ =	sfence.sel $0x180000  }
0xad: {  	[bflag:$0x0] =	sbarrier.arrive $0xFFFF  }
0xae: {  	_ =	strace $0x9000004A  }
0xaf: {  	s0 =	stileid.u32;
	[bflag:$0x2] =	sbarrier.arrive $0xFFFF  }
0xb0: {  	p0 =	sne.s32 s0, $0x0;
	s0 =	rddreg [dreg:$0x3]  }
0xb1: {  	s0 =	sadd.s32 @!p0 $0x100000, s0  }
0xb2: {  	[sflag:s0] =	ssyncadd.tile.s32 @!p0 $0x1;
	_ =	shalt  }
.Lfunc_end2:
_tile_overlayer_lowered:
.L_overlay_start_2:
0xb3: {  	(tag) =	ssettag $0x2  }
0xb4: {  	s0 =	rddreg [dreg:$0x0];
	s2 =	stileid.u32  }
0xb5: {  	s1 =	rddreg [dreg:$0x1];
	p0 =	sne.s32 s2, $0x0  }
0xb6: {  	s3 =	rddreg [dreg:$0x2];
	[bflag:$0x3] =	sbarrier.arrive $0xFFFF;
	s2 =	simm.s32 @!p0 $0x1C03  }
0xb7: {  	[timem:s3], [sflag:s2] =	dma.local @!p0 [hbm:s0], s1  }
0xb8: {  	s0 =	simm.s32 @!p0 $0x3  }
0xb9: {  	_ =	swait.ge @!p0 [sflag:s0], s1  }
0xba: {  	s1 =	ssub.s32 @!p0 $0x0, s1;
	[sflag:s0] =	ssyncset.done @!p0 $0x0  }
0xbb: {  	[sflag:s0] =	ssyncadd.s32 @!p0 s1  }
0xbc: {  	[bflag:$0x3] =	sbarrier.arrive $0xFFFF  }
0xbd: {  	_ =	shalt  }

</sc_bundles>
